<compile_context>
chip_gen: v7x
topology: tpu7x:2x2x1
jax: 0.10.2.dev20260603
libtpu: 0.0.44.dev20260713+nightly
codegen_flags: <defaults>
</compile_context>

<pallas_src>
import functools

import jax
import jax.numpy as jnp
from jax import lax
from jax.experimental import pallas as pl
from jax.experimental.pallas import tpu as pltpu
from jax.experimental.pallas import tpu_sc as plsc

N_TOK = 4096
NH = 2048
D = 1024
E = 6
NC = 1000
BT = 512
CH = 512
NPH = 2 * NH
NCHUNK = NPH // CH
BE = 512
HS_H = NPH + E * BE
NW = 32
PW = NPH // NW
TW = NH // NW
NEG = -1e30


def _mesh():
    return plsc.VectorSubcoreMesh(
        core_axis_name="c", subcore_axis_name="s",
        num_cores=2, num_subcores=16)



def _dense_gate_body(x_ref, w1_ref, w2_ref, wg_ref, b1_ref, b2_ref,
                     h2_ref, pinfo_ref):
    f32 = jnp.float32
    h1 = jnp.dot(x_ref[...], w1_ref[...], preferred_element_type=f32)
    h1 = jnp.maximum(h1 + b1_ref[...], 0.0).astype(jnp.bfloat16)
    h2 = jnp.dot(h1, w2_ref[...], preferred_element_type=f32)
    h2 = jnp.maximum(h2 + b2_ref[...], 0.0)
    h2_ref[...] = h2
    gl = jnp.dot(h2, wg_ref[...], preferred_element_type=f32)
    lane = jax.lax.broadcasted_iota(jnp.int32, gl.shape, 1)
    gl = jnp.where(lane < E, gl, NEG)
    m1 = jnp.max(gl, axis=-1, keepdims=True)
    i1 = jnp.min(jnp.where(gl == m1, lane, 127), axis=-1, keepdims=True)
    gl2 = jnp.where(lane == i1, NEG, gl)
    m2 = jnp.max(gl2, axis=-1, keepdims=True)
    i2 = jnp.min(jnp.where(gl2 == m2, lane, 127), axis=-1, keepdims=True)
    s = jnp.sum(jnp.exp(gl - m1), axis=-1, keepdims=True)
    v1 = 1.0 / s
    v2 = jnp.exp(m2 - m1) / s
    denom = v1 + v2 + 1e-9
    w1w = v1 / denom
    w2w = v2 / denom
    li = lane[: x_ref.shape[0], :]
    pinfo = jnp.where(li == 0, i1.astype(f32),
            jnp.where(li == 1, i2.astype(f32),
            jnp.where(li == 2, w1w,
            jnp.where(li == 3, w2w, 0.0))))
    pinfo_ref[...] = pinfo



def _sort_body(pinfo_ref, dest_ref, pocnt_ref, excl_s, tot_s, po_s):
    f32 = jnp.float32
    ph = pl.program_id(0)
    j = pl.program_id(1)
    blk = pinfo_ref[...]
    ec = jnp.where(j < NCHUNK // 2, blk[:, 0:1], blk[:, 1:2]).astype(jnp.int32)
    lanei = jax.lax.broadcasted_iota(jnp.int32, (CH, 128), 1)
    oh32 = (ec == lanei).astype(f32)

    @pl.when((ph == 0) & (j == 0))
    def _():
        tot_s[...] = jnp.zeros_like(tot_s)

    @pl.when(ph == 0)
    def _():
        excl_s[pl.ds(j, 1), :] = tot_s[...]
        tot_s[...] = tot_s[...] + jnp.sum(oh32, axis=0, keepdims=True)

    @pl.when((ph == 1) & (j == 0))
    def _():
        tot = tot_s[...]
        padc = jnp.floor((tot + (BE - 1.0)) * (1.0 / BE)) * BE
        li = jax.lax.broadcasted_iota(jnp.int32, (128, 128), 0)
        lj = jax.lax.broadcasted_iota(jnp.int32, (128, 128), 1)
        t128 = (li < lj).astype(f32)
        po_s[...] = jnp.dot(padc, t128, preferred_element_type=f32)
        pocnt_ref[0:1, :] = po_s[...].astype(jnp.int32)
        pocnt_ref[1:2, :] = tot.astype(jnp.int32)

    @pl.when(ph == 1)
    def _():
        ti = jax.lax.broadcasted_iota(jnp.int32, (CH, CH), 0)
        tj = jax.lax.broadcasted_iota(jnp.int32, (CH, CH), 1)
        tril = (tj < ti).astype(jnp.bfloat16)
        rank = jnp.dot(tril, oh32.astype(jnp.bfloat16),
                       preferred_element_type=f32)
        base = po_s[...] + excl_s[pl.ds(j, 1), :]
        destf = jnp.sum(oh32 * (rank + base), axis=1, keepdims=True)
        dest_ref[...] = destf.astype(jnp.int32).reshape(1, 4, 128)



@functools.cache
def _make_sc_dispatch():
    @functools.partial(
        pl.kernel,
        out_type=jax.ShapeDtypeStruct((HS_H, D), jnp.float32),
        mesh=_mesh(),
        scratch_types=[
            pltpu.VMEM((4, 32), jnp.int32),
            pltpu.VMEM((32, D), jnp.float32),
            pltpu.VMEM((32, D), jnp.float32),
            pltpu.SemaphoreType.DMA,
            pltpu.SemaphoreType.DMA,
        ],
    )
    def _sc_dispatch(h2, dest4, hs, idx_v, buf0, buf1, rsem, ssem):
        wid = lax.axis_index("s") * 2 + lax.axis_index("c")
        pltpu.sync_copy(dest4.at[wid], idx_v)
        row0 = (wid * PW) % NH
        bufs = (buf0, buf1)
        reads = [None] * 4
        scats = [None] * 4
        for s in range(2):
            reads[s] = pltpu.async_copy(
                h2.at[pl.ds(row0 + s * 32, 32)], bufs[s], rsem)
        for s in range(4):
            reads[s].wait()
            scats[s] = pltpu.async_copy(bufs[s % 2], hs.at[idx_v.at[s]], ssem)
            if s + 2 < 4:
                scats[s].wait()
                reads[s + 2] = pltpu.async_copy(
                    h2.at[pl.ds(row0 + (s + 2) * 32, 32)], bufs[s % 2], rsem)
        scats[2].wait()
        scats[3].wait()

    return _sc_dispatch



def _expert_body(scal_ref, hs_ref, we_ref, be_ref, y_ref):
    lo = pl.program_id(0) * BE
    xb = hs_ref[...].astype(jnp.bfloat16)
    for e in range(E):
        @pl.when((scal_ref[e] <= lo) & (lo < scal_ref[e] + scal_ref[8 + e]))
        def _():
            y_ref[...] = (jnp.dot(xb, we_ref[e],
                                  preferred_element_type=jnp.float32)
                          + be_ref[e][None, :])



@functools.cache
def _make_sc_combine():
    @functools.partial(
        pl.kernel,
        out_type=(jax.ShapeDtypeStruct((NH, D), jnp.float32),
                  jax.ShapeDtypeStruct((NH, D), jnp.float32)),
        mesh=_mesh(),
        scratch_types=[
            pltpu.VMEM((2, 32), jnp.int32),
            pltpu.VMEM((32, D), jnp.float32),
            pltpu.VMEM((32, D), jnp.float32),
            pltpu.SemaphoreType.DMA,
            pltpu.SemaphoreType.DMA,
        ],
    )
    def _sc_combine(y, s14, s24, ys1, ys2, idx_v, buf0, buf1, gsem, wsem):
        wid = lax.axis_index("s") * 2 + lax.axis_index("c")
        tb = wid * TW
        bufs = (buf0, buf1)
        for sref, oref in ((s14, ys1), (s24, ys2)):
            pltpu.sync_copy(sref.at[wid], idx_v)
            g0 = pltpu.async_copy(y.at[idx_v.at[0]], bufs[0], gsem)
            g1 = pltpu.async_copy(y.at[idx_v.at[1]], bufs[1], gsem)
            g0.wait()
            w0 = pltpu.async_copy(bufs[0], oref.at[pl.ds(tb, 32)], wsem)
            g1.wait()
            w1 = pltpu.async_copy(bufs[1], oref.at[pl.ds(tb + 32, 32)], wsem)
            w0.wait()
            w1.wait()

    return _sc_combine



def _final_body(ys1_ref, ys2_ref, pinfo_ref, wp_ref, bp_ref, out_ref):
    f32 = jnp.float32
    w1w = pinfo_ref[:, 2:3]
    w2w = pinfo_ref[:, 3:4]
    hm = (w1w * ys1_ref[...] + w2w * ys2_ref[...]).astype(jnp.bfloat16)
    logits = jnp.dot(hm, wp_ref[...], preferred_element_type=f32) + bp_ref[...]
    m = jnp.max(logits, axis=-1, keepdims=True)
    lse = jnp.log(jnp.sum(jnp.exp(logits - m), axis=-1, keepdims=True))
    out_ref[...] = logits - m - lse


def _half(xh, w1b, w2b, wgp, b1r, b2r, web, be, wpp, bpp):
    f32 = jnp.float32
    bf16 = jnp.bfloat16
    i32 = jnp.int32
    full = lambda s: pl.BlockSpec(s, lambda i: tuple(0 for _ in s))

    h2, pinfo = pl.pallas_call(
        _dense_gate_body,
        grid=(NH // BT,),
        in_specs=[
            pl.BlockSpec((BT, D), lambda i: (i, 0)),
            full((D, D)), full((D, D)), full((D, 128)),
            full((1, D)), full((1, D)),
        ],
        out_specs=[pl.BlockSpec((BT, D), lambda i: (i, 0)),
                   pl.BlockSpec((BT, 128), lambda i: (i, 0))],
        out_shape=[jax.ShapeDtypeStruct((NH, D), f32),
                   jax.ShapeDtypeStruct((NH, 128), f32)],
        compiler_params=pltpu.CompilerParams(
            dimension_semantics=("arbitrary",)),
    )(xh, w1b, w2b, wgp, b1r, b2r)

    dest, pocnt = pl.pallas_call(
        _sort_body,
        grid=(2, NCHUNK),
        in_specs=[pl.BlockSpec(
            (CH, 128), lambda i, j: (lax.rem(j, NCHUNK // 2), 0))],
        out_specs=[pl.BlockSpec((1, 4, 128), lambda i, j: (i * j, 0, 0)),
                   pl.BlockSpec((8, 128), lambda i, j: (0, 0))],
        out_shape=[jax.ShapeDtypeStruct((NCHUNK, 4, 128), i32),
                   jax.ShapeDtypeStruct((8, 128), i32)],
        scratch_shapes=[pltpu.VMEM((NCHUNK, 128), f32),
                        pltpu.VMEM((1, 128), f32),
                        pltpu.VMEM((1, 128), f32)],
        compiler_params=pltpu.CompilerParams(
            dimension_semantics=("arbitrary", "arbitrary")),
    )(pinfo)

    dcol = dest.reshape(NPH)
    dest4 = dcol.reshape(NW, 4, 32)
    s14 = dcol[:NH].reshape(NW, 2, 32)
    s24 = dcol[NH:].reshape(NW, 2, 32)
    scal = jnp.concatenate([pocnt[0, :6], jnp.zeros((2,), i32),
                            pocnt[1, :6], jnp.zeros((2,), i32)])

    hs = _make_sc_dispatch()(h2, dest4)

    y = pl.pallas_call(
        _expert_body,
        grid_spec=pltpu.PrefetchScalarGridSpec(
            num_scalar_prefetch=1,
            grid=(HS_H // BE,),
            in_specs=[
                pl.BlockSpec((BE, D), lambda g, s: (g, 0)),
                pl.BlockSpec((E, D, D), lambda g, s: (0, 0, 0)),
                pl.BlockSpec((E, D), lambda g, s: (0, 0)),
            ],
            out_specs=pl.BlockSpec((BE, D), lambda g, s: (g, 0)),
        ),
        out_shape=jax.ShapeDtypeStruct((HS_H, D), f32),
        compiler_params=pltpu.CompilerParams(
            dimension_semantics=("arbitrary",)),
    )(scal, hs, web, be)

    ys1, ys2 = _make_sc_combine()(y, s14, s24)

    out = pl.pallas_call(
        _final_body,
        grid=(NH // BT,),
        in_specs=[
            pl.BlockSpec((BT, D), lambda i: (i, 0)),
            pl.BlockSpec((BT, D), lambda i: (i, 0)),
            pl.BlockSpec((BT, 128), lambda i: (i, 0)),
            full((D, 1024)), full((1, 1024)),
        ],
        out_specs=pl.BlockSpec((BT, 1024), lambda i: (i, 0)),
        out_shape=jax.ShapeDtypeStruct((NH, 1024), f32),
        compiler_params=pltpu.CompilerParams(
            dimension_semantics=("arbitrary",)),
    )(ys1, ys2, pinfo, wpp, bpp)
    return out


@jax.jit
def kernel(x, W1, b1, W2, b2, Wg, We, be, Wp, bp):
    f32 = jnp.float32
    bf16 = jnp.bfloat16
    xf = x.reshape(N_TOK, D).astype(bf16)
    wg_pad = jnp.zeros((D, 128), f32).at[:, :E].set(Wg)
    wp_pad = jnp.zeros((D, 1024), bf16).at[:, :NC].set(Wp.astype(bf16))
    bp_pad = jnp.full((1, 1024), NEG, f32).at[0, :NC].set(bp)
    w1b = W1.astype(bf16)
    w2b = W2.astype(bf16)
    web = We.astype(bf16)
    b1r = b1.reshape(1, D)
    b2r = b2.reshape(1, D)

    outs = [
        _half(xf[h * NH:(h + 1) * NH], w1b, w2b, wg_pad, b1r, b2r,
              web, be, wp_pad, bp_pad)
        for h in range(2)
    ]
    out = jnp.concatenate(outs, axis=0)
    return out[:, :NC]

# --- scband reference (transcript-rebuilt; emitter-appended) ---
"""Pipeline reference for scband-deep-speed-moe-with-jitter-3126736191797 (READ-ONLY COPY).

The authoritative reference and input builder live on the scoring server;
editing this copy changes nothing except your own understanding.
"""

import jax, jax.numpy as jnp
import numpy as np

N_TOK = 4096
D = 1024
E = 6
TOPK = 2
NC = 1000


def setup_inputs(seed: int = 0) -> dict:
    key = jax.random.key(seed)
    ks = jax.random.split(key, 12)
    x = jax.random.normal(ks[0], (N_TOK, 1, 32, 32), dtype=jnp.float32)
    # block_1 params (Linear stored as [in, out])
    W1 = jax.random.normal(ks[1], (D, D), dtype=jnp.float32) * 0.02
    b1 = jnp.zeros((D,), dtype=jnp.float32)
    W2 = jax.random.normal(ks[2], (D, D), dtype=jnp.float32) * 0.02
    b2 = jnp.zeros((D,), dtype=jnp.float32)
    # MoE gate and experts
    Wg = jax.random.normal(ks[3], (D, E), dtype=jnp.float32) * 0.02
    We = jax.random.normal(ks[4], (E, D, D), dtype=jnp.float32) * 0.02
    be = jnp.zeros((E, D), dtype=jnp.float32)
    # post_moe
    Wp = jax.random.normal(ks[5], (D, NC), dtype=jnp.float32) * 0.02
    bp = jnp.zeros((NC,), dtype=jnp.float32)
    return {"x": x, "W1": W1, "b1": b1, "W2": W2, "b2": b2,
            "Wg": Wg, "We": We, "be": be, "Wp": Wp, "bp": bp}


def _moe_top2(h, Wg, We, be):
    # DeepSpeed top-2 gating (eval mode: no jitter noise, no capacity dropping
    # since min_capacity=0 and we keep all tokens).
    logits = h @ Wg                      # [N, E]
    gates = jax.nn.softmax(logits, axis=-1)
    top_vals, top_idx = jax.lax.top_k(gates, TOPK)   # [N, 2]
    denom = jnp.sum(top_vals, axis=-1, keepdims=True) + 1e-9
    top_w = top_vals / denom             # normalized top-2 gate weights
    # scatter top-2 weights back to dense [N, E] combine weights
    comb_w = jnp.sum(jax.nn.one_hot(top_idx, E, dtype=h.dtype) * top_w[:, :, None], axis=1)  # [N, E]
    # compute all experts densely, combine with gate weights (math-equivalent
    # to dispatch/combine without capacity drops)
    expert_out = jnp.einsum('nd,edf->nef', h, We) + be[None, :, :]   # [N, E, D]
    out = jnp.einsum('ne,ned->nd', comb_w, expert_out)               # [N, D]
    return out


def reference(x, W1, b1, W2, b2, Wg, We, be, Wp, bp):
    # block_1: Flatten -> Linear -> ReLU -> (Dropout eval) -> Linear -> ReLU -> (Dropout eval)
    h = x.reshape(x.shape[0], -1)
    h = jax.nn.relu(h @ W1 + b1)
    h = jax.nn.relu(h @ W2 + b2)
    # MoE layer (top-2, 6 experts)
    h = _moe_top2(h, Wg, We, be)
    # post_moe: Linear -> LogSoftmax
    logits = h @ Wp + bp
    return jax.nn.log_softmax(logits, axis=1)

if __name__ == "__main__":
    import jax
    _d = setup_inputs()
    print(jax.jit(kernel)(*tuple(_d.values())))

</pallas_src>

<mosaic_0001>
#map = affine_map<(d0, d1) -> (0, 0)>
#map1 = affine_map<(d0, d1) -> (0, 0, 0)>
module attributes {stable_mosaic.version = 14 : i64} {
  func.func @_sc_dispatch(%arg0: i32, %arg1: i32, %arg2: memref<2048x1024xf32, #tpu.memory_space<hbm>>, %arg3: memref<32x4x32xi32, #tpu.memory_space<hbm>>, %arg4: memref<7168x1024xf32, #tpu.memory_space<hbm>>, %arg5: memref<4x32xi32, #tpu.memory_space<vmem>>, %arg6: memref<32x1024xf32, #tpu.memory_space<vmem>>, %arg7: memref<32x1024xf32, #tpu.memory_space<vmem>>, %arg8: memref<!tpu.dma_semaphore, #tpu.memory_space<semaphore_mem>>, %arg9: memref<!tpu.dma_semaphore, #tpu.memory_space<semaphore_mem>>) attributes {dimension_semantics = [#tpu.dimension_semantics<core_parallel>, #tpu.dimension_semantics<subcore_parallel>], iteration_bounds = array<i64: 2, 16>, scalar_prefetch = 0 : i64, scratch_operands = 5 : i64, tpu.core_type = #tpu.core_type<sc_vector_subcore>, window_params = [{transform_indices = #map}, {transform_indices = #map1}, {transform_indices = #map}]} {
    %mul3A = arith.constant 2 : i32
    %mul3A_0 = arith.muli %arg1, %mul3A : i32
    %add3A = arith.addi %mul3A_0, %arg0 : i32
    "tpu.region"() ({
      %run_scoped3A = tpu.sem_alloc : memref<!tpu.dma_semaphore, #tpu.memory_space<semaphore_mem>>
      %dma_start3A_106 = arith.constant 0 : i32
      %dma_start3A_107 = arith.constant 0 : i32
      %dma_start3A_108 = tpu.memref_slice %arg3[%add3A, %dma_start3A_106, %dma_start3A_107] : memref<32x4x32xi32, #tpu.memory_space<hbm>> -> memref<1x4x32xi32, #tpu.memory_space<hbm>>
      %dma_start3A_109 = tpu.memref_squeeze %dma_start3A_108 : memref<1x4x32xi32, #tpu.memory_space<hbm>> -> memref<4x32xi32, #tpu.memory_space<hbm>>
      %dma_start3A_110 = arith.constant 0 : i32
      %dma_start3A_111 = arith.constant 0 : i32
      %dma_start3A_112 = tpu.memref_slice %arg3[%add3A, %dma_start3A_110, %dma_start3A_111] : memref<32x4x32xi32, #tpu.memory_space<hbm>> -> memref<1x4x32xi32, #tpu.memory_space<hbm>>
      %dma_start3A_113 = tpu.memref_squeeze %dma_start3A_112 : memref<1x4x32xi32, #tpu.memory_space<hbm>> -> memref<4x32xi32, #tpu.memory_space<hbm>>
      tpu.enqueue_dma source(%dma_start3A_113 : memref<4x32xi32, #tpu.memory_space<hbm>>) target(%arg5 : memref<4x32xi32, #tpu.memory_space<vmem>>) target_semaphore(%run_scoped3A : memref<!tpu.dma_semaphore, #tpu.memory_space<semaphore_mem>>)
      %dma_wait3A_114 = arith.constant 0 : i32
      %dma_wait3A_115 = arith.constant 0 : i32
      %dma_wait3A_116 = tpu.memref_slice %arg3[%add3A, %dma_wait3A_114, %dma_wait3A_115] : memref<32x4x32xi32, #tpu.memory_space<hbm>> -> memref<1x4x32xi32, #tpu.memory_space<hbm>>
      %dma_wait3A_117 = tpu.memref_squeeze %dma_wait3A_116 : memref<1x4x32xi32, #tpu.memory_space<hbm>> -> memref<4x32xi32, #tpu.memory_space<hbm>>
      %dma_wait3A_118 = arith.constant 0 : i32
      %dma_wait3A_119 = arith.constant 0 : i32
      %dma_wait3A_120 = tpu.memref_slice %arg3[%add3A, %dma_wait3A_118, %dma_wait3A_119] : memref<32x4x32xi32, #tpu.memory_space<hbm>> -> memref<1x4x32xi32, #tpu.memory_space<hbm>>
      %dma_wait3A_121 = tpu.memref_squeeze %dma_wait3A_120 : memref<1x4x32xi32, #tpu.memory_space<hbm>> -> memref<4x32xi32, #tpu.memory_space<hbm>>
      tpu.wait_dma2 semaphore(%run_scoped3A : memref<!tpu.dma_semaphore, #tpu.memory_space<semaphore_mem>>) src(%dma_wait3A_121 : memref<4x32xi32, #tpu.memory_space<hbm>>) dst(%arg5 : memref<4x32xi32, #tpu.memory_space<vmem>>)
      tpu.yield
    }) : () -> ()
    %mul3A_1 = arith.constant 128 : i32
    %mul3A_2 = arith.muli %add3A, %mul3A_1 : i32
    %jit3A = arith.constant 2048 : i32
    %eq3A = arith.constant 0 : i32
    %eq3A_3 = arith.cmpi eq, %jit3A, %eq3A : i32
    %jit3A_4 = arith.constant 1 : i32
    %select_n3A = arith.select %eq3A_3, %jit3A_4, %jit3A : i32
    %rem3A = arith.remsi %mul3A_2, %select_n3A : i32
    %ne3A = arith.constant 0 : i32
    %ne3A_5 = arith.cmpi ne, %rem3A, %ne3A : i32
    %lt3A = arith.constant 0 : i32
    %lt3A_6 = arith.cmpi slt, %rem3A, %lt3A : i32
    %lt3A_7 = arith.constant 0 : i32
    %lt3A_8 = arith.cmpi slt, %select_n3A, %lt3A_7 : i32
    %ne3A_9 = arith.xori %lt3A_6, %lt3A_8 : i1
    %and3A = arith.andi %ne3A_9, %ne3A_5 : i1
    %add3A_10 = arith.addi %rem3A, %select_n3A : i32
    %select_n3A_11 = arith.select %and3A, %add3A_10, %rem3A : i32
    %add3A_12 = arith.constant 0 : i32
    %add3A_13 = arith.addi %select_n3A_11, %add3A_12 : i32
    %dma_start3A = arith.constant 0 : i32
    %dma_start3A_14 = tpu.memref_slice %arg2[%add3A_13, %dma_start3A] : memref<2048x1024xf32, #tpu.memory_space<hbm>> -> memref<32x1024xf32, #tpu.memory_space<hbm>>
    %dma_start3A_15 = arith.constant 0 : i32
    %dma_start3A_16 = tpu.memref_slice %arg2[%add3A_13, %dma_start3A_15] : memref<2048x1024xf32, #tpu.memory_space<hbm>> -> memref<32x1024xf32, #tpu.memory_space<hbm>>
    tpu.enqueue_dma source(%dma_start3A_16 : memref<32x1024xf32, #tpu.memory_space<hbm>>) target(%arg6 : memref<32x1024xf32, #tpu.memory_space<vmem>>) target_semaphore(%arg8 : memref<!tpu.dma_semaphore, #tpu.memory_space<semaphore_mem>>)
    %add3A_17 = arith.constant 32 : i32
    %add3A_18 = arith.addi %select_n3A_11, %add3A_17 : i32
    %dma_start3A_19 = arith.constant 0 : i32
    %dma_start3A_20 = tpu.memref_slice %arg2[%add3A_18, %dma_start3A_19] : memref<2048x1024xf32, #tpu.memory_space<hbm>> -> memref<32x1024xf32, #tpu.memory_space<hbm>>
    %dma_start3A_21 = arith.constant 0 : i32
    %dma_start3A_22 = tpu.memref_slice %arg2[%add3A_18, %dma_start3A_21] : memref<2048x1024xf32, #tpu.memory_space<hbm>> -> memref<32x1024xf32, #tpu.memory_space<hbm>>
    tpu.enqueue_dma source(%dma_start3A_22 : memref<32x1024xf32, #tpu.memory_space<hbm>>) target(%arg7 : memref<32x1024xf32, #tpu.memory_space<vmem>>) target_semaphore(%arg8 : memref<!tpu.dma_semaphore, #tpu.memory_space<semaphore_mem>>)
    %dma_wait3A = arith.constant 0 : i32
    %dma_wait3A_23 = tpu.memref_slice %arg2[%add3A_13, %dma_wait3A] : memref<2048x1024xf32, #tpu.memory_space<hbm>> -> memref<32x1024xf32, #tpu.memory_space<hbm>>
    %dma_wait3A_24 = arith.constant 0 : i32
    %dma_wait3A_25 = tpu.memref_slice %arg2[%add3A_13, %dma_wait3A_24] : memref<2048x1024xf32, #tpu.memory_space<hbm>> -> memref<32x1024xf32, #tpu.memory_space<hbm>>
    tpu.wait_dma2 semaphore(%arg8 : memref<!tpu.dma_semaphore, #tpu.memory_space<semaphore_mem>>) src(%dma_wait3A_25 : memref<32x1024xf32, #tpu.memory_space<hbm>>) dst(%arg6 : memref<32x1024xf32, #tpu.memory_space<vmem>>)
    %dma_start3A_26 = arith.constant 0 : i32
    %dma_start3A_27 = arith.constant 0 : i32
    %dma_start3A_28 = tpu.memref_slice %arg5[%dma_start3A_26, %dma_start3A_27] : memref<4x32xi32, #tpu.memory_space<vmem>> -> memref<1x32xi32, #tpu.memory_space<vmem>>
    %dma_start3A_29 = tpu.memref_squeeze %dma_start3A_28 : memref<1x32xi32, #tpu.memory_space<vmem>> -> memref<32xi32, #tpu.memory_space<vmem>>
    %dma_start3A_30 = arith.constant 0 : i32
    %dma_start3A_31 = arith.constant 0 : i32
    %dma_start3A_32 = tpu.memref_slice %arg4[%dma_start3A_30, %dma_start3A_31] : memref<7168x1024xf32, #tpu.memory_space<hbm>> -> memref<7168x1024xf32, #tpu.memory_space<hbm>>
    tpu.enqueue_indirect_dma source(%arg6 : memref<32x1024xf32, #tpu.memory_space<vmem>>) target(%dma_start3A_32 : memref<7168x1024xf32, #tpu.memory_space<hbm>>) offsets(%dma_start3A_29 : memref<32xi32, #tpu.memory_space<vmem>>) semaphore(%arg9 : memref<!tpu.dma_semaphore, #tpu.memory_space<semaphore_mem>>)
    %dma_wait3A_33 = arith.constant 0 : i32
    %dma_wait3A_34 = arith.constant 0 : i32
    %dma_wait3A_35 = tpu.memref_slice %arg5[%dma_wait3A_33, %dma_wait3A_34] : memref<4x32xi32, #tpu.memory_space<vmem>> -> memref<1x32xi32, #tpu.memory_space<vmem>>
    %dma_wait3A_36 = tpu.memref_squeeze %dma_wait3A_35 : memref<1x32xi32, #tpu.memory_space<vmem>> -> memref<32xi32, #tpu.memory_space<vmem>>
    %dma_wait3A_37 = arith.constant 0 : i32
    %dma_wait3A_38 = arith.constant 0 : i32
    %dma_wait3A_39 = tpu.memref_slice %arg4[%dma_wait3A_37, %dma_wait3A_38] : memref<7168x1024xf32, #tpu.memory_space<hbm>> -> memref<7168x1024xf32, #tpu.memory_space<hbm>>
    tpu.wait_indirect_dma semaphore(%arg9 : memref<!tpu.dma_semaphore, #tpu.memory_space<semaphore_mem>>) src(%arg6 : memref<32x1024xf32, #tpu.memory_space<vmem>>) dst(%dma_wait3A_39 : memref<7168x1024xf32, #tpu.memory_space<hbm>>)
    %add3A_40 = arith.constant 64 : i32
    %add3A_41 = arith.addi %select_n3A_11, %add3A_40 : i32
    %dma_start3A_42 = arith.constant 0 : i32
    %dma_start3A_43 = tpu.memref_slice %arg2[%add3A_41, %dma_start3A_42] : memref<2048x1024xf32, #tpu.memory_space<hbm>> -> memref<32x1024xf32, #tpu.memory_space<hbm>>
    %dma_start3A_44 = arith.constant 0 : i32
    %dma_start3A_45 = tpu.memref_slice %arg2[%add3A_41, %dma_start3A_44] : memref<2048x1024xf32, #tpu.memory_space<hbm>> -> memref<32x1024xf32, #tpu.memory_space<hbm>>
    tpu.enqueue_dma source(%dma_start3A_45 : memref<32x1024xf32, #tpu.memory_space<hbm>>) target(%arg6 : memref<32x1024xf32, #tpu.memory_space<vmem>>) target_semaphore(%arg8 : memref<!tpu.dma_semaphore, #tpu.memory_space<semaphore_mem>>)
    %dma_wait3A_46 = arith.constant 0 : i32
    %dma_wait3A_47 = tpu.memref_slice %arg2[%add3A_18, %dma_wait3A_46] : memref<2048x1024xf32, #tpu.memory_space<hbm>> -> memref<32x1024xf32, #tpu.memory_space<hbm>>
    %dma_wait3A_48 = arith.constant 0 : i32
    %dma_wait3A_49 = tpu.memref_slice %arg2[%add3A_18, %dma_wait3A_48] : memref<2048x1024xf32, #tpu.memory_space<hbm>> -> memref<32x1024xf32, #tpu.memory_space<hbm>>
    tpu.wait_dma2 semaphore(%arg8 : memref<!tpu.dma_semaphore, #tpu.memory_space<semaphore_mem>>) src(%dma_wait3A_49 : memref<32x1024xf32, #tpu.memory_space<hbm>>) dst(%arg7 : memref<32x1024xf32, #tpu.memory_space<vmem>>)
    %dma_start3A_50 = arith.constant 1 : i32
    %dma_start3A_51 = arith.constant 0 : i32
    %dma_start3A_52 = tpu.memref_slice %arg5[%dma_start3A_50, %dma_start3A_51] : memref<4x32xi32, #tpu.memory_space<vmem>> -> memref<1x32xi32, #tpu.memory_space<vmem>>
    %dma_start3A_53 = tpu.memref_squeeze %dma_start3A_52 : memref<1x32xi32, #tpu.memory_space<vmem>> -> memref<32xi32, #tpu.memory_space<vmem>>
    %dma_start3A_54 = arith.constant 0 : i32
    %dma_start3A_55 = arith.constant 0 : i32
    %dma_start3A_56 = tpu.memref_slice %arg4[%dma_start3A_54, %dma_start3A_55] : memref<7168x1024xf32, #tpu.memory_space<hbm>> -> memref<7168x1024xf32, #tpu.memory_space<hbm>>
    tpu.enqueue_indirect_dma source(%arg7 : memref<32x1024xf32, #tpu.memory_space<vmem>>) target(%dma_start3A_56 : memref<7168x1024xf32, #tpu.memory_space<hbm>>) offsets(%dma_start3A_53 : memref<32xi32, #tpu.memory_space<vmem>>) semaphore(%arg9 : memref<!tpu.dma_semaphore, #tpu.memory_space<semaphore_mem>>)
    %dma_wait3A_57 = arith.constant 1 : i32
    %dma_wait3A_58 = arith.constant 0 : i32
    %dma_wait3A_59 = tpu.memref_slice %arg5[%dma_wait3A_57, %dma_wait3A_58] : memref<4x32xi32, #tpu.memory_space<vmem>> -> memref<1x32xi32, #tpu.memory_space<vmem>>
    %dma_wait3A_60 = tpu.memref_squeeze %dma_wait3A_59 : memref<1x32xi32, #tpu.memory_space<vmem>> -> memref<32xi32, #tpu.memory_space<vmem>>
    %dma_wait3A_61 = arith.constant 0 : i32
    %dma_wait3A_62 = arith.constant 0 : i32
    %dma_wait3A_63 = tpu.memref_slice %arg4[%dma_wait3A_61, %dma_wait3A_62] : memref<7168x1024xf32, #tpu.memory_space<hbm>> -> memref<7168x1024xf32, #tpu.memory_space<hbm>>
    tpu.wait_indirect_dma semaphore(%arg9 : memref<!tpu.dma_semaphore, #tpu.memory_space<semaphore_mem>>) src(%arg7 : memref<32x1024xf32, #tpu.memory_space<vmem>>) dst(%dma_wait3A_63 : memref<7168x1024xf32, #tpu.memory_space<hbm>>)
    %add3A_64 = arith.constant 96 : i32
    %add3A_65 = arith.addi %select_n3A_11, %add3A_64 : i32
    %dma_start3A_66 = arith.constant 0 : i32
    %dma_start3A_67 = tpu.memref_slice %arg2[%add3A_65, %dma_start3A_66] : memref<2048x1024xf32, #tpu.memory_space<hbm>> -> memref<32x1024xf32, #tpu.memory_space<hbm>>
    %dma_start3A_68 = arith.constant 0 : i32
    %dma_start3A_69 = tpu.memref_slice %arg2[%add3A_65, %dma_start3A_68] : memref<2048x1024xf32, #tpu.memory_space<hbm>> -> memref<32x1024xf32, #tpu.memory_space<hbm>>
    tpu.enqueue_dma source(%dma_start3A_69 : memref<32x1024xf32, #tpu.memory_space<hbm>>) target(%arg7 : memref<32x1024xf32, #tpu.memory_space<vmem>>) target_semaphore(%arg8 : memref<!tpu.dma_semaphore, #tpu.memory_space<semaphore_mem>>)
    %dma_wait3A_70 = arith.constant 0 : i32
    %dma_wait3A_71 = tpu.memref_slice %arg2[%add3A_41, %dma_wait3A_70] : memref<2048x1024xf32, #tpu.memory_space<hbm>> -> memref<32x1024xf32, #tpu.memory_space<hbm>>
    %dma_wait3A_72 = arith.constant 0 : i32
    %dma_wait3A_73 = tpu.memref_slice %arg2[%add3A_41, %dma_wait3A_72] : memref<2048x1024xf32, #tpu.memory_space<hbm>> -> memref<32x1024xf32, #tpu.memory_space<hbm>>
    tpu.wait_dma2 semaphore(%arg8 : memref<!tpu.dma_semaphore, #tpu.memory_space<semaphore_mem>>) src(%dma_wait3A_73 : memref<32x1024xf32, #tpu.memory_space<hbm>>) dst(%arg6 : memref<32x1024xf32, #tpu.memory_space<vmem>>)
    %dma_start3A_74 = arith.constant 2 : i32
    %dma_start3A_75 = arith.constant 0 : i32
    %dma_start3A_76 = tpu.memref_slice %arg5[%dma_start3A_74, %dma_start3A_75] : memref<4x32xi32, #tpu.memory_space<vmem>> -> memref<1x32xi32, #tpu.memory_space<vmem>>
    %dma_start3A_77 = tpu.memref_squeeze %dma_start3A_76 : memref<1x32xi32, #tpu.memory_space<vmem>> -> memref<32xi32, #tpu.memory_space<vmem>>
    %dma_start3A_78 = arith.constant 0 : i32
    %dma_start3A_79 = arith.constant 0 : i32
    %dma_start3A_80 = tpu.memref_slice %arg4[%dma_start3A_78, %dma_start3A_79] : memref<7168x1024xf32, #tpu.memory_space<hbm>> -> memref<7168x1024xf32, #tpu.memory_space<hbm>>
    tpu.enqueue_indirect_dma source(%arg6 : memref<32x1024xf32, #tpu.memory_space<vmem>>) target(%dma_start3A_80 : memref<7168x1024xf32, #tpu.memory_space<hbm>>) offsets(%dma_start3A_77 : memref<32xi32, #tpu.memory_space<vmem>>) semaphore(%arg9 : memref<!tpu.dma_semaphore, #tpu.memory_space<semaphore_mem>>)
    %dma_wait3A_81 = arith.constant 0 : i32
    %dma_wait3A_82 = tpu.memref_slice %arg2[%add3A_65, %dma_wait3A_81] : memref<2048x1024xf32, #tpu.memory_space<hbm>> -> memref<32x1024xf32, #tpu.memory_space<hbm>>
    %dma_wait3A_83 = arith.constant 0 : i32
    %dma_wait3A_84 = tpu.memref_slice %arg2[%add3A_65, %dma_wait3A_83] : memref<2048x1024xf32, #tpu.memory_space<hbm>> -> memref<32x1024xf32, #tpu.memory_space<hbm>>
    tpu.wait_dma2 semaphore(%arg8 : memref<!tpu.dma_semaphore, #tpu.memory_space<semaphore_mem>>) src(%dma_wait3A_84 : memref<32x1024xf32, #tpu.memory_space<hbm>>) dst(%arg7 : memref<32x1024xf32, #tpu.memory_space<vmem>>)
    %dma_start3A_85 = arith.constant 3 : i32
    %dma_start3A_86 = arith.constant 0 : i32
    %dma_start3A_87 = tpu.memref_slice %arg5[%dma_start3A_85, %dma_start3A_86] : memref<4x32xi32, #tpu.memory_space<vmem>> -> memref<1x32xi32, #tpu.memory_space<vmem>>
    %dma_start3A_88 = tpu.memref_squeeze %dma_start3A_87 : memref<1x32xi32, #tpu.memory_space<vmem>> -> memref<32xi32, #tpu.memory_space<vmem>>
    %dma_start3A_89 = arith.constant 0 : i32
    %dma_start3A_90 = arith.constant 0 : i32
    %dma_start3A_91 = tpu.memref_slice %arg4[%dma_start3A_89, %dma_start3A_90] : memref<7168x1024xf32, #tpu.memory_space<hbm>> -> memref<7168x1024xf32, #tpu.memory_space<hbm>>
    tpu.enqueue_indirect_dma source(%arg7 : memref<32x1024xf32, #tpu.memory_space<vmem>>) target(%dma_start3A_91 : memref<7168x1024xf32, #tpu.memory_space<hbm>>) offsets(%dma_start3A_88 : memref<32xi32, #tpu.memory_space<vmem>>) semaphore(%arg9 : memref<!tpu.dma_semaphore, #tpu.memory_space<semaphore_mem>>)
    %dma_wait3A_92 = arith.constant 2 : i32
    %dma_wait3A_93 = arith.constant 0 : i32
    %dma_wait3A_94 = tpu.memref_slice %arg5[%dma_wait3A_92, %dma_wait3A_93] : memref<4x32xi32, #tpu.memory_space<vmem>> -> memref<1x32xi32, #tpu.memory_space<vmem>>
    %dma_wait3A_95 = tpu.memref_squeeze %dma_wait3A_94 : memref<1x32xi32, #tpu.memory_space<vmem>> -> memref<32xi32, #tpu.memory_space<vmem>>
    %dma_wait3A_96 = arith.constant 0 : i32
    %dma_wait3A_97 = arith.constant 0 : i32
    %dma_wait3A_98 = tpu.memref_slice %arg4[%dma_wait3A_96, %dma_wait3A_97] : memref<7168x1024xf32, #tpu.memory_space<hbm>> -> memref<7168x1024xf32, #tpu.memory_space<hbm>>
    tpu.wait_indirect_dma semaphore(%arg9 : memref<!tpu.dma_semaphore, #tpu.memory_space<semaphore_mem>>) src(%arg6 : memref<32x1024xf32, #tpu.memory_space<vmem>>) dst(%dma_wait3A_98 : memref<7168x1024xf32, #tpu.memory_space<hbm>>)
    %dma_wait3A_99 = arith.constant 3 : i32
    %dma_wait3A_100 = arith.constant 0 : i32
    %dma_wait3A_101 = tpu.memref_slice %arg5[%dma_wait3A_99, %dma_wait3A_100] : memref<4x32xi32, #tpu.memory_space<vmem>> -> memref<1x32xi32, #tpu.memory_space<vmem>>
    %dma_wait3A_102 = tpu.memref_squeeze %dma_wait3A_101 : memref<1x32xi32, #tpu.memory_space<vmem>> -> memref<32xi32, #tpu.memory_space<vmem>>
    %dma_wait3A_103 = arith.constant 0 : i32
    %dma_wait3A_104 = arith.constant 0 : i32
    %dma_wait3A_105 = tpu.memref_slice %arg4[%dma_wait3A_103, %dma_wait3A_104] : memref<7168x1024xf32, #tpu.memory_space<hbm>> -> memref<7168x1024xf32, #tpu.memory_space<hbm>>
    tpu.wait_indirect_dma semaphore(%arg9 : memref<!tpu.dma_semaphore, #tpu.memory_space<semaphore_mem>>) src(%arg7 : memref<32x1024xf32, #tpu.memory_space<vmem>>) dst(%dma_wait3A_105 : memref<7168x1024xf32, #tpu.memory_space<hbm>>)
    return
  }
}

#map = affine_map<(d0, d1) -> (0, 0)>
#map1 = affine_map<(d0, d1) -> (0, 0, 0)>
module attributes {stable_mosaic.version = 14 : i64} {
  func.func @_sc_dispatch(%arg0: i32, %arg1: i32, %arg2: memref<2048x1024xf32, #tpu.memory_space<hbm>>, %arg3: memref<32x4x32xi32, #tpu.memory_space<hbm>>, %arg4: memref<7168x1024xf32, #tpu.memory_space<hbm>>, %arg5: memref<4x32xi32, #tpu.memory_space<vmem>>, %arg6: memref<32x1024xf32, #tpu.memory_space<vmem>>, %arg7: memref<32x1024xf32, #tpu.memory_space<vmem>>, %arg8: memref<!tpu.dma_semaphore, #tpu.memory_space<semaphore_mem>>, %arg9: memref<!tpu.dma_semaphore, #tpu.memory_space<semaphore_mem>>) attributes {dimension_semantics = [#tpu.dimension_semantics<core_parallel>, #tpu.dimension_semantics<subcore_parallel>], iteration_bounds = array<i64: 2, 16>, scalar_prefetch = 0 : i64, scratch_operands = 5 : i64, tpu.core_type = #tpu.core_type<sc_vector_subcore>, window_params = [{transform_indices = #map}, {transform_indices = #map1}, {transform_indices = #map}]} {
    %mul3A = arith.constant 2 : i32
    %mul3A_0 = arith.muli %arg1, %mul3A : i32
    %add3A = arith.addi %mul3A_0, %arg0 : i32
    "tpu.region"() ({
      %run_scoped3A = tpu.sem_alloc : memref<!tpu.dma_semaphore, #tpu.memory_space<semaphore_mem>>
      %dma_start3A_106 = arith.constant 0 : i32
      %dma_start3A_107 = arith.constant 0 : i32
      %dma_start3A_108 = tpu.memref_slice %arg3[%add3A, %dma_start3A_106, %dma_start3A_107] : memref<32x4x32xi32, #tpu.memory_space<hbm>> -> memref<1x4x32xi32, #tpu.memory_space<hbm>>
      %dma_start3A_109 = tpu.memref_squeeze %dma_start3A_108 : memref<1x4x32xi32, #tpu.memory_space<hbm>> -> memref<4x32xi32, #tpu.memory_space<hbm>>
      %dma_start3A_110 = arith.constant 0 : i32
      %dma_start3A_111 = arith.constant 0 : i32
      %dma_start3A_112 = tpu.memref_slice %arg3[%add3A, %dma_start3A_110, %dma_start3A_111] : memref<32x4x32xi32, #tpu.memory_space<hbm>> -> memref<1x4x32xi32, #tpu.memory_space<hbm>>
      %dma_start3A_113 = tpu.memref_squeeze %dma_start3A_112 : memref<1x4x32xi32, #tpu.memory_space<hbm>> -> memref<4x32xi32, #tpu.memory_space<hbm>>
      tpu.enqueue_dma source(%dma_start3A_113 : memref<4x32xi32, #tpu.memory_space<hbm>>) target(%arg5 : memref<4x32xi32, #tpu.memory_space<vmem>>) target_semaphore(%run_scoped3A : memref<!tpu.dma_semaphore, #tpu.memory_space<semaphore_mem>>)
      %dma_wait3A_114 = arith.constant 0 : i32
      %dma_wait3A_115 = arith.constant 0 : i32
      %dma_wait3A_116 = tpu.memref_slice %arg3[%add3A, %dma_wait3A_114, %dma_wait3A_115] : memref<32x4x32xi32, #tpu.memory_space<hbm>> -> memref<1x4x32xi32, #tpu.memory_space<hbm>>
      %dma_wait3A_117 = tpu.memref_squeeze %dma_wait3A_116 : memref<1x4x32xi32, #tpu.memory_space<hbm>> -> memref<4x32xi32, #tpu.memory_space<hbm>>
      %dma_wait3A_118 = arith.constant 0 : i32
      %dma_wait3A_119 = arith.constant 0 : i32
      %dma_wait3A_120 = tpu.memref_slice %arg3[%add3A, %dma_wait3A_118, %dma_wait3A_119] : memref<32x4x32xi32, #tpu.memory_space<hbm>> -> memref<1x4x32xi32, #tpu.memory_space<hbm>>
      %dma_wait3A_121 = tpu.memref_squeeze %dma_wait3A_120 : memref<1x4x32xi32, #tpu.memory_space<hbm>> -> memref<4x32xi32, #tpu.memory_space<hbm>>
      tpu.wait_dma2 semaphore(%run_scoped3A : memref<!tpu.dma_semaphore, #tpu.memory_space<semaphore_mem>>) src(%dma_wait3A_121 : memref<4x32xi32, #tpu.memory_space<hbm>>) dst(%arg5 : memref<4x32xi32, #tpu.memory_space<vmem>>)
      tpu.yield
    }) : () -> ()
    %mul3A_1 = arith.constant 128 : i32
    %mul3A_2 = arith.muli %add3A, %mul3A_1 : i32
    %jit3A = arith.constant 2048 : i32
    %eq3A = arith.constant 0 : i32
    %eq3A_3 = arith.cmpi eq, %jit3A, %eq3A : i32
    %jit3A_4 = arith.constant 1 : i32
    %select_n3A = arith.select %eq3A_3, %jit3A_4, %jit3A : i32
    %rem3A = arith.remsi %mul3A_2, %select_n3A : i32
    %ne3A = arith.constant 0 : i32
    %ne3A_5 = arith.cmpi ne, %rem3A, %ne3A : i32
    %lt3A = arith.constant 0 : i32
    %lt3A_6 = arith.cmpi slt, %rem3A, %lt3A : i32
    %lt3A_7 = arith.constant 0 : i32
    %lt3A_8 = arith.cmpi slt, %select_n3A, %lt3A_7 : i32
    %ne3A_9 = arith.xori %lt3A_6, %lt3A_8 : i1
    %and3A = arith.andi %ne3A_9, %ne3A_5 : i1
    %add3A_10 = arith.addi %rem3A, %select_n3A : i32
    %select_n3A_11 = arith.select %and3A, %add3A_10, %rem3A : i32
    %add3A_12 = arith.constant 0 : i32
    %add3A_13 = arith.addi %select_n3A_11, %add3A_12 : i32
    %dma_start3A = arith.constant 0 : i32
    %dma_start3A_14 = tpu.memref_slice %arg2[%add3A_13, %dma_start3A] : memref<2048x1024xf32, #tpu.memory_space<hbm>> -> memref<32x1024xf32, #tpu.memory_space<hbm>>
    %dma_start3A_15 = arith.constant 0 : i32
    %dma_start3A_16 = tpu.memref_slice %arg2[%add3A_13, %dma_start3A_15] : memref<2048x1024xf32, #tpu.memory_space<hbm>> -> memref<32x1024xf32, #tpu.memory_space<hbm>>
    tpu.enqueue_dma source(%dma_start3A_16 : memref<32x1024xf32, #tpu.memory_space<hbm>>) target(%arg6 : memref<32x1024xf32, #tpu.memory_space<vmem>>) target_semaphore(%arg8 : memref<!tpu.dma_semaphore, #tpu.memory_space<semaphore_mem>>)
    %add3A_17 = arith.constant 32 : i32
    %add3A_18 = arith.addi %select_n3A_11, %add3A_17 : i32
    %dma_start3A_19 = arith.constant 0 : i32
    %dma_start3A_20 = tpu.memref_slice %arg2[%add3A_18, %dma_start3A_19] : memref<2048x1024xf32, #tpu.memory_space<hbm>> -> memref<32x1024xf32, #tpu.memory_space<hbm>>
    %dma_start3A_21 = arith.constant 0 : i32
    %dma_start3A_22 = tpu.memref_slice %arg2[%add3A_18, %dma_start3A_21] : memref<2048x1024xf32, #tpu.memory_space<hbm>> -> memref<32x1024xf32, #tpu.memory_space<hbm>>
    tpu.enqueue_dma source(%dma_start3A_22 : memref<32x1024xf32, #tpu.memory_space<hbm>>) target(%arg7 : memref<32x1024xf32, #tpu.memory_space<vmem>>) target_semaphore(%arg8 : memref<!tpu.dma_semaphore, #tpu.memory_space<semaphore_mem>>)
    %dma_wait3A = arith.constant 0 : i32
    %dma_wait3A_23 = tpu.memref_slice %arg2[%add3A_13, %dma_wait3A] : memref<2048x1024xf32, #tpu.memory_space<hbm>> -> memref<32x1024xf32, #tpu.memory_space<hbm>>
    %dma_wait3A_24 = arith.constant 0 : i32
    %dma_wait3A_25 = tpu.memref_slice %arg2[%add3A_13, %dma_wait3A_24] : memref<2048x1024xf32, #tpu.memory_space<hbm>> -> memref<32x1024xf32, #tpu.memory_space<hbm>>
    tpu.wait_dma2 semaphore(%arg8 : memref<!tpu.dma_semaphore, #tpu.memory_space<semaphore_mem>>) src(%dma_wait3A_25 : memref<32x1024xf32, #tpu.memory_space<hbm>>) dst(%arg6 : memref<32x1024xf32, #tpu.memory_space<vmem>>)
    %dma_start3A_26 = arith.constant 0 : i32
    %dma_start3A_27 = arith.constant 0 : i32
    %dma_start3A_28 = tpu.memref_slice %arg5[%dma_start3A_26, %dma_start3A_27] : memref<4x32xi32, #tpu.memory_space<vmem>> -> memref<1x32xi32, #tpu.memory_space<vmem>>
    %dma_start3A_29 = tpu.memref_squeeze %dma_start3A_28 : memref<1x32xi32, #tpu.memory_space<vmem>> -> memref<32xi32, #tpu.memory_space<vmem>>
    %dma_start3A_30 = arith.constant 0 : i32
    %dma_start3A_31 = arith.constant 0 : i32
    %dma_start3A_32 = tpu.memref_slice %arg4[%dma_start3A_30, %dma_start3A_31] : memref<7168x1024xf32, #tpu.memory_space<hbm>> -> memref<7168x1024xf32, #tpu.memory_space<hbm>>
    tpu.enqueue_indirect_dma source(%arg6 : memref<32x1024xf32, #tpu.memory_space<vmem>>) target(%dma_start3A_32 : memref<7168x1024xf32, #tpu.memory_space<hbm>>) offsets(%dma_start3A_29 : memref<32xi32, #tpu.memory_space<vmem>>) semaphore(%arg9 : memref<!tpu.dma_semaphore, #tpu.memory_space<semaphore_mem>>)
    %dma_wait3A_33 = arith.constant 0 : i32
    %dma_wait3A_34 = arith.constant 0 : i32
    %dma_wait3A_35 = tpu.memref_slice %arg5[%dma_wait3A_33, %dma_wait3A_34] : memref<4x32xi32, #tpu.memory_space<vmem>> -> memref<1x32xi32, #tpu.memory_space<vmem>>
    %dma_wait3A_36 = tpu.memref_squeeze %dma_wait3A_35 : memref<1x32xi32, #tpu.memory_space<vmem>> -> memref<32xi32, #tpu.memory_space<vmem>>
    %dma_wait3A_37 = arith.constant 0 : i32
    %dma_wait3A_38 = arith.constant 0 : i32
    %dma_wait3A_39 = tpu.memref_slice %arg4[%dma_wait3A_37, %dma_wait3A_38] : memref<7168x1024xf32, #tpu.memory_space<hbm>> -> memref<7168x1024xf32, #tpu.memory_space<hbm>>
    tpu.wait_indirect_dma semaphore(%arg9 : memref<!tpu.dma_semaphore, #tpu.memory_space<semaphore_mem>>) src(%arg6 : memref<32x1024xf32, #tpu.memory_space<vmem>>) dst(%dma_wait3A_39 : memref<7168x1024xf32, #tpu.memory_space<hbm>>)
    %add3A_40 = arith.constant 64 : i32
    %add3A_41 = arith.addi %select_n3A_11, %add3A_40 : i32
    %dma_start3A_42 = arith.constant 0 : i32
    %dma_start3A_43 = tpu.memref_slice %arg2[%add3A_41, %dma_start3A_42] : memref<2048x1024xf32, #tpu.memory_space<hbm>> -> memref<32x1024xf32, #tpu.memory_space<hbm>>
    %dma_start3A_44 = arith.constant 0 : i32
    %dma_start3A_45 = tpu.memref_slice %arg2[%add3A_41, %dma_start3A_44] : memref<2048x1024xf32, #tpu.memory_space<hbm>> -> memref<32x1024xf32, #tpu.memory_space<hbm>>
    tpu.enqueue_dma source(%dma_start3A_45 : memref<32x1024xf32, #tpu.memory_space<hbm>>) target(%arg6 : memref<32x1024xf32, #tpu.memory_space<vmem>>) target_semaphore(%arg8 : memref<!tpu.dma_semaphore, #tpu.memory_space<semaphore_mem>>)
    %dma_wait3A_46 = arith.constant 0 : i32
    %dma_wait3A_47 = tpu.memref_slice %arg2[%add3A_18, %dma_wait3A_46] : memref<2048x1024xf32, #tpu.memory_space<hbm>> -> memref<32x1024xf32, #tpu.memory_space<hbm>>
    %dma_wait3A_48 = arith.constant 0 : i32
    %dma_wait3A_49 = tpu.memref_slice %arg2[%add3A_18, %dma_wait3A_48] : memref<2048x1024xf32, #tpu.memory_space<hbm>> -> memref<32x1024xf32, #tpu.memory_space<hbm>>
    tpu.wait_dma2 semaphore(%arg8 : memref<!tpu.dma_semaphore, #tpu.memory_space<semaphore_mem>>) src(%dma_wait3A_49 : memref<32x1024xf32, #tpu.memory_space<hbm>>) dst(%arg7 : memref<32x1024xf32, #tpu.memory_space<vmem>>)
    %dma_start3A_50 = arith.constant 1 : i32
    %dma_start3A_51 = arith.constant 0 : i32
    %dma_start3A_52 = tpu.memref_slice %arg5[%dma_start3A_50, %dma_start3A_51] : memref<4x32xi32, #tpu.memory_space<vmem>> -> memref<1x32xi32, #tpu.memory_space<vmem>>
    %dma_start3A_53 = tpu.memref_squeeze %dma_start3A_52 : memref<1x32xi32, #tpu.memory_space<vmem>> -> memref<32xi32, #tpu.memory_space<vmem>>
    %dma_start3A_54 = arith.constant 0 : i32
    %dma_start3A_55 = arith.constant 0 : i32
    %dma_start3A_56 = tpu.memref_slice %arg4[%dma_start3A_54, %dma_start3A_55] : memref<7168x1024xf32, #tpu.memory_space<hbm>> -> memref<7168x1024xf32, #tpu.memory_space<hbm>>
    tpu.enqueue_indirect_dma source(%arg7 : memref<32x1024xf32, #tpu.memory_space<vmem>>) target(%dma_start3A_56 : memref<7168x1024xf32, #tpu.memory_space<hbm>>) offsets(%dma_start3A_53 : memref<32xi32, #tpu.memory_space<vmem>>) semaphore(%arg9 : memref<!tpu.dma_semaphore, #tpu.memory_space<semaphore_mem>>)
    %dma_wait3A_57 = arith.constant 1 : i32
    %dma_wait3A_58 = arith.constant 0 : i32
    %dma_wait3A_59 = tpu.memref_slice %arg5[%dma_wait3A_57, %dma_wait3A_58] : memref<4x32xi32, #tpu.memory_space<vmem>> -> memref<1x32xi32, #tpu.memory_space<vmem>>
    %dma_wait3A_60 = tpu.memref_squeeze %dma_wait3A_59 : memref<1x32xi32, #tpu.memory_space<vmem>> -> memref<32xi32, #tpu.memory_space<vmem>>
    %dma_wait3A_61 = arith.constant 0 : i32
    %dma_wait3A_62 = arith.constant 0 : i32
    %dma_wait3A_63 = tpu.memref_slice %arg4[%dma_wait3A_61, %dma_wait3A_62] : memref<7168x1024xf32, #tpu.memory_space<hbm>> -> memref<7168x1024xf32, #tpu.memory_space<hbm>>
    tpu.wait_indirect_dma semaphore(%arg9 : memref<!tpu.dma_semaphore, #tpu.memory_space<semaphore_mem>>) src(%arg7 : memref<32x1024xf32, #tpu.memory_space<vmem>>) dst(%dma_wait3A_63 : memref<7168x1024xf32, #tpu.memory_space<hbm>>)
    %add3A_64 = arith.constant 96 : i32
    %add3A_65 = arith.addi %select_n3A_11, %add3A_64 : i32
    %dma_start3A_66 = arith.constant 0 : i32
    %dma_start3A_67 = tpu.memref_slice %arg2[%add3A_65, %dma_start3A_66] : memref<2048x1024xf32, #tpu.memory_space<hbm>> -> memref<32x1024xf32, #tpu.memory_space<hbm>>
    %dma_start3A_68 = arith.constant 0 : i32
    %dma_start3A_69 = tpu.memref_slice %arg2[%add3A_65, %dma_start3A_68] : memref<2048x1024xf32, #tpu.memory_space<hbm>> -> memref<32x1024xf32, #tpu.memory_space<hbm>>
    tpu.enqueue_dma source(%dma_start3A_69 : memref<32x1024xf32, #tpu.memory_space<hbm>>) target(%arg7 : memref<32x1024xf32, #tpu.memory_space<vmem>>) target_semaphore(%arg8 : memref<!tpu.dma_semaphore, #tpu.memory_space<semaphore_mem>>)
    %dma_wait3A_70 = arith.constant 0 : i32
    %dma_wait3A_71 = tpu.memref_slice %arg2[%add3A_41, %dma_wait3A_70] : memref<2048x1024xf32, #tpu.memory_space<hbm>> -> memref<32x1024xf32, #tpu.memory_space<hbm>>
    %dma_wait3A_72 = arith.constant 0 : i32
    %dma_wait3A_73 = tpu.memref_slice %arg2[%add3A_41, %dma_wait3A_72] : memref<2048x1024xf32, #tpu.memory_space<hbm>> -> memref<32x1024xf32, #tpu.memory_space<hbm>>
    tpu.wait_dma2 semaphore(%arg8 : memref<!tpu.dma_semaphore, #tpu.memory_space<semaphore_mem>>) src(%dma_wait3A_73 : memref<32x1024xf32, #tpu.memory_space<hbm>>) dst(%arg6 : memref<32x1024xf32, #tpu.memory_space<vmem>>)
    %dma_start3A_74 = arith.constant 2 : i32
    %dma_start3A_75 = arith.constant 0 : i32
    %dma_start3A_76 = tpu.memref_slice %arg5[%dma_start3A_74, %dma_start3A_75] : memref<4x32xi32, #tpu.memory_space<vmem>> -> memref<1x32xi32, #tpu.memory_space<vmem>>
    %dma_start3A_77 = tpu.memref_squeeze %dma_start3A_76 : memref<1x32xi32, #tpu.memory_space<vmem>> -> memref<32xi32, #tpu.memory_space<vmem>>
    %dma_start3A_78 = arith.constant 0 : i32
    %dma_start3A_79 = arith.constant 0 : i32
    %dma_start3A_80 = tpu.memref_slice %arg4[%dma_start3A_78, %dma_start3A_79] : memref<7168x1024xf32, #tpu.memory_space<hbm>> -> memref<7168x1024xf32, #tpu.memory_space<hbm>>
    tpu.enqueue_indirect_dma source(%arg6 : memref<32x1024xf32, #tpu.memory_space<vmem>>) target(%dma_start3A_80 : memref<7168x1024xf32, #tpu.memory_space<hbm>>) offsets(%dma_start3A_77 : memref<32xi32, #tpu.memory_space<vmem>>) semaphore(%arg9 : memref<!tpu.dma_semaphore, #tpu.memory_space<semaphore_mem>>)
    %dma_wait3A_81 = arith.constant 0 : i32
    %dma_wait3A_82 = tpu.memref_slice %arg2[%add3A_65, %dma_wait3A_81] : memref<2048x1024xf32, #tpu.memory_space<hbm>> -> memref<32x1024xf32, #tpu.memory_space<hbm>>
    %dma_wait3A_83 = arith.constant 0 : i32
    %dma_wait3A_84 = tpu.memref_slice %arg2[%add3A_65, %dma_wait3A_83] : memref<2048x1024xf32, #tpu.memory_space<hbm>> -> memref<32x1024xf32, #tpu.memory_space<hbm>>
    tpu.wait_dma2 semaphore(%arg8 : memref<!tpu.dma_semaphore, #tpu.memory_space<semaphore_mem>>) src(%dma_wait3A_84 : memref<32x1024xf32, #tpu.memory_space<hbm>>) dst(%arg7 : memref<32x1024xf32, #tpu.memory_space<vmem>>)
    %dma_start3A_85 = arith.constant 3 : i32
    %dma_start3A_86 = arith.constant 0 : i32
    %dma_start3A_87 = tpu.memref_slice %arg5[%dma_start3A_85, %dma_start3A_86] : memref<4x32xi32, #tpu.memory_space<vmem>> -> memref<1x32xi32, #tpu.memory_space<vmem>>
    %dma_start3A_88 = tpu.memref_squeeze %dma_start3A_87 : memref<1x32xi32, #tpu.memory_space<vmem>> -> memref<32xi32, #tpu.memory_space<vmem>>
    %dma_start3A_89 = arith.constant 0 : i32
    %dma_start3A_90 = arith.constant 0 : i32
    %dma_start3A_91 = tpu.memref_slice %arg4[%dma_start3A_89, %dma_start3A_90] : memref<7168x1024xf32, #tpu.memory_space<hbm>> -> memref<7168x1024xf32, #tpu.memory_space<hbm>>
    tpu.enqueue_indirect_dma source(%arg7 : memref<32x1024xf32, #tpu.memory_space<vmem>>) target(%dma_start3A_91 : memref<7168x1024xf32, #tpu.memory_space<hbm>>) offsets(%dma_start3A_88 : memref<32xi32, #tpu.memory_space<vmem>>) semaphore(%arg9 : memref<!tpu.dma_semaphore, #tpu.memory_space<semaphore_mem>>)
    %dma_wait3A_92 = arith.constant 2 : i32
    %dma_wait3A_93 = arith.constant 0 : i32
    %dma_wait3A_94 = tpu.memref_slice %arg5[%dma_wait3A_92, %dma_wait3A_93] : memref<4x32xi32, #tpu.memory_space<vmem>> -> memref<1x32xi32, #tpu.memory_space<vmem>>
    %dma_wait3A_95 = tpu.memref_squeeze %dma_wait3A_94 : memref<1x32xi32, #tpu.memory_space<vmem>> -> memref<32xi32, #tpu.memory_space<vmem>>
    %dma_wait3A_96 = arith.constant 0 : i32
    %dma_wait3A_97 = arith.constant 0 : i32
    %dma_wait3A_98 = tpu.memref_slice %arg4[%dma_wait3A_96, %dma_wait3A_97] : memref<7168x1024xf32, #tpu.memory_space<hbm>> -> memref<7168x1024xf32, #tpu.memory_space<hbm>>
    tpu.wait_indirect_dma semaphore(%arg9 : memref<!tpu.dma_semaphore, #tpu.memory_space<semaphore_mem>>) src(%arg6 : memref<32x1024xf32, #tpu.memory_space<vmem>>) dst(%dma_wait3A_98 : memref<7168x1024xf32, #tpu.memory_space<hbm>>)
    %dma_wait3A_99 = arith.constant 3 : i32
    %dma_wait3A_100 = arith.constant 0 : i32
    %dma_wait3A_101 = tpu.memref_slice %arg5[%dma_wait3A_99, %dma_wait3A_100] : memref<4x32xi32, #tpu.memory_space<vmem>> -> memref<1x32xi32, #tpu.memory_space<vmem>>
    %dma_wait3A_102 = tpu.memref_squeeze %dma_wait3A_101 : memref<1x32xi32, #tpu.memory_space<vmem>> -> memref<32xi32, #tpu.memory_space<vmem>>
    %dma_wait3A_103 = arith.constant 0 : i32
    %dma_wait3A_104 = arith.constant 0 : i32
    %dma_wait3A_105 = tpu.memref_slice %arg4[%dma_wait3A_103, %dma_wait3A_104] : memref<7168x1024xf32, #tpu.memory_space<hbm>> -> memref<7168x1024xf32, #tpu.memory_space<hbm>>
    tpu.wait_indirect_dma semaphore(%arg9 : memref<!tpu.dma_semaphore, #tpu.memory_space<semaphore_mem>>) src(%arg7 : memref<32x1024xf32, #tpu.memory_space<vmem>>) dst(%dma_wait3A_105 : memref<7168x1024xf32, #tpu.memory_space<hbm>>)
    return
  }
}

#map = affine_map<(d0, d1) -> (0, 0)>
#map1 = affine_map<(d0, d1) -> (0, 0, 0)>
module attributes {stable_mosaic.version = 14 : i64} {
  func.func @_sc_combine(%arg0: i32, %arg1: i32, %arg2: memref<7168x1024xf32, #tpu.memory_space<hbm>>, %arg3: memref<32x2x32xi32, #tpu.memory_space<hbm>>, %arg4: memref<32x2x32xi32, #tpu.memory_space<hbm>>, %arg5: memref<2048x1024xf32, #tpu.memory_space<hbm>>, %arg6: memref<2048x1024xf32, #tpu.memory_space<hbm>>, %arg7: memref<2x32xi32, #tpu.memory_space<vmem>>, %arg8: memref<32x1024xf32, #tpu.memory_space<vmem>>, %arg9: memref<32x1024xf32, #tpu.memory_space<vmem>>, %arg10: memref<!tpu.dma_semaphore, #tpu.memory_space<semaphore_mem>>, %arg11: memref<!tpu.dma_semaphore, #tpu.memory_space<semaphore_mem>>) attributes {dimension_semantics = [#tpu.dimension_semantics<core_parallel>, #tpu.dimension_semantics<subcore_parallel>], iteration_bounds = array<i64: 2, 16>, scalar_prefetch = 0 : i64, scratch_operands = 5 : i64, tpu.core_type = #tpu.core_type<sc_vector_subcore>, window_params = [{transform_indices = #map}, {transform_indices = #map1}, {transform_indices = #map1}, {transform_indices = #map}, {transform_indices = #map}]} {
    %mul3A = arith.constant 2 : i32
    %mul3A_0 = arith.muli %arg1, %mul3A : i32
    %add3A = arith.addi %mul3A_0, %arg0 : i32
    %mul3A_1 = arith.constant 64 : i32
    %mul3A_2 = arith.muli %add3A, %mul3A_1 : i32
    "tpu.region"() ({
      %run_scoped3A = tpu.sem_alloc : memref<!tpu.dma_semaphore, #tpu.memory_space<semaphore_mem>>
      %dma_start3A_93 = arith.constant 0 : i32
      %dma_start3A_94 = arith.constant 0 : i32
      %dma_start3A_95 = tpu.memref_slice %arg3[%add3A, %dma_start3A_93, %dma_start3A_94] : memref<32x2x32xi32, #tpu.memory_space<hbm>> -> memref<1x2x32xi32, #tpu.memory_space<hbm>>
      %dma_start3A_96 = tpu.memref_squeeze %dma_start3A_95 : memref<1x2x32xi32, #tpu.memory_space<hbm>> -> memref<2x32xi32, #tpu.memory_space<hbm>>
      %dma_start3A_97 = arith.constant 0 : i32
      %dma_start3A_98 = arith.constant 0 : i32
      %dma_start3A_99 = tpu.memref_slice %arg3[%add3A, %dma_start3A_97, %dma_start3A_98] : memref<32x2x32xi32, #tpu.memory_space<hbm>> -> memref<1x2x32xi32, #tpu.memory_space<hbm>>
      %dma_start3A_100 = tpu.memref_squeeze %dma_start3A_99 : memref<1x2x32xi32, #tpu.memory_space<hbm>> -> memref<2x32xi32, #tpu.memory_space<hbm>>
      tpu.enqueue_dma source(%dma_start3A_100 : memref<2x32xi32, #tpu.memory_space<hbm>>) target(%arg7 : memref<2x32xi32, #tpu.memory_space<vmem>>) target_semaphore(%run_scoped3A : memref<!tpu.dma_semaphore, #tpu.memory_space<semaphore_mem>>)
      %dma_wait3A_101 = arith.constant 0 : i32
      %dma_wait3A_102 = arith.constant 0 : i32
      %dma_wait3A_103 = tpu.memref_slice %arg3[%add3A, %dma_wait3A_101, %dma_wait3A_102] : memref<32x2x32xi32, #tpu.memory_space<hbm>> -> memref<1x2x32xi32, #tpu.memory_space<hbm>>
      %dma_wait3A_104 = tpu.memref_squeeze %dma_wait3A_103 : memref<1x2x32xi32, #tpu.memory_space<hbm>> -> memref<2x32xi32, #tpu.memory_space<hbm>>
      %dma_wait3A_105 = arith.constant 0 : i32
      %dma_wait3A_106 = arith.constant 0 : i32
      %dma_wait3A_107 = tpu.memref_slice %arg3[%add3A, %dma_wait3A_105, %dma_wait3A_106] : memref<32x2x32xi32, #tpu.memory_space<hbm>> -> memref<1x2x32xi32, #tpu.memory_space<hbm>>
      %dma_wait3A_108 = tpu.memref_squeeze %dma_wait3A_107 : memref<1x2x32xi32, #tpu.memory_space<hbm>> -> memref<2x32xi32, #tpu.memory_space<hbm>>
      tpu.wait_dma2 semaphore(%run_scoped3A : memref<!tpu.dma_semaphore, #tpu.memory_space<semaphore_mem>>) src(%dma_wait3A_108 : memref<2x32xi32, #tpu.memory_space<hbm>>) dst(%arg7 : memref<2x32xi32, #tpu.memory_space<vmem>>)
      tpu.yield
    }) : () -> ()
    %dma_start3A = arith.constant 0 : i32
    %dma_start3A_3 = arith.constant 0 : i32
    %dma_start3A_4 = tpu.memref_slice %arg7[%dma_start3A, %dma_start3A_3] : memref<2x32xi32, #tpu.memory_space<vmem>> -> memref<1x32xi32, #tpu.memory_space<vmem>>
    %dma_start3A_5 = tpu.memref_squeeze %dma_start3A_4 : memref<1x32xi32, #tpu.memory_space<vmem>> -> memref<32xi32, #tpu.memory_space<vmem>>
    %dma_start3A_6 = arith.constant 0 : i32
    %dma_start3A_7 = arith.constant 0 : i32
    %dma_start3A_8 = tpu.memref_slice %arg2[%dma_start3A_6, %dma_start3A_7] : memref<7168x1024xf32, #tpu.memory_space<hbm>> -> memref<7168x1024xf32, #tpu.memory_space<hbm>>
    tpu.enqueue_indirect_dma source(%dma_start3A_8 : memref<7168x1024xf32, #tpu.memory_space<hbm>>) target(%arg8 : memref<32x1024xf32, #tpu.memory_space<vmem>>) offsets(%dma_start3A_5 : memref<32xi32, #tpu.memory_space<vmem>>) semaphore(%arg10 : memref<!tpu.dma_semaphore, #tpu.memory_space<semaphore_mem>>)
    %dma_start3A_9 = arith.constant 1 : i32
    %dma_start3A_10 = arith.constant 0 : i32
    %dma_start3A_11 = tpu.memref_slice %arg7[%dma_start3A_9, %dma_start3A_10] : memref<2x32xi32, #tpu.memory_space<vmem>> -> memref<1x32xi32, #tpu.memory_space<vmem>>
    %dma_start3A_12 = tpu.memref_squeeze %dma_start3A_11 : memref<1x32xi32, #tpu.memory_space<vmem>> -> memref<32xi32, #tpu.memory_space<vmem>>
    %dma_start3A_13 = arith.constant 0 : i32
    %dma_start3A_14 = arith.constant 0 : i32
    %dma_start3A_15 = tpu.memref_slice %arg2[%dma_start3A_13, %dma_start3A_14] : memref<7168x1024xf32, #tpu.memory_space<hbm>> -> memref<7168x1024xf32, #tpu.memory_space<hbm>>
    tpu.enqueue_indirect_dma source(%dma_start3A_15 : memref<7168x1024xf32, #tpu.memory_space<hbm>>) target(%arg9 : memref<32x1024xf32, #tpu.memory_space<vmem>>) offsets(%dma_start3A_12 : memref<32xi32, #tpu.memory_space<vmem>>) semaphore(%arg10 : memref<!tpu.dma_semaphore, #tpu.memory_space<semaphore_mem>>)
    %dma_wait3A = arith.constant 0 : i32
    %dma_wait3A_16 = arith.constant 0 : i32
    %dma_wait3A_17 = tpu.memref_slice %arg7[%dma_wait3A, %dma_wait3A_16] : memref<2x32xi32, #tpu.memory_space<vmem>> -> memref<1x32xi32, #tpu.memory_space<vmem>>
    %dma_wait3A_18 = tpu.memref_squeeze %dma_wait3A_17 : memref<1x32xi32, #tpu.memory_space<vmem>> -> memref<32xi32, #tpu.memory_space<vmem>>
    %dma_wait3A_19 = arith.constant 0 : i32
    %dma_wait3A_20 = arith.constant 0 : i32
    %dma_wait3A_21 = tpu.memref_slice %arg2[%dma_wait3A_19, %dma_wait3A_20] : memref<7168x1024xf32, #tpu.memory_space<hbm>> -> memref<7168x1024xf32, #tpu.memory_space<hbm>>
    tpu.wait_indirect_dma semaphore(%arg10 : memref<!tpu.dma_semaphore, #tpu.memory_space<semaphore_mem>>) src(%dma_wait3A_21 : memref<7168x1024xf32, #tpu.memory_space<hbm>>) dst(%arg8 : memref<32x1024xf32, #tpu.memory_space<vmem>>)
    %dma_start3A_22 = arith.constant 0 : i32
    %dma_start3A_23 = tpu.memref_slice %arg5[%mul3A_2, %dma_start3A_22] : memref<2048x1024xf32, #tpu.memory_space<hbm>> -> memref<32x1024xf32, #tpu.memory_space<hbm>>
    %dma_start3A_24 = arith.constant 0 : i32
    %dma_start3A_25 = tpu.memref_slice %arg5[%mul3A_2, %dma_start3A_24] : memref<2048x1024xf32, #tpu.memory_space<hbm>> -> memref<32x1024xf32, #tpu.memory_space<hbm>>
    tpu.enqueue_dma source(%arg8 : memref<32x1024xf32, #tpu.memory_space<vmem>>) target(%dma_start3A_25 : memref<32x1024xf32, #tpu.memory_space<hbm>>) target_semaphore(%arg11 : memref<!tpu.dma_semaphore, #tpu.memory_space<semaphore_mem>>)
    %dma_wait3A_26 = arith.constant 1 : i32
    %dma_wait3A_27 = arith.constant 0 : i32
    %dma_wait3A_28 = tpu.memref_slice %arg7[%dma_wait3A_26, %dma_wait3A_27] : memref<2x32xi32, #tpu.memory_space<vmem>> -> memref<1x32xi32, #tpu.memory_space<vmem>>
    %dma_wait3A_29 = tpu.memref_squeeze %dma_wait3A_28 : memref<1x32xi32, #tpu.memory_space<vmem>> -> memref<32xi32, #tpu.memory_space<vmem>>
    %dma_wait3A_30 = arith.constant 0 : i32
    %dma_wait3A_31 = arith.constant 0 : i32
    %dma_wait3A_32 = tpu.memref_slice %arg2[%dma_wait3A_30, %dma_wait3A_31] : memref<7168x1024xf32, #tpu.memory_space<hbm>> -> memref<7168x1024xf32, #tpu.memory_space<hbm>>
    tpu.wait_indirect_dma semaphore(%arg10 : memref<!tpu.dma_semaphore, #tpu.memory_space<semaphore_mem>>) src(%dma_wait3A_32 : memref<7168x1024xf32, #tpu.memory_space<hbm>>) dst(%arg9 : memref<32x1024xf32, #tpu.memory_space<vmem>>)
    %add3A_33 = arith.constant 32 : i32
    %add3A_34 = arith.addi %mul3A_2, %add3A_33 : i32
    %dma_start3A_35 = arith.constant 0 : i32
    %dma_start3A_36 = tpu.memref_slice %arg5[%add3A_34, %dma_start3A_35] : memref<2048x1024xf32, #tpu.memory_space<hbm>> -> memref<32x1024xf32, #tpu.memory_space<hbm>>
    %dma_start3A_37 = arith.constant 0 : i32
    %dma_start3A_38 = tpu.memref_slice %arg5[%add3A_34, %dma_start3A_37] : memref<2048x1024xf32, #tpu.memory_space<hbm>> -> memref<32x1024xf32, #tpu.memory_space<hbm>>
    tpu.enqueue_dma source(%arg9 : memref<32x1024xf32, #tpu.memory_space<vmem>>) target(%dma_start3A_38 : memref<32x1024xf32, #tpu.memory_space<hbm>>) target_semaphore(%arg11 : memref<!tpu.dma_semaphore, #tpu.memory_space<semaphore_mem>>)
    %dma_wait3A_39 = arith.constant 0 : i32
    %dma_wait3A_40 = tpu.memref_slice %arg5[%mul3A_2, %dma_wait3A_39] : memref<2048x1024xf32, #tpu.memory_space<hbm>> -> memref<32x1024xf32, #tpu.memory_space<hbm>>
    %dma_wait3A_41 = arith.constant 0 : i32
    %dma_wait3A_42 = tpu.memref_slice %arg5[%mul3A_2, %dma_wait3A_41] : memref<2048x1024xf32, #tpu.memory_space<hbm>> -> memref<32x1024xf32, #tpu.memory_space<hbm>>
    tpu.wait_dma2 semaphore(%arg11 : memref<!tpu.dma_semaphore, #tpu.memory_space<semaphore_mem>>) src(%arg8 : memref<32x1024xf32, #tpu.memory_space<vmem>>) dst(%dma_wait3A_42 : memref<32x1024xf32, #tpu.memory_space<hbm>>)
    %dma_wait3A_43 = arith.constant 0 : i32
    %dma_wait3A_44 = tpu.memref_slice %arg5[%add3A_34, %dma_wait3A_43] : memref<2048x1024xf32, #tpu.memory_space<hbm>> -> memref<32x1024xf32, #tpu.memory_space<hbm>>
    %dma_wait3A_45 = arith.constant 0 : i32
    %dma_wait3A_46 = tpu.memref_slice %arg5[%add3A_34, %dma_wait3A_45] : memref<2048x1024xf32, #tpu.memory_space<hbm>> -> memref<32x1024xf32, #tpu.memory_space<hbm>>
    tpu.wait_dma2 semaphore(%arg11 : memref<!tpu.dma_semaphore, #tpu.memory_space<semaphore_mem>>) src(%arg9 : memref<32x1024xf32, #tpu.memory_space<vmem>>) dst(%dma_wait3A_46 : memref<32x1024xf32, #tpu.memory_space<hbm>>)
    "tpu.region"() ({
      %run_scoped3A = tpu.sem_alloc : memref<!tpu.dma_semaphore, #tpu.memory_space<semaphore_mem>>
      %dma_start3A_93 = arith.constant 0 : i32
      %dma_start3A_94 = arith.constant 0 : i32
      %dma_start3A_95 = tpu.memref_slice %arg4[%add3A, %dma_start3A_93, %dma_start3A_94] : memref<32x2x32xi32, #tpu.memory_space<hbm>> -> memref<1x2x32xi32, #tpu.memory_space<hbm>>
      %dma_start3A_96 = tpu.memref_squeeze %dma_start3A_95 : memref<1x2x32xi32, #tpu.memory_space<hbm>> -> memref<2x32xi32, #tpu.memory_space<hbm>>
      %dma_start3A_97 = arith.constant 0 : i32
      %dma_start3A_98 = arith.constant 0 : i32
      %dma_start3A_99 = tpu.memref_slice %arg4[%add3A, %dma_start3A_97, %dma_start3A_98] : memref<32x2x32xi32, #tpu.memory_space<hbm>> -> memref<1x2x32xi32, #tpu.memory_space<hbm>>
      %dma_start3A_100 = tpu.memref_squeeze %dma_start3A_99 : memref<1x2x32xi32, #tpu.memory_space<hbm>> -> memref<2x32xi32, #tpu.memory_space<hbm>>
      tpu.enqueue_dma source(%dma_start3A_100 : memref<2x32xi32, #tpu.memory_space<hbm>>) target(%arg7 : memref<2x32xi32, #tpu.memory_space<vmem>>) target_semaphore(%run_scoped3A : memref<!tpu.dma_semaphore, #tpu.memory_space<semaphore_mem>>)
      %dma_wait3A_101 = arith.constant 0 : i32
      %dma_wait3A_102 = arith.constant 0 : i32
      %dma_wait3A_103 = tpu.memref_slice %arg4[%add3A, %dma_wait3A_101, %dma_wait3A_102] : memref<32x2x32xi32, #tpu.memory_space<hbm>> -> memref<1x2x32xi32, #tpu.memory_space<hbm>>
      %dma_wait3A_104 = tpu.memref_squeeze %dma_wait3A_103 : memref<1x2x32xi32, #tpu.memory_space<hbm>> -> memref<2x32xi32, #tpu.memory_space<hbm>>
      %dma_wait3A_105 = arith.constant 0 : i32
      %dma_wait3A_106 = arith.constant 0 : i32
      %dma_wait3A_107 = tpu.memref_slice %arg4[%add3A, %dma_wait3A_105, %dma_wait3A_106] : memref<32x2x32xi32, #tpu.memory_space<hbm>> -> memref<1x2x32xi32, #tpu.memory_space<hbm>>
      %dma_wait3A_108 = tpu.memref_squeeze %dma_wait3A_107 : memref<1x2x32xi32, #tpu.memory_space<hbm>> -> memref<2x32xi32, #tpu.memory_space<hbm>>
      tpu.wait_dma2 semaphore(%run_scoped3A : memref<!tpu.dma_semaphore, #tpu.memory_space<semaphore_mem>>) src(%dma_wait3A_108 : memref<2x32xi32, #tpu.memory_space<hbm>>) dst(%arg7 : memref<2x32xi32, #tpu.memory_space<vmem>>)
      tpu.yield
    }) : () -> ()
    %dma_start3A_47 = arith.constant 0 : i32
    %dma_start3A_48 = arith.constant 0 : i32
    %dma_start3A_49 = tpu.memref_slice %arg7[%dma_start3A_47, %dma_start3A_48] : memref<2x32xi32, #tpu.memory_space<vmem>> -> memref<1x32xi32, #tpu.memory_space<vmem>>
    %dma_start3A_50 = tpu.memref_squeeze %dma_start3A_49 : memref<1x32xi32, #tpu.memory_space<vmem>> -> memref<32xi32, #tpu.memory_space<vmem>>
    %dma_start3A_51 = arith.constant 0 : i32
    %dma_start3A_52 = arith.constant 0 : i32
    %dma_start3A_53 = tpu.memref_slice %arg2[%dma_start3A_51, %dma_start3A_52] : memref<7168x1024xf32, #tpu.memory_space<hbm>> -> memref<7168x1024xf32, #tpu.memory_space<hbm>>
    tpu.enqueue_indirect_dma source(%dma_start3A_53 : memref<7168x1024xf32, #tpu.memory_space<hbm>>) target(%arg8 : memref<32x1024xf32, #tpu.memory_space<vmem>>) offsets(%dma_start3A_50 : memref<32xi32, #tpu.memory_space<vmem>>) semaphore(%arg10 : memref<!tpu.dma_semaphore, #tpu.memory_space<semaphore_mem>>)
    %dma_start3A_54 = arith.constant 1 : i32
    %dma_start3A_55 = arith.constant 0 : i32
    %dma_start3A_56 = tpu.memref_slice %arg7[%dma_start3A_54, %dma_start3A_55] : memref<2x32xi32, #tpu.memory_space<vmem>> -> memref<1x32xi32, #tpu.memory_space<vmem>>
    %dma_start3A_57 = tpu.memref_squeeze %dma_start3A_56 : memref<1x32xi32, #tpu.memory_space<vmem>> -> memref<32xi32, #tpu.memory_space<vmem>>
    %dma_start3A_58 = arith.constant 0 : i32
    %dma_start3A_59 = arith.constant 0 : i32
    %dma_start3A_60 = tpu.memref_slice %arg2[%dma_start3A_58, %dma_start3A_59] : memref<7168x1024xf32, #tpu.memory_space<hbm>> -> memref<7168x1024xf32, #tpu.memory_space<hbm>>
    tpu.enqueue_indirect_dma source(%dma_start3A_60 : memref<7168x1024xf32, #tpu.memory_space<hbm>>) target(%arg9 : memref<32x1024xf32, #tpu.memory_space<vmem>>) offsets(%dma_start3A_57 : memref<32xi32, #tpu.memory_space<vmem>>) semaphore(%arg10 : memref<!tpu.dma_semaphore, #tpu.memory_space<semaphore_mem>>)
    %dma_wait3A_61 = arith.constant 0 : i32
    %dma_wait3A_62 = arith.constant 0 : i32
    %dma_wait3A_63 = tpu.memref_slice %arg7[%dma_wait3A_61, %dma_wait3A_62] : memref<2x32xi32, #tpu.memory_space<vmem>> -> memref<1x32xi32, #tpu.memory_space<vmem>>
    %dma_wait3A_64 = tpu.memref_squeeze %dma_wait3A_63 : memref<1x32xi32, #tpu.memory_space<vmem>> -> memref<32xi32, #tpu.memory_space<vmem>>
    %dma_wait3A_65 = arith.constant 0 : i32
    %dma_wait3A_66 = arith.constant 0 : i32
    %dma_wait3A_67 = tpu.memref_slice %arg2[%dma_wait3A_65, %dma_wait3A_66] : memref<7168x1024xf32, #tpu.memory_space<hbm>> -> memref<7168x1024xf32, #tpu.memory_space<hbm>>
    tpu.wait_indirect_dma semaphore(%arg10 : memref<!tpu.dma_semaphore, #tpu.memory_space<semaphore_mem>>) src(%dma_wait3A_67 : memref<7168x1024xf32, #tpu.memory_space<hbm>>) dst(%arg8 : memref<32x1024xf32, #tpu.memory_space<vmem>>)
    %dma_start3A_68 = arith.constant 0 : i32
    %dma_start3A_69 = tpu.memref_slice %arg6[%mul3A_2, %dma_start3A_68] : memref<2048x1024xf32, #tpu.memory_space<hbm>> -> memref<32x1024xf32, #tpu.memory_space<hbm>>
    %dma_start3A_70 = arith.constant 0 : i32
    %dma_start3A_71 = tpu.memref_slice %arg6[%mul3A_2, %dma_start3A_70] : memref<2048x1024xf32, #tpu.memory_space<hbm>> -> memref<32x1024xf32, #tpu.memory_space<hbm>>
    tpu.enqueue_dma source(%arg8 : memref<32x1024xf32, #tpu.memory_space<vmem>>) target(%dma_start3A_71 : memref<32x1024xf32, #tpu.memory_space<hbm>>) target_semaphore(%arg11 : memref<!tpu.dma_semaphore, #tpu.memory_space<semaphore_mem>>)
    %dma_wait3A_72 = arith.constant 1 : i32
    %dma_wait3A_73 = arith.constant 0 : i32
    %dma_wait3A_74 = tpu.memref_slice %arg7[%dma_wait3A_72, %dma_wait3A_73] : memref<2x32xi32, #tpu.memory_space<vmem>> -> memref<1x32xi32, #tpu.memory_space<vmem>>
    %dma_wait3A_75 = tpu.memref_squeeze %dma_wait3A_74 : memref<1x32xi32, #tpu.memory_space<vmem>> -> memref<32xi32, #tpu.memory_space<vmem>>
    %dma_wait3A_76 = arith.constant 0 : i32
    %dma_wait3A_77 = arith.constant 0 : i32
    %dma_wait3A_78 = tpu.memref_slice %arg2[%dma_wait3A_76, %dma_wait3A_77] : memref<7168x1024xf32, #tpu.memory_space<hbm>> -> memref<7168x1024xf32, #tpu.memory_space<hbm>>
    tpu.wait_indirect_dma semaphore(%arg10 : memref<!tpu.dma_semaphore, #tpu.memory_space<semaphore_mem>>) src(%dma_wait3A_78 : memref<7168x1024xf32, #tpu.memory_space<hbm>>) dst(%arg9 : memref<32x1024xf32, #tpu.memory_space<vmem>>)
    %add3A_79 = arith.constant 32 : i32
    %add3A_80 = arith.addi %mul3A_2, %add3A_79 : i32
    %dma_start3A_81 = arith.constant 0 : i32
    %dma_start3A_82 = tpu.memref_slice %arg6[%add3A_80, %dma_start3A_81] : memref<2048x1024xf32, #tpu.memory_space<hbm>> -> memref<32x1024xf32, #tpu.memory_space<hbm>>
    %dma_start3A_83 = arith.constant 0 : i32
    %dma_start3A_84 = tpu.memref_slice %arg6[%add3A_80, %dma_start3A_83] : memref<2048x1024xf32, #tpu.memory_space<hbm>> -> memref<32x1024xf32, #tpu.memory_space<hbm>>
    tpu.enqueue_dma source(%arg9 : memref<32x1024xf32, #tpu.memory_space<vmem>>) target(%dma_start3A_84 : memref<32x1024xf32, #tpu.memory_space<hbm>>) target_semaphore(%arg11 : memref<!tpu.dma_semaphore, #tpu.memory_space<semaphore_mem>>)
    %dma_wait3A_85 = arith.constant 0 : i32
    %dma_wait3A_86 = tpu.memref_slice %arg6[%mul3A_2, %dma_wait3A_85] : memref<2048x1024xf32, #tpu.memory_space<hbm>> -> memref<32x1024xf32, #tpu.memory_space<hbm>>
    %dma_wait3A_87 = arith.constant 0 : i32
    %dma_wait3A_88 = tpu.memref_slice %arg6[%mul3A_2, %dma_wait3A_87] : memref<2048x1024xf32, #tpu.memory_space<hbm>> -> memref<32x1024xf32, #tpu.memory_space<hbm>>
    tpu.wait_dma2 semaphore(%arg11 : memref<!tpu.dma_semaphore, #tpu.memory_space<semaphore_mem>>) src(%arg8 : memref<32x1024xf32, #tpu.memory_space<vmem>>) dst(%dma_wait3A_88 : memref<32x1024xf32, #tpu.memory_space<hbm>>)
    %dma_wait3A_89 = arith.constant 0 : i32
    %dma_wait3A_90 = tpu.memref_slice %arg6[%add3A_80, %dma_wait3A_89] : memref<2048x1024xf32, #tpu.memory_space<hbm>> -> memref<32x1024xf32, #tpu.memory_space<hbm>>
    %dma_wait3A_91 = arith.constant 0 : i32
    %dma_wait3A_92 = tpu.memref_slice %arg6[%add3A_80, %dma_wait3A_91] : memref<2048x1024xf32, #tpu.memory_space<hbm>> -> memref<32x1024xf32, #tpu.memory_space<hbm>>
    tpu.wait_dma2 semaphore(%arg11 : memref<!tpu.dma_semaphore, #tpu.memory_space<semaphore_mem>>) src(%arg9 : memref<32x1024xf32, #tpu.memory_space<vmem>>) dst(%dma_wait3A_92 : memref<32x1024xf32, #tpu.memory_space<hbm>>)
    return
  }
}

#map = affine_map<(d0, d1) -> (0, 0)>
#map1 = affine_map<(d0, d1) -> (0, 0, 0)>
module attributes {stable_mosaic.version = 14 : i64} {
  func.func @_sc_combine(%arg0: i32, %arg1: i32, %arg2: memref<7168x1024xf32, #tpu.memory_space<hbm>>, %arg3: memref<32x2x32xi32, #tpu.memory_space<hbm>>, %arg4: memref<32x2x32xi32, #tpu.memory_space<hbm>>, %arg5: memref<2048x1024xf32, #tpu.memory_space<hbm>>, %arg6: memref<2048x1024xf32, #tpu.memory_space<hbm>>, %arg7: memref<2x32xi32, #tpu.memory_space<vmem>>, %arg8: memref<32x1024xf32, #tpu.memory_space<vmem>>, %arg9: memref<32x1024xf32, #tpu.memory_space<vmem>>, %arg10: memref<!tpu.dma_semaphore, #tpu.memory_space<semaphore_mem>>, %arg11: memref<!tpu.dma_semaphore, #tpu.memory_space<semaphore_mem>>) attributes {dimension_semantics = [#tpu.dimension_semantics<core_parallel>, #tpu.dimension_semantics<subcore_parallel>], iteration_bounds = array<i64: 2, 16>, scalar_prefetch = 0 : i64, scratch_operands = 5 : i64, tpu.core_type = #tpu.core_type<sc_vector_subcore>, window_params = [{transform_indices = #map}, {transform_indices = #map1}, {transform_indices = #map1}, {transform_indices = #map}, {transform_indices = #map}]} {
    %mul3A = arith.constant 2 : i32
    %mul3A_0 = arith.muli %arg1, %mul3A : i32
    %add3A = arith.addi %mul3A_0, %arg0 : i32
    %mul3A_1 = arith.constant 64 : i32
    %mul3A_2 = arith.muli %add3A, %mul3A_1 : i32
    "tpu.region"() ({
      %run_scoped3A = tpu.sem_alloc : memref<!tpu.dma_semaphore, #tpu.memory_space<semaphore_mem>>
      %dma_start3A_93 = arith.constant 0 : i32
      %dma_start3A_94 = arith.constant 0 : i32
      %dma_start3A_95 = tpu.memref_slice %arg3[%add3A, %dma_start3A_93, %dma_start3A_94] : memref<32x2x32xi32, #tpu.memory_space<hbm>> -> memref<1x2x32xi32, #tpu.memory_space<hbm>>
      %dma_start3A_96 = tpu.memref_squeeze %dma_start3A_95 : memref<1x2x32xi32, #tpu.memory_space<hbm>> -> memref<2x32xi32, #tpu.memory_space<hbm>>
      %dma_start3A_97 = arith.constant 0 : i32
      %dma_start3A_98 = arith.constant 0 : i32
      %dma_start3A_99 = tpu.memref_slice %arg3[%add3A, %dma_start3A_97, %dma_start3A_98] : memref<32x2x32xi32, #tpu.memory_space<hbm>> -> memref<1x2x32xi32, #tpu.memory_space<hbm>>
      %dma_start3A_100 = tpu.memref_squeeze %dma_start3A_99 : memref<1x2x32xi32, #tpu.memory_space<hbm>> -> memref<2x32xi32, #tpu.memory_space<hbm>>
      tpu.enqueue_dma source(%dma_start3A_100 : memref<2x32xi32, #tpu.memory_space<hbm>>) target(%arg7 : memref<2x32xi32, #tpu.memory_space<vmem>>) target_semaphore(%run_scoped3A : memref<!tpu.dma_semaphore, #tpu.memory_space<semaphore_mem>>)
      %dma_wait3A_101 = arith.constant 0 : i32
      %dma_wait3A_102 = arith.constant 0 : i32
      %dma_wait3A_103 = tpu.memref_slice %arg3[%add3A, %dma_wait3A_101, %dma_wait3A_102] : memref<32x2x32xi32, #tpu.memory_space<hbm>> -> memref<1x2x32xi32, #tpu.memory_space<hbm>>
      %dma_wait3A_104 = tpu.memref_squeeze %dma_wait3A_103 : memref<1x2x32xi32, #tpu.memory_space<hbm>> -> memref<2x32xi32, #tpu.memory_space<hbm>>
      %dma_wait3A_105 = arith.constant 0 : i32
      %dma_wait3A_106 = arith.constant 0 : i32
      %dma_wait3A_107 = tpu.memref_slice %arg3[%add3A, %dma_wait3A_105, %dma_wait3A_106] : memref<32x2x32xi32, #tpu.memory_space<hbm>> -> memref<1x2x32xi32, #tpu.memory_space<hbm>>
      %dma_wait3A_108 = tpu.memref_squeeze %dma_wait3A_107 : memref<1x2x32xi32, #tpu.memory_space<hbm>> -> memref<2x32xi32, #tpu.memory_space<hbm>>
      tpu.wait_dma2 semaphore(%run_scoped3A : memref<!tpu.dma_semaphore, #tpu.memory_space<semaphore_mem>>) src(%dma_wait3A_108 : memref<2x32xi32, #tpu.memory_space<hbm>>) dst(%arg7 : memref<2x32xi32, #tpu.memory_space<vmem>>)
      tpu.yield
    }) : () -> ()
    %dma_start3A = arith.constant 0 : i32
    %dma_start3A_3 = arith.constant 0 : i32
    %dma_start3A_4 = tpu.memref_slice %arg7[%dma_start3A, %dma_start3A_3] : memref<2x32xi32, #tpu.memory_space<vmem>> -> memref<1x32xi32, #tpu.memory_space<vmem>>
    %dma_start3A_5 = tpu.memref_squeeze %dma_start3A_4 : memref<1x32xi32, #tpu.memory_space<vmem>> -> memref<32xi32, #tpu.memory_space<vmem>>
    %dma_start3A_6 = arith.constant 0 : i32
    %dma_start3A_7 = arith.constant 0 : i32
    %dma_start3A_8 = tpu.memref_slice %arg2[%dma_start3A_6, %dma_start3A_7] : memref<7168x1024xf32, #tpu.memory_space<hbm>> -> memref<7168x1024xf32, #tpu.memory_space<hbm>>
    tpu.enqueue_indirect_dma source(%dma_start3A_8 : memref<7168x1024xf32, #tpu.memory_space<hbm>>) target(%arg8 : memref<32x1024xf32, #tpu.memory_space<vmem>>) offsets(%dma_start3A_5 : memref<32xi32, #tpu.memory_space<vmem>>) semaphore(%arg10 : memref<!tpu.dma_semaphore, #tpu.memory_space<semaphore_mem>>)
    %dma_start3A_9 = arith.constant 1 : i32
    %dma_start3A_10 = arith.constant 0 : i32
    %dma_start3A_11 = tpu.memref_slice %arg7[%dma_start3A_9, %dma_start3A_10] : memref<2x32xi32, #tpu.memory_space<vmem>> -> memref<1x32xi32, #tpu.memory_space<vmem>>
    %dma_start3A_12 = tpu.memref_squeeze %dma_start3A_11 : memref<1x32xi32, #tpu.memory_space<vmem>> -> memref<32xi32, #tpu.memory_space<vmem>>
    %dma_start3A_13 = arith.constant 0 : i32
    %dma_start3A_14 = arith.constant 0 : i32
    %dma_start3A_15 = tpu.memref_slice %arg2[%dma_start3A_13, %dma_start3A_14] : memref<7168x1024xf32, #tpu.memory_space<hbm>> -> memref<7168x1024xf32, #tpu.memory_space<hbm>>
    tpu.enqueue_indirect_dma source(%dma_start3A_15 : memref<7168x1024xf32, #tpu.memory_space<hbm>>) target(%arg9 : memref<32x1024xf32, #tpu.memory_space<vmem>>) offsets(%dma_start3A_12 : memref<32xi32, #tpu.memory_space<vmem>>) semaphore(%arg10 : memref<!tpu.dma_semaphore, #tpu.memory_space<semaphore_mem>>)
    %dma_wait3A = arith.constant 0 : i32
    %dma_wait3A_16 = arith.constant 0 : i32
    %dma_wait3A_17 = tpu.memref_slice %arg7[%dma_wait3A, %dma_wait3A_16] : memref<2x32xi32, #tpu.memory_space<vmem>> -> memref<1x32xi32, #tpu.memory_space<vmem>>
    %dma_wait3A_18 = tpu.memref_squeeze %dma_wait3A_17 : memref<1x32xi32, #tpu.memory_space<vmem>> -> memref<32xi32, #tpu.memory_space<vmem>>
    %dma_wait3A_19 = arith.constant 0 : i32
    %dma_wait3A_20 = arith.constant 0 : i32
    %dma_wait3A_21 = tpu.memref_slice %arg2[%dma_wait3A_19, %dma_wait3A_20] : memref<7168x1024xf32, #tpu.memory_space<hbm>> -> memref<7168x1024xf32, #tpu.memory_space<hbm>>
    tpu.wait_indirect_dma semaphore(%arg10 : memref<!tpu.dma_semaphore, #tpu.memory_space<semaphore_mem>>) src(%dma_wait3A_21 : memref<7168x1024xf32, #tpu.memory_space<hbm>>) dst(%arg8 : memref<32x1024xf32, #tpu.memory_space<vmem>>)
    %dma_start3A_22 = arith.constant 0 : i32
    %dma_start3A_23 = tpu.memref_slice %arg5[%mul3A_2, %dma_start3A_22] : memref<2048x1024xf32, #tpu.memory_space<hbm>> -> memref<32x1024xf32, #tpu.memory_space<hbm>>
    %dma_start3A_24 = arith.constant 0 : i32
    %dma_start3A_25 = tpu.memref_slice %arg5[%mul3A_2, %dma_start3A_24] : memref<2048x1024xf32, #tpu.memory_space<hbm>> -> memref<32x1024xf32, #tpu.memory_space<hbm>>
    tpu.enqueue_dma source(%arg8 : memref<32x1024xf32, #tpu.memory_space<vmem>>) target(%dma_start3A_25 : memref<32x1024xf32, #tpu.memory_space<hbm>>) target_semaphore(%arg11 : memref<!tpu.dma_semaphore, #tpu.memory_space<semaphore_mem>>)
    %dma_wait3A_26 = arith.constant 1 : i32
    %dma_wait3A_27 = arith.constant 0 : i32
    %dma_wait3A_28 = tpu.memref_slice %arg7[%dma_wait3A_26, %dma_wait3A_27] : memref<2x32xi32, #tpu.memory_space<vmem>> -> memref<1x32xi32, #tpu.memory_space<vmem>>
    %dma_wait3A_29 = tpu.memref_squeeze %dma_wait3A_28 : memref<1x32xi32, #tpu.memory_space<vmem>> -> memref<32xi32, #tpu.memory_space<vmem>>
    %dma_wait3A_30 = arith.constant 0 : i32
    %dma_wait3A_31 = arith.constant 0 : i32
    %dma_wait3A_32 = tpu.memref_slice %arg2[%dma_wait3A_30, %dma_wait3A_31] : memref<7168x1024xf32, #tpu.memory_space<hbm>> -> memref<7168x1024xf32, #tpu.memory_space<hbm>>
    tpu.wait_indirect_dma semaphore(%arg10 : memref<!tpu.dma_semaphore, #tpu.memory_space<semaphore_mem>>) src(%dma_wait3A_32 : memref<7168x1024xf32, #tpu.memory_space<hbm>>) dst(%arg9 : memref<32x1024xf32, #tpu.memory_space<vmem>>)
    %add3A_33 = arith.constant 32 : i32
    %add3A_34 = arith.addi %mul3A_2, %add3A_33 : i32
    %dma_start3A_35 = arith.constant 0 : i32
    %dma_start3A_36 = tpu.memref_slice %arg5[%add3A_34, %dma_start3A_35] : memref<2048x1024xf32, #tpu.memory_space<hbm>> -> memref<32x1024xf32, #tpu.memory_space<hbm>>
    %dma_start3A_37 = arith.constant 0 : i32
    %dma_start3A_38 = tpu.memref_slice %arg5[%add3A_34, %dma_start3A_37] : memref<2048x1024xf32, #tpu.memory_space<hbm>> -> memref<32x1024xf32, #tpu.memory_space<hbm>>
    tpu.enqueue_dma source(%arg9 : memref<32x1024xf32, #tpu.memory_space<vmem>>) target(%dma_start3A_38 : memref<32x1024xf32, #tpu.memory_space<hbm>>) target_semaphore(%arg11 : memref<!tpu.dma_semaphore, #tpu.memory_space<semaphore_mem>>)
    %dma_wait3A_39 = arith.constant 0 : i32
    %dma_wait3A_40 = tpu.memref_slice %arg5[%mul3A_2, %dma_wait3A_39] : memref<2048x1024xf32, #tpu.memory_space<hbm>> -> memref<32x1024xf32, #tpu.memory_space<hbm>>
    %dma_wait3A_41 = arith.constant 0 : i32
    %dma_wait3A_42 = tpu.memref_slice %arg5[%mul3A_2, %dma_wait3A_41] : memref<2048x1024xf32, #tpu.memory_space<hbm>> -> memref<32x1024xf32, #tpu.memory_space<hbm>>
    tpu.wait_dma2 semaphore(%arg11 : memref<!tpu.dma_semaphore, #tpu.memory_space<semaphore_mem>>) src(%arg8 : memref<32x1024xf32, #tpu.memory_space<vmem>>) dst(%dma_wait3A_42 : memref<32x1024xf32, #tpu.memory_space<hbm>>)
    %dma_wait3A_43 = arith.constant 0 : i32
    %dma_wait3A_44 = tpu.memref_slice %arg5[%add3A_34, %dma_wait3A_43] : memref<2048x1024xf32, #tpu.memory_space<hbm>> -> memref<32x1024xf32, #tpu.memory_space<hbm>>
    %dma_wait3A_45 = arith.constant 0 : i32
    %dma_wait3A_46 = tpu.memref_slice %arg5[%add3A_34, %dma_wait3A_45] : memref<2048x1024xf32, #tpu.memory_space<hbm>> -> memref<32x1024xf32, #tpu.memory_space<hbm>>
    tpu.wait_dma2 semaphore(%arg11 : memref<!tpu.dma_semaphore, #tpu.memory_space<semaphore_mem>>) src(%arg9 : memref<32x1024xf32, #tpu.memory_space<vmem>>) dst(%dma_wait3A_46 : memref<32x1024xf32, #tpu.memory_space<hbm>>)
    "tpu.region"() ({
      %run_scoped3A = tpu.sem_alloc : memref<!tpu.dma_semaphore, #tpu.memory_space<semaphore_mem>>
      %dma_start3A_93 = arith.constant 0 : i32
      %dma_start3A_94 = arith.constant 0 : i32
      %dma_start3A_95 = tpu.memref_slice %arg4[%add3A, %dma_start3A_93, %dma_start3A_94] : memref<32x2x32xi32, #tpu.memory_space<hbm>> -> memref<1x2x32xi32, #tpu.memory_space<hbm>>
      %dma_start3A_96 = tpu.memref_squeeze %dma_start3A_95 : memref<1x2x32xi32, #tpu.memory_space<hbm>> -> memref<2x32xi32, #tpu.memory_space<hbm>>
      %dma_start3A_97 = arith.constant 0 : i32
      %dma_start3A_98 = arith.constant 0 : i32
      %dma_start3A_99 = tpu.memref_slice %arg4[%add3A, %dma_start3A_97, %dma_start3A_98] : memref<32x2x32xi32, #tpu.memory_space<hbm>> -> memref<1x2x32xi32, #tpu.memory_space<hbm>>
      %dma_start3A_100 = tpu.memref_squeeze %dma_start3A_99 : memref<1x2x32xi32, #tpu.memory_space<hbm>> -> memref<2x32xi32, #tpu.memory_space<hbm>>
      tpu.enqueue_dma source(%dma_start3A_100 : memref<2x32xi32, #tpu.memory_space<hbm>>) target(%arg7 : memref<2x32xi32, #tpu.memory_space<vmem>>) target_semaphore(%run_scoped3A : memref<!tpu.dma_semaphore, #tpu.memory_space<semaphore_mem>>)
      %dma_wait3A_101 = arith.constant 0 : i32
      %dma_wait3A_102 = arith.constant 0 : i32
      %dma_wait3A_103 = tpu.memref_slice %arg4[%add3A, %dma_wait3A_101, %dma_wait3A_102] : memref<32x2x32xi32, #tpu.memory_space<hbm>> -> memref<1x2x32xi32, #tpu.memory_space<hbm>>
      %dma_wait3A_104 = tpu.memref_squeeze %dma_wait3A_103 : memref<1x2x32xi32, #tpu.memory_space<hbm>> -> memref<2x32xi32, #tpu.memory_space<hbm>>
      %dma_wait3A_105 = arith.constant 0 : i32
      %dma_wait3A_106 = arith.constant 0 : i32
      %dma_wait3A_107 = tpu.memref_slice %arg4[%add3A, %dma_wait3A_105, %dma_wait3A_106] : memref<32x2x32xi32, #tpu.memory_space<hbm>> -> memref<1x2x32xi32, #tpu.memory_space<hbm>>
      %dma_wait3A_108 = tpu.memref_squeeze %dma_wait3A_107 : memref<1x2x32xi32, #tpu.memory_space<hbm>> -> memref<2x32xi32, #tpu.memory_space<hbm>>
      tpu.wait_dma2 semaphore(%run_scoped3A : memref<!tpu.dma_semaphore, #tpu.memory_space<semaphore_mem>>) src(%dma_wait3A_108 : memref<2x32xi32, #tpu.memory_space<hbm>>) dst(%arg7 : memref<2x32xi32, #tpu.memory_space<vmem>>)
      tpu.yield
    }) : () -> ()
    %dma_start3A_47 = arith.constant 0 : i32
    %dma_start3A_48 = arith.constant 0 : i32
    %dma_start3A_49 = tpu.memref_slice %arg7[%dma_start3A_47, %dma_start3A_48] : memref<2x32xi32, #tpu.memory_space<vmem>> -> memref<1x32xi32, #tpu.memory_space<vmem>>
    %dma_start3A_50 = tpu.memref_squeeze %dma_start3A_49 : memref<1x32xi32, #tpu.memory_space<vmem>> -> memref<32xi32, #tpu.memory_space<vmem>>
    %dma_start3A_51 = arith.constant 0 : i32
    %dma_start3A_52 = arith.constant 0 : i32
    %dma_start3A_53 = tpu.memref_slice %arg2[%dma_start3A_51, %dma_start3A_52] : memref<7168x1024xf32, #tpu.memory_space<hbm>> -> memref<7168x1024xf32, #tpu.memory_space<hbm>>
    tpu.enqueue_indirect_dma source(%dma_start3A_53 : memref<7168x1024xf32, #tpu.memory_space<hbm>>) target(%arg8 : memref<32x1024xf32, #tpu.memory_space<vmem>>) offsets(%dma_start3A_50 : memref<32xi32, #tpu.memory_space<vmem>>) semaphore(%arg10 : memref<!tpu.dma_semaphore, #tpu.memory_space<semaphore_mem>>)
    %dma_start3A_54 = arith.constant 1 : i32
    %dma_start3A_55 = arith.constant 0 : i32
    %dma_start3A_56 = tpu.memref_slice %arg7[%dma_start3A_54, %dma_start3A_55] : memref<2x32xi32, #tpu.memory_space<vmem>> -> memref<1x32xi32, #tpu.memory_space<vmem>>
    %dma_start3A_57 = tpu.memref_squeeze %dma_start3A_56 : memref<1x32xi32, #tpu.memory_space<vmem>> -> memref<32xi32, #tpu.memory_space<vmem>>
    %dma_start3A_58 = arith.constant 0 : i32
    %dma_start3A_59 = arith.constant 0 : i32
    %dma_start3A_60 = tpu.memref_slice %arg2[%dma_start3A_58, %dma_start3A_59] : memref<7168x1024xf32, #tpu.memory_space<hbm>> -> memref<7168x1024xf32, #tpu.memory_space<hbm>>
    tpu.enqueue_indirect_dma source(%dma_start3A_60 : memref<7168x1024xf32, #tpu.memory_space<hbm>>) target(%arg9 : memref<32x1024xf32, #tpu.memory_space<vmem>>) offsets(%dma_start3A_57 : memref<32xi32, #tpu.memory_space<vmem>>) semaphore(%arg10 : memref<!tpu.dma_semaphore, #tpu.memory_space<semaphore_mem>>)
    %dma_wait3A_61 = arith.constant 0 : i32
    %dma_wait3A_62 = arith.constant 0 : i32
    %dma_wait3A_63 = tpu.memref_slice %arg7[%dma_wait3A_61, %dma_wait3A_62] : memref<2x32xi32, #tpu.memory_space<vmem>> -> memref<1x32xi32, #tpu.memory_space<vmem>>
    %dma_wait3A_64 = tpu.memref_squeeze %dma_wait3A_63 : memref<1x32xi32, #tpu.memory_space<vmem>> -> memref<32xi32, #tpu.memory_space<vmem>>
    %dma_wait3A_65 = arith.constant 0 : i32
    %dma_wait3A_66 = arith.constant 0 : i32
    %dma_wait3A_67 = tpu.memref_slice %arg2[%dma_wait3A_65, %dma_wait3A_66] : memref<7168x1024xf32, #tpu.memory_space<hbm>> -> memref<7168x1024xf32, #tpu.memory_space<hbm>>
    tpu.wait_indirect_dma semaphore(%arg10 : memref<!tpu.dma_semaphore, #tpu.memory_space<semaphore_mem>>) src(%dma_wait3A_67 : memref<7168x1024xf32, #tpu.memory_space<hbm>>) dst(%arg8 : memref<32x1024xf32, #tpu.memory_space<vmem>>)
    %dma_start3A_68 = arith.constant 0 : i32
    %dma_start3A_69 = tpu.memref_slice %arg6[%mul3A_2, %dma_start3A_68] : memref<2048x1024xf32, #tpu.memory_space<hbm>> -> memref<32x1024xf32, #tpu.memory_space<hbm>>
    %dma_start3A_70 = arith.constant 0 : i32
    %dma_start3A_71 = tpu.memref_slice %arg6[%mul3A_2, %dma_start3A_70] : memref<2048x1024xf32, #tpu.memory_space<hbm>> -> memref<32x1024xf32, #tpu.memory_space<hbm>>
    tpu.enqueue_dma source(%arg8 : memref<32x1024xf32, #tpu.memory_space<vmem>>) target(%dma_start3A_71 : memref<32x1024xf32, #tpu.memory_space<hbm>>) target_semaphore(%arg11 : memref<!tpu.dma_semaphore, #tpu.memory_space<semaphore_mem>>)
    %dma_wait3A_72 = arith.constant 1 : i32
    %dma_wait3A_73 = arith.constant 0 : i32
    %dma_wait3A_74 = tpu.memref_slice %arg7[%dma_wait3A_72, %dma_wait3A_73] : memref<2x32xi32, #tpu.memory_space<vmem>> -> memref<1x32xi32, #tpu.memory_space<vmem>>
    %dma_wait3A_75 = tpu.memref_squeeze %dma_wait3A_74 : memref<1x32xi32, #tpu.memory_space<vmem>> -> memref<32xi32, #tpu.memory_space<vmem>>
    %dma_wait3A_76 = arith.constant 0 : i32
    %dma_wait3A_77 = arith.constant 0 : i32
    %dma_wait3A_78 = tpu.memref_slice %arg2[%dma_wait3A_76, %dma_wait3A_77] : memref<7168x1024xf32, #tpu.memory_space<hbm>> -> memref<7168x1024xf32, #tpu.memory_space<hbm>>
    tpu.wait_indirect_dma semaphore(%arg10 : memref<!tpu.dma_semaphore, #tpu.memory_space<semaphore_mem>>) src(%dma_wait3A_78 : memref<7168x1024xf32, #tpu.memory_space<hbm>>) dst(%arg9 : memref<32x1024xf32, #tpu.memory_space<vmem>>)
    %add3A_79 = arith.constant 32 : i32
    %add3A_80 = arith.addi %mul3A_2, %add3A_79 : i32
    %dma_start3A_81 = arith.constant 0 : i32
    %dma_start3A_82 = tpu.memref_slice %arg6[%add3A_80, %dma_start3A_81] : memref<2048x1024xf32, #tpu.memory_space<hbm>> -> memref<32x1024xf32, #tpu.memory_space<hbm>>
    %dma_start3A_83 = arith.constant 0 : i32
    %dma_start3A_84 = tpu.memref_slice %arg6[%add3A_80, %dma_start3A_83] : memref<2048x1024xf32, #tpu.memory_space<hbm>> -> memref<32x1024xf32, #tpu.memory_space<hbm>>
    tpu.enqueue_dma source(%arg9 : memref<32x1024xf32, #tpu.memory_space<vmem>>) target(%dma_start3A_84 : memref<32x1024xf32, #tpu.memory_space<hbm>>) target_semaphore(%arg11 : memref<!tpu.dma_semaphore, #tpu.memory_space<semaphore_mem>>)
    %dma_wait3A_85 = arith.constant 0 : i32
    %dma_wait3A_86 = tpu.memref_slice %arg6[%mul3A_2, %dma_wait3A_85] : memref<2048x1024xf32, #tpu.memory_space<hbm>> -> memref<32x1024xf32, #tpu.memory_space<hbm>>
    %dma_wait3A_87 = arith.constant 0 : i32
    %dma_wait3A_88 = tpu.memref_slice %arg6[%mul3A_2, %dma_wait3A_87] : memref<2048x1024xf32, #tpu.memory_space<hbm>> -> memref<32x1024xf32, #tpu.memory_space<hbm>>
    tpu.wait_dma2 semaphore(%arg11 : memref<!tpu.dma_semaphore, #tpu.memory_space<semaphore_mem>>) src(%arg8 : memref<32x1024xf32, #tpu.memory_space<vmem>>) dst(%dma_wait3A_88 : memref<32x1024xf32, #tpu.memory_space<hbm>>)
    %dma_wait3A_89 = arith.constant 0 : i32
    %dma_wait3A_90 = tpu.memref_slice %arg6[%add3A_80, %dma_wait3A_89] : memref<2048x1024xf32, #tpu.memory_space<hbm>> -> memref<32x1024xf32, #tpu.memory_space<hbm>>
    %dma_wait3A_91 = arith.constant 0 : i32
    %dma_wait3A_92 = tpu.memref_slice %arg6[%add3A_80, %dma_wait3A_91] : memref<2048x1024xf32, #tpu.memory_space<hbm>> -> memref<32x1024xf32, #tpu.memory_space<hbm>>
    tpu.wait_dma2 semaphore(%arg11 : memref<!tpu.dma_semaphore, #tpu.memory_space<semaphore_mem>>) src(%arg9 : memref<32x1024xf32, #tpu.memory_space<vmem>>) dst(%dma_wait3A_92 : memref<32x1024xf32, #tpu.memory_space<hbm>>)
    return
  }
}

module attributes {stable_mosaic.version = 14 : i64} {
  func.func @_dense_gate_body(%arg0: i32, %arg1: memref<512x1024xbf16, #tpu.memory_space<vmem>>, %arg2: memref<1024x1024xbf16, #tpu.memory_space<vmem>>, %arg3: memref<1024x1024xbf16, #tpu.memory_space<vmem>>, %arg4: memref<1024x128xf32, #tpu.memory_space<vmem>>, %arg5: memref<1x1024xf32, #tpu.memory_space<vmem>>, %arg6: memref<1x1024xf32, #tpu.memory_space<vmem>>, %arg7: memref<512x1024xf32, #tpu.memory_space<vmem>>, %arg8: memref<512x128xf32, #tpu.memory_space<vmem>>) attributes {dimension_semantics = [#tpu.dimension_semantics<arbitrary>], iteration_bounds = array<i64: 4>, scalar_prefetch = 0 : i64, scratch_operands = 0 : i64, tpu.core_type = #tpu.core_type<tc>, window_params = [{transform_indices = @transform_0, window_bounds = array<i64: 512, 1024>}, {pipeline_mode = #tpu.pipeline_mode<synchronous>, transform_indices = @transform_1, window_bounds = array<i64: 1024, 1024>}, {pipeline_mode = #tpu.pipeline_mode<synchronous>, transform_indices = @transform_2, window_bounds = array<i64: 1024, 1024>}, {pipeline_mode = #tpu.pipeline_mode<synchronous>, transform_indices = @transform_3, window_bounds = array<i64: 1024, 128>}, {pipeline_mode = #tpu.pipeline_mode<synchronous>, transform_indices = @transform_4, window_bounds = array<i64: 1, 1024>}, {pipeline_mode = #tpu.pipeline_mode<synchronous>, transform_indices = @transform_5, window_bounds = array<i64: 1, 1024>}, {transform_indices = @transform_6, window_bounds = array<i64: 512, 1024>}, {transform_indices = @transform_7, window_bounds = array<i64: 512, 128>}]} {
    %get3A = arith.constant 0 : index
    %get3A_0 = arith.constant 0 : index
    %get3A_1 = vector.load %arg1[%get3A, %get3A_0] : memref<512x1024xbf16, #tpu.memory_space<vmem>>, vector<512x1024xbf16>
    %get3A_2 = arith.constant 0 : index
    %get3A_3 = arith.constant 0 : index
    %get3A_4 = vector.load %arg2[%get3A_2, %get3A_3] : memref<1024x1024xbf16, #tpu.memory_space<vmem>>, vector<1024x1024xbf16>
    %dot_general3A = arith.constant dense<0.000000e+00> : vector<512x1024xf32>
    %dot_general3A_5 = tpu.matmul %get3A_1, %get3A_4, %dot_general3A {dimension_numbers = #tpu.dot_dimension_numbers<[1], [0], [0], [1], [0, 0, 1, 1], [], []>, transpose_lhs_hint = false} : vector<512x1024xbf16>, vector<1024x1024xbf16>, vector<512x1024xf32> -> vector<512x1024xf32>
    %get3A_6 = arith.constant 0 : index
    %get3A_7 = arith.constant 0 : index
    %get3A_8 = vector.load %arg5[%get3A_6, %get3A_7] : memref<1x1024xf32, #tpu.memory_space<vmem>>, vector<1x1024xf32>
    %add3A = vector.broadcast %get3A_8 : vector<1x1024xf32> to vector<512x1024xf32>
    %add3A_9 = arith.addf %dot_general3A_5, %add3A : vector<512x1024xf32>
    %max3A = arith.constant 0.000000e+00 : f32
    %max3A_10 = vector.broadcast %max3A : f32 to vector<512x1024xf32>
    %max3A_11 = arith.maximumf %add3A_9, %max3A_10 : vector<512x1024xf32>
    %convert_element_type3A = arith.truncf %max3A_11 : vector<512x1024xf32> to vector<512x1024xbf16>
    %get3A_12 = arith.constant 0 : index
    %get3A_13 = arith.constant 0 : index
    %get3A_14 = vector.load %arg3[%get3A_12, %get3A_13] : memref<1024x1024xbf16, #tpu.memory_space<vmem>>, vector<1024x1024xbf16>
    %dot_general3A_15 = arith.constant dense<0.000000e+00> : vector<512x1024xf32>
    %dot_general3A_16 = tpu.matmul %convert_element_type3A, %get3A_14, %dot_general3A_15 {dimension_numbers = #tpu.dot_dimension_numbers<[1], [0], [0], [1], [0, 0, 1, 1], [], []>, transpose_lhs_hint = false} : vector<512x1024xbf16>, vector<1024x1024xbf16>, vector<512x1024xf32> -> vector<512x1024xf32>
    %get3A_17 = arith.constant 0 : index
    %get3A_18 = arith.constant 0 : index
    %get3A_19 = vector.load %arg6[%get3A_17, %get3A_18] : memref<1x1024xf32, #tpu.memory_space<vmem>>, vector<1x1024xf32>
    %add3A_20 = vector.broadcast %get3A_19 : vector<1x1024xf32> to vector<512x1024xf32>
    %add3A_21 = arith.addf %dot_general3A_16, %add3A_20 : vector<512x1024xf32>
    %max3A_22 = arith.constant 0.000000e+00 : f32
    %max3A_23 = vector.broadcast %max3A_22 : f32 to vector<512x1024xf32>
    %max3A_24 = arith.maximumf %add3A_21, %max3A_23 : vector<512x1024xf32>
    %swap3A = arith.constant 0 : index
    %swap3A_25 = arith.constant 0 : index
    %swap3A_26 = vector.load %arg7[%swap3A, %swap3A_25] : memref<512x1024xf32, #tpu.memory_space<vmem>>, vector<512x1024xf32>
    tpu.vector_store %arg7[%swap3A, %swap3A_25], %max3A_24 {strides = array<i32>} : memref<512x1024xf32, #tpu.memory_space<vmem>>, vector<512x1024xf32>,
    %get3A_27 = arith.constant 0 : index
    %get3A_28 = arith.constant 0 : index
    %get3A_29 = vector.load %arg4[%get3A_27, %get3A_28] : memref<1024x128xf32, #tpu.memory_space<vmem>>, vector<1024x128xf32>
    %dot_general3A_30 = arith.constant dense<0.000000e+00> : vector<512x128xf32>
    %dot_general3A_31 = tpu.matmul %max3A_24, %get3A_29, %dot_general3A_30 {dimension_numbers = #tpu.dot_dimension_numbers<[1], [0], [0], [1], [0, 0, 1, 1], [], []>, transpose_lhs_hint = false} : vector<512x1024xf32>, vector<1024x128xf32>, vector<512x128xf32> -> vector<512x128xf32>
    %iota3A = tpu.iota {dimensions = array<i32: 1>} : vector<512x128xi32>
    %lt3A = arith.constant 6 : i32
    %lt3A_32 = vector.broadcast %lt3A : i32 to vector<512x128xi32>
    %lt3A_33 = arith.cmpi slt, %iota3A, %lt3A_32 : vector<512x128xi32>
    %jit3A = arith.constant -1.000000e+30 : f32
    %broadcast_in_dim3A = vector.broadcast %jit3A : f32 to vector<512x128xf32>
    %select_n3A = arith.select %lt3A_33, %dot_general3A_31, %broadcast_in_dim3A : vector<512x128xi1>, vector<512x128xf32>
    %reduce_max3A = arith.constant dense<0xFF800000> : vector<512xf32>
    %reduce_max3A_34 = vector.multi_reduction <maximumf>, %select_n3A, %reduce_max3A [1] : vector<512x128xf32> to vector<512xf32>
    %broadcast_in_dim3A_35 = vector.shape_cast %reduce_max3A_34 : vector<512xf32> to vector<512x1xf32>
    %eq3A = vector.broadcast %broadcast_in_dim3A_35 : vector<512x1xf32> to vector<512x128xf32>
    %eq3A_36 = arith.cmpf oeq, %select_n3A, %eq3A : vector<512x128xf32>
    %jit3A_37 = arith.constant 127 : i32
    %broadcast_in_dim3A_38 = vector.broadcast %jit3A_37 : i32 to vector<512x128xi32>
    %select_n3A_39 = arith.select %eq3A_36, %iota3A, %broadcast_in_dim3A_38 : vector<512x128xi1>, vector<512x128xi32>
    %reduce_min3A = arith.constant dense<2147483647> : vector<512xi32>
    %reduce_min3A_40 = vector.multi_reduction <minsi>, %select_n3A_39, %reduce_min3A [1] : vector<512x128xi32> to vector<512xi32>
    %broadcast_in_dim3A_41 = vector.shape_cast %reduce_min3A_40 : vector<512xi32> to vector<512x1xi32>
    %eq3A_42 = vector.broadcast %broadcast_in_dim3A_41 : vector<512x1xi32> to vector<512x128xi32>
    %eq3A_43 = arith.cmpi eq, %iota3A, %eq3A_42 : vector<512x128xi32>
    %jit3A_44 = arith.constant -1.000000e+30 : f32
    %broadcast_in_dim3A_45 = vector.broadcast %jit3A_44 : f32 to vector<512x128xf32>
    %select_n3A_46 = arith.select %eq3A_43, %broadcast_in_dim3A_45, %select_n3A : vector<512x128xi1>, vector<512x128xf32>
    %reduce_max3A_47 = arith.constant dense<0xFF800000> : vector<512xf32>
    %reduce_max3A_48 = vector.multi_reduction <maximumf>, %select_n3A_46, %reduce_max3A_47 [1] : vector<512x128xf32> to vector<512xf32>
    %broadcast_in_dim3A_49 = vector.shape_cast %reduce_max3A_48 : vector<512xf32> to vector<512x1xf32>
    %eq3A_50 = vector.broadcast %broadcast_in_dim3A_49 : vector<512x1xf32> to vector<512x128xf32>
    %eq3A_51 = arith.cmpf oeq, %select_n3A_46, %eq3A_50 : vector<512x128xf32>
    %jit3A_52 = arith.constant 127 : i32
    %broadcast_in_dim3A_53 = vector.broadcast %jit3A_52 : i32 to vector<512x128xi32>
    %select_n3A_54 = arith.select %eq3A_51, %iota3A, %broadcast_in_dim3A_53 : vector<512x128xi1>, vector<512x128xi32>
    %reduce_min3A_55 = arith.constant dense<2147483647> : vector<512xi32>
    %reduce_min3A_56 = vector.multi_reduction <minsi>, %select_n3A_54, %reduce_min3A_55 [1] : vector<512x128xi32> to vector<512xi32>
    %broadcast_in_dim3A_57 = vector.shape_cast %reduce_min3A_56 : vector<512xi32> to vector<512x1xi32>
    %sub3A = vector.broadcast %broadcast_in_dim3A_35 : vector<512x1xf32> to vector<512x128xf32>
    %sub3A_58 = arith.subf %select_n3A, %sub3A : vector<512x128xf32>
    %exp3A = math.exp %sub3A_58 : vector<512x128xf32>
    %reduce_sum3A = arith.constant dense<0.000000e+00> : vector<512xf32>
    %reduce_sum3A_59 = vector.multi_reduction <add>, %exp3A, %reduce_sum3A [1] : vector<512x128xf32> to vector<512xf32>
    %broadcast_in_dim3A_60 = vector.shape_cast %reduce_sum3A_59 : vector<512xf32> to vector<512x1xf32>
    %div3A = arith.constant 1.000000e+00 : f32
    %div3A_61 = vector.broadcast %div3A : f32 to vector<512x1xf32>
    %div3A_62 = arith.divf %div3A_61, %broadcast_in_dim3A_60 : vector<512x1xf32>
    %sub3A_63 = arith.subf %broadcast_in_dim3A_49, %broadcast_in_dim3A_35 : vector<512x1xf32>
    %exp3A_64 = math.exp %sub3A_63 : vector<512x1xf32>
    %div3A_65 = arith.divf %exp3A_64, %broadcast_in_dim3A_60 : vector<512x1xf32>
    %add3A_66 = arith.addf %div3A_62, %div3A_65 : vector<512x1xf32>
    %add3A_67 = arith.constant 9.99999971E-10 : f32
    %add3A_68 = vector.broadcast %add3A_67 : f32 to vector<512x1xf32>
    %add3A_69 = arith.addf %add3A_66, %add3A_68 : vector<512x1xf32>
    %div3A_70 = arith.divf %div3A_62, %add3A_69 : vector<512x1xf32>
    %div3A_71 = arith.divf %div3A_65, %add3A_69 : vector<512x1xf32>
    %eq3A_72 = arith.constant 0 : i32
    %eq3A_73 = vector.broadcast %eq3A_72 : i32 to vector<512x128xi32>
    %eq3A_74 = arith.cmpi eq, %iota3A, %eq3A_73 : vector<512x128xi32>
    %convert_element_type3A_75 = arith.sitofp %broadcast_in_dim3A_41 : vector<512x1xi32> to vector<512x1xf32>
    %eq3A_76 = arith.constant 1 : i32
    %eq3A_77 = vector.broadcast %eq3A_76 : i32 to vector<512x128xi32>
    %eq3A_78 = arith.cmpi eq, %iota3A, %eq3A_77 : vector<512x128xi32>
    %convert_element_type3A_79 = arith.sitofp %broadcast_in_dim3A_57 : vector<512x1xi32> to vector<512x1xf32>
    %eq3A_80 = arith.constant 2 : i32
    %eq3A_81 = vector.broadcast %eq3A_80 : i32 to vector<512x128xi32>
    %eq3A_82 = arith.cmpi eq, %iota3A, %eq3A_81 : vector<512x128xi32>
    %eq3A_83 = arith.constant 3 : i32
    %eq3A_84 = vector.broadcast %eq3A_83 : i32 to vector<512x128xi32>
    %eq3A_85 = arith.cmpi eq, %iota3A, %eq3A_84 : vector<512x128xi32>
    %jit3A_86 = arith.constant 0.000000e+00 : f32
    %broadcast_in_dim3A_87 = vector.shape_cast %div3A_71 : vector<512x1xf32> to vector<512x1xf32>
    %broadcast_in_dim3A_88 = vector.broadcast %broadcast_in_dim3A_87 : vector<512x1xf32> to vector<512x128xf32>
    %broadcast_in_dim3A_89 = vector.broadcast %jit3A_86 : f32 to vector<512x128xf32>
    %select_n3A_90 = arith.select %eq3A_85, %broadcast_in_dim3A_88, %broadcast_in_dim3A_89 : vector<512x128xi1>, vector<512x128xf32>
    %broadcast_in_dim3A_91 = vector.shape_cast %div3A_70 : vector<512x1xf32> to vector<512x1xf32>
    %broadcast_in_dim3A_92 = vector.broadcast %broadcast_in_dim3A_91 : vector<512x1xf32> to vector<512x128xf32>
    %select_n3A_93 = arith.select %eq3A_82, %broadcast_in_dim3A_92, %select_n3A_90 : vector<512x128xi1>, vector<512x128xf32>
    %broadcast_in_dim3A_94 = vector.shape_cast %convert_element_type3A_79 : vector<512x1xf32> to vector<512x1xf32>
    %broadcast_in_dim3A_95 = vector.broadcast %broadcast_in_dim3A_94 : vector<512x1xf32> to vector<512x128xf32>
    %select_n3A_96 = arith.select %eq3A_78, %broadcast_in_dim3A_95, %select_n3A_93 : vector<512x128xi1>, vector<512x128xf32>
    %broadcast_in_dim3A_97 = vector.shape_cast %convert_element_type3A_75 : vector<512x1xf32> to vector<512x1xf32>
    %broadcast_in_dim3A_98 = vector.broadcast %broadcast_in_dim3A_97 : vector<512x1xf32> to vector<512x128xf32>
    %select_n3A_99 = arith.select %eq3A_74, %broadcast_in_dim3A_98, %select_n3A_96 : vector<512x128xi1>, vector<512x128xf32>
    %swap3A_100 = arith.constant 0 : index
    %swap3A_101 = arith.constant 0 : index
    %swap3A_102 = vector.load %arg8[%swap3A_100, %swap3A_101] : memref<512x128xf32, #tpu.memory_space<vmem>>, vector<512x128xf32>
    tpu.vector_store %arg8[%swap3A_100, %swap3A_101], %select_n3A_99 {strides = array<i32>} : memref<512x128xf32, #tpu.memory_space<vmem>>, vector<512x128xf32>,
    return
  }
  func.func @transform_0(%arg0: i32) -> (i32, i32) {
    %c0_i32 = arith.constant 0 : i32
    %c0_i32_0 = arith.constant 0 : i32
    return %arg0, %c0_i32 : i32, i32
  }
  func.func @transform_1(%arg0: i32) -> (i32, i32) {
    %c0_i32 = arith.constant 0 : i32
    %c0_i32_0 = arith.constant 0 : i32
    %c0_i32_1 = arith.constant 0 : i32
    return %c0_i32, %c0_i32_0 : i32, i32
  }
  func.func @transform_2(%arg0: i32) -> (i32, i32) {
    %c0_i32 = arith.constant 0 : i32
    %c0_i32_0 = arith.constant 0 : i32
    %c0_i32_1 = arith.constant 0 : i32
    return %c0_i32, %c0_i32_0 : i32, i32
  }
  func.func @transform_3(%arg0: i32) -> (i32, i32) {
    %c0_i32 = arith.constant 0 : i32
    %c0_i32_0 = arith.constant 0 : i32
    %c0_i32_1 = arith.constant 0 : i32
    return %c0_i32, %c0_i32_0 : i32, i32
  }
  func.func @transform_4(%arg0: i32) -> (i32, i32) {
    %c0_i32 = arith.constant 0 : i32
    %c0_i32_0 = arith.constant 0 : i32
    %c0_i32_1 = arith.constant 0 : i32
    return %c0_i32, %c0_i32_0 : i32, i32
  }
  func.func @transform_5(%arg0: i32) -> (i32, i32) {
    %c0_i32 = arith.constant 0 : i32
    %c0_i32_0 = arith.constant 0 : i32
    %c0_i32_1 = arith.constant 0 : i32
    return %c0_i32, %c0_i32_0 : i32, i32
  }
  func.func @transform_6(%arg0: i32) -> (i32, i32) {
    %c0_i32 = arith.constant 0 : i32
    %c0_i32_0 = arith.constant 0 : i32
    return %arg0, %c0_i32 : i32, i32
  }
  func.func @transform_7(%arg0: i32) -> (i32, i32) {
    %c0_i32 = arith.constant 0 : i32
    %c0_i32_0 = arith.constant 0 : i32
    return %arg0, %c0_i32 : i32, i32
  }
}

module attributes {stable_mosaic.version = 14 : i64} {
  func.func @_sort_body(%arg0: i32, %arg1: i32, %arg2: memref<512x128xf32, #tpu.memory_space<vmem>>, %arg3: memref<1x4x128xi32, #tpu.memory_space<vmem>>, %arg4: memref<8x128xi32, #tpu.memory_space<vmem>>, %arg5: memref<8x128xf32, #tpu.memory_space<vmem>>, %arg6: memref<1x128xf32, #tpu.memory_space<vmem>>, %arg7: memref<1x128xf32, #tpu.memory_space<vmem>>) attributes {dimension_semantics = [#tpu.dimension_semantics<arbitrary>, #tpu.dimension_semantics<arbitrary>], iteration_bounds = array<i64: 2, 8>, scalar_prefetch = 0 : i64, scratch_operands = 3 : i64, tpu.core_type = #tpu.core_type<tc>, window_params = [{transform_indices = @transform_0, window_bounds = array<i64: 512, 128>}, {transform_indices = @transform_1, window_bounds = array<i64: 1, 4, 128>}, {pipeline_mode = #tpu.pipeline_mode<synchronous>, transform_indices = @transform_2, window_bounds = array<i64: 8, 128>}]} {
    %get3A = arith.constant 0 : index
    %get3A_0 = arith.constant 0 : index
    %get3A_1 = vector.load %arg2[%get3A, %get3A_0] : memref<512x128xf32, #tpu.memory_space<vmem>>, vector<512x128xf32>
    %lt3A = arith.constant 4 : i32
    %lt3A_2 = arith.cmpi slt, %arg1, %lt3A : i32
    %slice3A = vector.extract_strided_slice %get3A_1 {offsets = [0, 0], sizes = [512, 1], strides = [1, 1]} : vector<512x128xf32> to vector<512x1xf32>
    %slice3A_3 = vector.extract_strided_slice %get3A_1 {offsets = [0, 1], sizes = [512, 1], strides = [1, 1]} : vector<512x128xf32> to vector<512x1xf32>
    %select_n3A = arith.select %lt3A_2, %slice3A, %slice3A_3 : vector<512x1xf32>
    %convert_element_type3A = arith.fptosi %select_n3A : vector<512x1xf32> to vector<512x1xi32>
    %iota3A = tpu.iota {dimensions = array<i32: 1>} : vector<512x128xi32>
    %eq3A = vector.broadcast %convert_element_type3A : vector<512x1xi32> to vector<512x128xi32>
    %eq3A_4 = arith.cmpi eq, %eq3A, %iota3A : vector<512x128xi32>
    %convert_element_type3A_5 = arith.extui %eq3A_4 : vector<512x128xi1> to vector<512x128xi32>
    %convert_element_type3A_6 = arith.sitofp %convert_element_type3A_5 : vector<512x128xi32> to vector<512x128xf32>
    %eq3A_7 = arith.constant 0 : i32
    %eq3A_8 = arith.cmpi eq, %arg0, %eq3A_7 : i32
    %eq3A_9 = arith.constant 0 : i32
    %eq3A_10 = arith.cmpi eq, %arg1, %eq3A_9 : i32
    %and3A = arith.andi %eq3A_8, %eq3A_10 : i1
    %convert_element_type3A_11 = arith.extui %and3A : i1 to i32
    %cond3A = arith.constant 0 : i32
    %cond3A_12 = arith.cmpi ne, %convert_element_type3A_11, %cond3A : i32
    scf.if %cond3A_12 {
      %broadcast_in_dim3A = arith.constant 0.000000e+00 : f32
      %broadcast_in_dim3A_31 = vector.broadcast %broadcast_in_dim3A : f32 to vector<1x128xf32>
      %swap3A = arith.constant 0 : index
      %swap3A_32 = arith.constant 0 : index
      %swap3A_33 = vector.load %arg6[%swap3A, %swap3A_32] : memref<1x128xf32, #tpu.memory_space<vmem>>, vector<1x128xf32>
      tpu.vector_store %arg6[%swap3A, %swap3A_32], %broadcast_in_dim3A_31 {strides = array<i32>} : memref<1x128xf32, #tpu.memory_space<vmem>>, vector<1x128xf32>,
    } else {
    }
    %eq3A_13 = arith.constant 0 : i32
    %eq3A_14 = arith.cmpi eq, %arg0, %eq3A_13 : i32
    %convert_element_type3A_15 = arith.extui %eq3A_14 : i1 to i32
    %cond3A_16 = arith.constant 0 : i32
    %cond3A_17 = arith.cmpi ne, %convert_element_type3A_15, %cond3A_16 : i32
    scf.if %cond3A_17 {
      %get3A_31 = arith.constant 0 : index
      %get3A_32 = arith.constant 0 : index
      %get3A_33 = vector.load %arg6[%get3A_31, %get3A_32] : memref<1x128xf32, #tpu.memory_space<vmem>>, vector<1x128xf32>
      %swap3A = arith.index_cast %arg1 : i32 to index
      %swap3A_34 = arith.constant 0 : index
      %swap3A_35 = vector.load %arg5[%swap3A, %swap3A_34] : memref<8x128xf32, #tpu.memory_space<vmem>>, vector<1x128xf32>
      tpu.vector_store %arg5[%swap3A, %swap3A_34], %get3A_33 {strides = array<i32>} : memref<8x128xf32, #tpu.memory_space<vmem>>, vector<1x128xf32>,
      %get3A_36 = arith.constant 0 : index
      %get3A_37 = arith.constant 0 : index
      %get3A_38 = vector.load %arg6[%get3A_36, %get3A_37] : memref<1x128xf32, #tpu.memory_space<vmem>>, vector<1x128xf32>
      %reduce_sum3A = arith.constant dense<0.000000e+00> : vector<128xf32>
      %reduce_sum3A_39 = vector.multi_reduction <add>, %convert_element_type3A_6, %reduce_sum3A [0] : vector<512x128xf32> to vector<128xf32>
      %broadcast_in_dim3A = vector.shape_cast %reduce_sum3A_39 : vector<128xf32> to vector<1x128xf32>
      %add3A = arith.addf %get3A_38, %broadcast_in_dim3A : vector<1x128xf32>
      %swap3A_40 = arith.constant 0 : index
      %swap3A_41 = arith.constant 0 : index
      %swap3A_42 = vector.load %arg6[%swap3A_40, %swap3A_41] : memref<1x128xf32, #tpu.memory_space<vmem>>, vector<1x128xf32>
      tpu.vector_store %arg6[%swap3A_40, %swap3A_41], %add3A {strides = array<i32>} : memref<1x128xf32, #tpu.memory_space<vmem>>, vector<1x128xf32>,
    } else {
    }
    %eq3A_18 = arith.constant 1 : i32
    %eq3A_19 = arith.cmpi eq, %arg0, %eq3A_18 : i32
    %eq3A_20 = arith.constant 0 : i32
    %eq3A_21 = arith.cmpi eq, %arg1, %eq3A_20 : i32
    %and3A_22 = arith.andi %eq3A_19, %eq3A_21 : i1
    %convert_element_type3A_23 = arith.extui %and3A_22 : i1 to i32
    %cond3A_24 = arith.constant 0 : i32
    %cond3A_25 = arith.cmpi ne, %convert_element_type3A_23, %cond3A_24 : i32
    scf.if %cond3A_25 {
      %get3A_31 = arith.constant 0 : index
      %get3A_32 = arith.constant 0 : index
      %get3A_33 = vector.load %arg6[%get3A_31, %get3A_32] : memref<1x128xf32, #tpu.memory_space<vmem>>, vector<1x128xf32>
      %add3A = arith.constant 5.110000e+02 : f32
      %add3A_34 = vector.broadcast %add3A : f32 to vector<1x128xf32>
      %add3A_35 = arith.addf %get3A_33, %add3A_34 : vector<1x128xf32>
      %mul3A = arith.constant 0.001953125 : f32
      %mul3A_36 = vector.broadcast %mul3A : f32 to vector<1x128xf32>
      %mul3A_37 = arith.mulf %add3A_35, %mul3A_36 : vector<1x128xf32>
      %floor3A = math.floor %mul3A_37 : vector<1x128xf32>
      %mul3A_38 = arith.constant 5.120000e+02 : f32
      %mul3A_39 = vector.broadcast %mul3A_38 : f32 to vector<1x128xf32>
      %mul3A_40 = arith.mulf %floor3A, %mul3A_39 : vector<1x128xf32>
      %iota3A_41 = tpu.iota {dimensions = array<i32: 0>} : vector<128x128xi32>
      %iota3A_42 = tpu.iota {dimensions = array<i32: 1>} : vector<128x128xi32>
      %lt3A_43 = arith.cmpi slt, %iota3A_41, %iota3A_42 : vector<128x128xi32>
      %convert_element_type3A_44 = arith.extui %lt3A_43 : vector<128x128xi1> to vector<128x128xi32>
      %convert_element_type3A_45 = arith.sitofp %convert_element_type3A_44 : vector<128x128xi32> to vector<128x128xf32>
      %dot_general3A = arith.constant dense<0.000000e+00> : vector<1x128xf32>
      %dot_general3A_46 = tpu.matmul %mul3A_40, %convert_element_type3A_45, %dot_general3A {dimension_numbers = #tpu.dot_dimension_numbers<[1], [0], [0], [1], [0, 0, 1, 1], [], []>, transpose_lhs_hint = false} : vector<1x128xf32>, vector<128x128xf32>, vector<1x128xf32> -> vector<1x128xf32>
      %swap3A = arith.constant 0 : index
      %swap3A_47 = arith.constant 0 : index
      %swap3A_48 = vector.load %arg7[%swap3A, %swap3A_47] : memref<1x128xf32, #tpu.memory_space<vmem>>, vector<1x128xf32>
      tpu.vector_store %arg7[%swap3A, %swap3A_47], %dot_general3A_46 {strides = array<i32>} : memref<1x128xf32, #tpu.memory_space<vmem>>, vector<1x128xf32>,
      %get3A_49 = arith.constant 0 : index
      %get3A_50 = arith.constant 0 : index
      %get3A_51 = vector.load %arg7[%get3A_49, %get3A_50] : memref<1x128xf32, #tpu.memory_space<vmem>>, vector<1x128xf32>
      %convert_element_type3A_52 = arith.fptosi %get3A_51 : vector<1x128xf32> to vector<1x128xi32>
      %swap3A_53 = arith.constant 0 : index
      %swap3A_54 = arith.constant 0 : index
      %swap3A_55 = vector.load %arg4[%swap3A_53, %swap3A_54] : memref<8x128xi32, #tpu.memory_space<vmem>>, vector<1x128xi32>
      tpu.vector_store %arg4[%swap3A_53, %swap3A_54], %convert_element_type3A_52 {strides = array<i32>} : memref<8x128xi32, #tpu.memory_space<vmem>>, vector<1x128xi32>,
      %convert_element_type3A_56 = arith.fptosi %get3A_33 : vector<1x128xf32> to vector<1x128xi32>
      %swap3A_57 = arith.constant 1 : index
      %swap3A_58 = arith.constant 0 : index
      %swap3A_59 = vector.load %arg4[%swap3A_57, %swap3A_58] : memref<8x128xi32, #tpu.memory_space<vmem>>, vector<1x128xi32>
      tpu.vector_store %arg4[%swap3A_57, %swap3A_58], %convert_element_type3A_56 {strides = array<i32>} : memref<8x128xi32, #tpu.memory_space<vmem>>, vector<1x128xi32>,
    } else {
    }
    %eq3A_26 = arith.constant 1 : i32
    %eq3A_27 = arith.cmpi eq, %arg0, %eq3A_26 : i32
    %convert_element_type3A_28 = arith.extui %eq3A_27 : i1 to i32
    %cond3A_29 = arith.constant 0 : i32
    %cond3A_30 = arith.cmpi ne, %convert_element_type3A_28, %cond3A_29 : i32
    scf.if %cond3A_30 {
      %iota3A_31 = tpu.iota {dimensions = array<i32: 0>} : vector<512x512xi32>
      %iota3A_32 = tpu.iota {dimensions = array<i32: 1>} : vector<512x512xi32>
      %lt3A_33 = arith.cmpi slt, %iota3A_32, %iota3A_31 : vector<512x512xi32>
      %convert_element_type3A_34 = arith.extui %lt3A_33 : vector<512x512xi1> to vector<512x512xi32>
      %convert_element_type3A_35 = arith.sitofp %convert_element_type3A_34 : vector<512x512xi32> to vector<512x512xf32>
      %convert_element_type3A_36 = arith.truncf %convert_element_type3A_35 : vector<512x512xf32> to vector<512x512xbf16>
      %convert_element_type3A_37 = arith.truncf %convert_element_type3A_6 : vector<512x128xf32> to vector<512x128xbf16>
      %dot_general3A = arith.constant dense<0.000000e+00> : vector<512x128xf32>
      %dot_general3A_38 = tpu.matmul %convert_element_type3A_36, %convert_element_type3A_37, %dot_general3A {dimension_numbers = #tpu.dot_dimension_numbers<[1], [0], [0], [1], [0, 0, 1, 1], [], []>, transpose_lhs_hint = false} : vector<512x512xbf16>, vector<512x128xbf16>, vector<512x128xf32> -> vector<512x128xf32>
      %get3A_39 = arith.constant 0 : index
      %get3A_40 = arith.constant 0 : index
      %get3A_41 = vector.load %arg7[%get3A_39, %get3A_40] : memref<1x128xf32, #tpu.memory_space<vmem>>, vector<1x128xf32>
      %get3A_42 = arith.index_cast %arg1 : i32 to index
      %get3A_43 = arith.constant 0 : index
      %get3A_44 = vector.load %arg5[%get3A_42, %get3A_43] : memref<8x128xf32, #tpu.memory_space<vmem>>, vector<1x128xf32>
      %add3A = arith.addf %get3A_41, %get3A_44 : vector<1x128xf32>
      %add3A_45 = vector.broadcast %add3A : vector<1x128xf32> to vector<512x128xf32>
      %add3A_46 = arith.addf %dot_general3A_38, %add3A_45 : vector<512x128xf32>
      %mul3A = arith.mulf %convert_element_type3A_6, %add3A_46 : vector<512x128xf32>
      %reduce_sum3A = arith.constant dense<0.000000e+00> : vector<512xf32>
      %reduce_sum3A_47 = vector.multi_reduction <add>, %mul3A, %reduce_sum3A [1] : vector<512x128xf32> to vector<512xf32>
      %broadcast_in_dim3A = vector.shape_cast %reduce_sum3A_47 : vector<512xf32> to vector<512x1xf32>
      %convert_element_type3A_48 = arith.fptosi %broadcast_in_dim3A : vector<512x1xf32> to vector<512x1xi32>
      %reshape3A = vector.shape_cast %convert_element_type3A_48 : vector<512x1xi32> to vector<1x4x128xi32>
      %swap3A = arith.constant 0 : index
      %swap3A_49 = arith.constant 0 : index
      %swap3A_50 = arith.constant 0 : index
      %swap3A_51 = vector.load %arg3[%swap3A, %swap3A_49, %swap3A_50] : memref<1x4x128xi32, #tpu.memory_space<vmem>>, vector<1x4x128xi32>
      tpu.vector_store %arg3[%swap3A, %swap3A_49, %swap3A_50], %reshape3A {strides = array<i32>} : memref<1x4x128xi32, #tpu.memory_space<vmem>>, vector<1x4x128xi32>,
    } else {
    }
    return
  }
  func.func @transform_0(%arg0: i32, %arg1: i32) -> (i32, i32) {
    %rem3A = arith.constant 4 : i32
    %rem3A_0 = arith.remsi %arg1, %rem3A : i32
    %c0_i32 = arith.constant 0 : i32
    %c0_i32_1 = arith.constant 0 : i32
    return %rem3A_0, %c0_i32 : i32, i32
  }
  func.func @transform_1(%arg0: i32, %arg1: i32) -> (i32, i32, i32) {
    %mul3A = arith.muli %arg0, %arg1 : i32
    %c0_i32 = arith.constant 0 : i32
    %c0_i32_0 = arith.constant 0 : i32
    %c0_i32_1 = arith.constant 0 : i32
    return %mul3A, %c0_i32, %c0_i32_0 : i32, i32, i32
  }
  func.func @transform_2(%arg0: i32, %arg1: i32) -> (i32, i32) {
    %c0_i32 = arith.constant 0 : i32
    %c0_i32_0 = arith.constant 0 : i32
    %c0_i32_1 = arith.constant 0 : i32
    return %c0_i32, %c0_i32_0 : i32, i32
  }
}

module attributes {stable_mosaic.version = 14 : i64} {
  func.func @_expert_body(%arg0: i32, %arg1: memref<16xi32, #tpu.memory_space<smem>>, %arg2: memref<512x1024xf32, #tpu.memory_space<vmem>>, %arg3: memref<6x1024x1024xbf16, #tpu.memory_space<vmem>>, %arg4: memref<6x1024xf32, #tpu.memory_space<vmem>>, %arg5: memref<512x1024xf32, #tpu.memory_space<vmem>>) attributes {dimension_semantics = [#tpu.dimension_semantics<arbitrary>], iteration_bounds = array<i64: 14>, scalar_prefetch = 1 : i64, scratch_operands = 0 : i64, tpu.core_type = #tpu.core_type<tc>, window_params = [{transform_indices = @transform_0, window_bounds = array<i64: 512, 1024>}, {pipeline_mode = #tpu.pipeline_mode<synchronous>, transform_indices = @transform_1, window_bounds = array<i64: 6, 1024, 1024>}, {pipeline_mode = #tpu.pipeline_mode<synchronous>, transform_indices = @transform_2, window_bounds = array<i64: 6, 1024>}, {transform_indices = @transform_3, window_bounds = array<i64: 512, 1024>}]} {
    %mul3A = arith.constant 512 : i32
    %mul3A_0 = arith.muli %arg0, %mul3A : i32
    %get3A = arith.constant 0 : index
    %get3A_1 = arith.constant 0 : index
    %get3A_2 = vector.load %arg2[%get3A, %get3A_1] : memref<512x1024xf32, #tpu.memory_space<vmem>>, vector<512x1024xf32>
    %convert_element_type3A = arith.truncf %get3A_2 : vector<512x1024xf32> to vector<512x1024xbf16>
    %get3A_3 = arith.constant 0 : index
    %get3A_4 = memref.load %arg1[%get3A_3] : memref<16xi32, #tpu.memory_space<smem>>
    %le3A = arith.cmpi sle, %get3A_4, %mul3A_0 : i32
    %get3A_5 = arith.constant 0 : index
    %get3A_6 = memref.load %arg1[%get3A_5] : memref<16xi32, #tpu.memory_space<smem>>
    %get3A_7 = arith.constant 8 : index
    %get3A_8 = memref.load %arg1[%get3A_7] : memref<16xi32, #tpu.memory_space<smem>>
    %add3A = arith.addi %get3A_6, %get3A_8 : i32
    %lt3A = arith.cmpi slt, %mul3A_0, %add3A : i32
    %and3A = arith.andi %le3A, %lt3A : i1
    %convert_element_type3A_9 = arith.extui %and3A : i1 to i32
    %cond3A = arith.constant 0 : i32
    %cond3A_10 = arith.cmpi ne, %convert_element_type3A_9, %cond3A : i32
    scf.if %cond3A_10 {
      %get3A_76 = arith.constant 0 : index
      %get3A_77 = arith.constant 0 : index
      %get3A_78 = arith.constant 0 : index
      %get3A_79 = vector.load %arg3[%get3A_76, %get3A_77, %get3A_78] : memref<6x1024x1024xbf16, #tpu.memory_space<vmem>>, vector<1x1024x1024xbf16>
      %get3A_80 = vector.shape_cast %get3A_79 : vector<1x1024x1024xbf16> to vector<1024x1024xbf16>
      %dot_general3A = arith.constant dense<0.000000e+00> : vector<512x1024xf32>
      %dot_general3A_81 = tpu.matmul %convert_element_type3A, %get3A_80, %dot_general3A {dimension_numbers = #tpu.dot_dimension_numbers<[1], [0], [0], [1], [0, 0, 1, 1], [], []>, transpose_lhs_hint = false} : vector<512x1024xbf16>, vector<1024x1024xbf16>, vector<512x1024xf32> -> vector<512x1024xf32>
      %get3A_82 = arith.constant 0 : index
      %get3A_83 = arith.constant 0 : index
      %get3A_84 = vector.load %arg4[%get3A_82, %get3A_83] : memref<6x1024xf32, #tpu.memory_space<vmem>>, vector<1x1024xf32>
      %get3A_85 = vector.shape_cast %get3A_84 : vector<1x1024xf32> to vector<1024xf32>
      %broadcast_in_dim3A = vector.shape_cast %get3A_85 : vector<1024xf32> to vector<1x1024xf32>
      %add3A_86 = vector.broadcast %broadcast_in_dim3A : vector<1x1024xf32> to vector<512x1024xf32>
      %add3A_87 = arith.addf %dot_general3A_81, %add3A_86 : vector<512x1024xf32>
      %swap3A = arith.constant 0 : index
      %swap3A_88 = arith.constant 0 : index
      %swap3A_89 = vector.load %arg5[%swap3A, %swap3A_88] : memref<512x1024xf32, #tpu.memory_space<vmem>>, vector<512x1024xf32>
      tpu.vector_store %arg5[%swap3A, %swap3A_88], %add3A_87 {strides = array<i32>} : memref<512x1024xf32, #tpu.memory_space<vmem>>, vector<512x1024xf32>,
    } else {
    }
    %get3A_11 = arith.constant 1 : index
    %get3A_12 = memref.load %arg1[%get3A_11] : memref<16xi32, #tpu.memory_space<smem>>
    %le3A_13 = arith.cmpi sle, %get3A_12, %mul3A_0 : i32
    %get3A_14 = arith.constant 1 : index
    %get3A_15 = memref.load %arg1[%get3A_14] : memref<16xi32, #tpu.memory_space<smem>>
    %get3A_16 = arith.constant 9 : index
    %get3A_17 = memref.load %arg1[%get3A_16] : memref<16xi32, #tpu.memory_space<smem>>
    %add3A_18 = arith.addi %get3A_15, %get3A_17 : i32
    %lt3A_19 = arith.cmpi slt, %mul3A_0, %add3A_18 : i32
    %and3A_20 = arith.andi %le3A_13, %lt3A_19 : i1
    %convert_element_type3A_21 = arith.extui %and3A_20 : i1 to i32
    %cond3A_22 = arith.constant 0 : i32
    %cond3A_23 = arith.cmpi ne, %convert_element_type3A_21, %cond3A_22 : i32
    scf.if %cond3A_23 {
      %get3A_76 = arith.constant 1 : index
      %get3A_77 = arith.constant 0 : index
      %get3A_78 = arith.constant 0 : index
      %get3A_79 = vector.load %arg3[%get3A_76, %get3A_77, %get3A_78] : memref<6x1024x1024xbf16, #tpu.memory_space<vmem>>, vector<1x1024x1024xbf16>
      %get3A_80 = vector.shape_cast %get3A_79 : vector<1x1024x1024xbf16> to vector<1024x1024xbf16>
      %dot_general3A = arith.constant dense<0.000000e+00> : vector<512x1024xf32>
      %dot_general3A_81 = tpu.matmul %convert_element_type3A, %get3A_80, %dot_general3A {dimension_numbers = #tpu.dot_dimension_numbers<[1], [0], [0], [1], [0, 0, 1, 1], [], []>, transpose_lhs_hint = false} : vector<512x1024xbf16>, vector<1024x1024xbf16>, vector<512x1024xf32> -> vector<512x1024xf32>
      %get3A_82 = arith.constant 1 : index
      %get3A_83 = arith.constant 0 : index
      %get3A_84 = vector.load %arg4[%get3A_82, %get3A_83] : memref<6x1024xf32, #tpu.memory_space<vmem>>, vector<1x1024xf32>
      %get3A_85 = vector.shape_cast %get3A_84 : vector<1x1024xf32> to vector<1024xf32>
      %broadcast_in_dim3A = vector.shape_cast %get3A_85 : vector<1024xf32> to vector<1x1024xf32>
      %add3A_86 = vector.broadcast %broadcast_in_dim3A : vector<1x1024xf32> to vector<512x1024xf32>
      %add3A_87 = arith.addf %dot_general3A_81, %add3A_86 : vector<512x1024xf32>
      %swap3A = arith.constant 0 : index
      %swap3A_88 = arith.constant 0 : index
      %swap3A_89 = vector.load %arg5[%swap3A, %swap3A_88] : memref<512x1024xf32, #tpu.memory_space<vmem>>, vector<512x1024xf32>
      tpu.vector_store %arg5[%swap3A, %swap3A_88], %add3A_87 {strides = array<i32>} : memref<512x1024xf32, #tpu.memory_space<vmem>>, vector<512x1024xf32>,
    } else {
    }
    %get3A_24 = arith.constant 2 : index
    %get3A_25 = memref.load %arg1[%get3A_24] : memref<16xi32, #tpu.memory_space<smem>>
    %le3A_26 = arith.cmpi sle, %get3A_25, %mul3A_0 : i32
    %get3A_27 = arith.constant 2 : index
    %get3A_28 = memref.load %arg1[%get3A_27] : memref<16xi32, #tpu.memory_space<smem>>
    %get3A_29 = arith.constant 10 : index
    %get3A_30 = memref.load %arg1[%get3A_29] : memref<16xi32, #tpu.memory_space<smem>>
    %add3A_31 = arith.addi %get3A_28, %get3A_30 : i32
    %lt3A_32 = arith.cmpi slt, %mul3A_0, %add3A_31 : i32
    %and3A_33 = arith.andi %le3A_26, %lt3A_32 : i1
    %convert_element_type3A_34 = arith.extui %and3A_33 : i1 to i32
    %cond3A_35 = arith.constant 0 : i32
    %cond3A_36 = arith.cmpi ne, %convert_element_type3A_34, %cond3A_35 : i32
    scf.if %cond3A_36 {
      %get3A_76 = arith.constant 2 : index
      %get3A_77 = arith.constant 0 : index
      %get3A_78 = arith.constant 0 : index
      %get3A_79 = vector.load %arg3[%get3A_76, %get3A_77, %get3A_78] : memref<6x1024x1024xbf16, #tpu.memory_space<vmem>>, vector<1x1024x1024xbf16>
      %get3A_80 = vector.shape_cast %get3A_79 : vector<1x1024x1024xbf16> to vector<1024x1024xbf16>
      %dot_general3A = arith.constant dense<0.000000e+00> : vector<512x1024xf32>
      %dot_general3A_81 = tpu.matmul %convert_element_type3A, %get3A_80, %dot_general3A {dimension_numbers = #tpu.dot_dimension_numbers<[1], [0], [0], [1], [0, 0, 1, 1], [], []>, transpose_lhs_hint = false} : vector<512x1024xbf16>, vector<1024x1024xbf16>, vector<512x1024xf32> -> vector<512x1024xf32>
      %get3A_82 = arith.constant 2 : index
      %get3A_83 = arith.constant 0 : index
      %get3A_84 = vector.load %arg4[%get3A_82, %get3A_83] : memref<6x1024xf32, #tpu.memory_space<vmem>>, vector<1x1024xf32>
      %get3A_85 = vector.shape_cast %get3A_84 : vector<1x1024xf32> to vector<1024xf32>
      %broadcast_in_dim3A = vector.shape_cast %get3A_85 : vector<1024xf32> to vector<1x1024xf32>
      %add3A_86 = vector.broadcast %broadcast_in_dim3A : vector<1x1024xf32> to vector<512x1024xf32>
      %add3A_87 = arith.addf %dot_general3A_81, %add3A_86 : vector<512x1024xf32>
      %swap3A = arith.constant 0 : index
      %swap3A_88 = arith.constant 0 : index
      %swap3A_89 = vector.load %arg5[%swap3A, %swap3A_88] : memref<512x1024xf32, #tpu.memory_space<vmem>>, vector<512x1024xf32>
      tpu.vector_store %arg5[%swap3A, %swap3A_88], %add3A_87 {strides = array<i32>} : memref<512x1024xf32, #tpu.memory_space<vmem>>, vector<512x1024xf32>,
    } else {
    }
    %get3A_37 = arith.constant 3 : index
    %get3A_38 = memref.load %arg1[%get3A_37] : memref<16xi32, #tpu.memory_space<smem>>
    %le3A_39 = arith.cmpi sle, %get3A_38, %mul3A_0 : i32
    %get3A_40 = arith.constant 3 : index
    %get3A_41 = memref.load %arg1[%get3A_40] : memref<16xi32, #tpu.memory_space<smem>>
    %get3A_42 = arith.constant 11 : index
    %get3A_43 = memref.load %arg1[%get3A_42] : memref<16xi32, #tpu.memory_space<smem>>
    %add3A_44 = arith.addi %get3A_41, %get3A_43 : i32
    %lt3A_45 = arith.cmpi slt, %mul3A_0, %add3A_44 : i32
    %and3A_46 = arith.andi %le3A_39, %lt3A_45 : i1
    %convert_element_type3A_47 = arith.extui %and3A_46 : i1 to i32
    %cond3A_48 = arith.constant 0 : i32
    %cond3A_49 = arith.cmpi ne, %convert_element_type3A_47, %cond3A_48 : i32
    scf.if %cond3A_49 {
      %get3A_76 = arith.constant 3 : index
      %get3A_77 = arith.constant 0 : index
      %get3A_78 = arith.constant 0 : index
      %get3A_79 = vector.load %arg3[%get3A_76, %get3A_77, %get3A_78] : memref<6x1024x1024xbf16, #tpu.memory_space<vmem>>, vector<1x1024x1024xbf16>
      %get3A_80 = vector.shape_cast %get3A_79 : vector<1x1024x1024xbf16> to vector<1024x1024xbf16>
      %dot_general3A = arith.constant dense<0.000000e+00> : vector<512x1024xf32>
      %dot_general3A_81 = tpu.matmul %convert_element_type3A, %get3A_80, %dot_general3A {dimension_numbers = #tpu.dot_dimension_numbers<[1], [0], [0], [1], [0, 0, 1, 1], [], []>, transpose_lhs_hint = false} : vector<512x1024xbf16>, vector<1024x1024xbf16>, vector<512x1024xf32> -> vector<512x1024xf32>
      %get3A_82 = arith.constant 3 : index
      %get3A_83 = arith.constant 0 : index
      %get3A_84 = vector.load %arg4[%get3A_82, %get3A_83] : memref<6x1024xf32, #tpu.memory_space<vmem>>, vector<1x1024xf32>
      %get3A_85 = vector.shape_cast %get3A_84 : vector<1x1024xf32> to vector<1024xf32>
      %broadcast_in_dim3A = vector.shape_cast %get3A_85 : vector<1024xf32> to vector<1x1024xf32>
      %add3A_86 = vector.broadcast %broadcast_in_dim3A : vector<1x1024xf32> to vector<512x1024xf32>
      %add3A_87 = arith.addf %dot_general3A_81, %add3A_86 : vector<512x1024xf32>
      %swap3A = arith.constant 0 : index
      %swap3A_88 = arith.constant 0 : index
      %swap3A_89 = vector.load %arg5[%swap3A, %swap3A_88] : memref<512x1024xf32, #tpu.memory_space<vmem>>, vector<512x1024xf32>
      tpu.vector_store %arg5[%swap3A, %swap3A_88], %add3A_87 {strides = array<i32>} : memref<512x1024xf32, #tpu.memory_space<vmem>>, vector<512x1024xf32>,
    } else {
    }
    %get3A_50 = arith.constant 4 : index
    %get3A_51 = memref.load %arg1[%get3A_50] : memref<16xi32, #tpu.memory_space<smem>>
    %le3A_52 = arith.cmpi sle, %get3A_51, %mul3A_0 : i32
    %get3A_53 = arith.constant 4 : index
    %get3A_54 = memref.load %arg1[%get3A_53] : memref<16xi32, #tpu.memory_space<smem>>
    %get3A_55 = arith.constant 12 : index
    %get3A_56 = memref.load %arg1[%get3A_55] : memref<16xi32, #tpu.memory_space<smem>>
    %add3A_57 = arith.addi %get3A_54, %get3A_56 : i32
    %lt3A_58 = arith.cmpi slt, %mul3A_0, %add3A_57 : i32
    %and3A_59 = arith.andi %le3A_52, %lt3A_58 : i1
    %convert_element_type3A_60 = arith.extui %and3A_59 : i1 to i32
    %cond3A_61 = arith.constant 0 : i32
    %cond3A_62 = arith.cmpi ne, %convert_element_type3A_60, %cond3A_61 : i32
    scf.if %cond3A_62 {
      %get3A_76 = arith.constant 4 : index
      %get3A_77 = arith.constant 0 : index
      %get3A_78 = arith.constant 0 : index
      %get3A_79 = vector.load %arg3[%get3A_76, %get3A_77, %get3A_78] : memref<6x1024x1024xbf16, #tpu.memory_space<vmem>>, vector<1x1024x1024xbf16>
      %get3A_80 = vector.shape_cast %get3A_79 : vector<1x1024x1024xbf16> to vector<1024x1024xbf16>
      %dot_general3A = arith.constant dense<0.000000e+00> : vector<512x1024xf32>
      %dot_general3A_81 = tpu.matmul %convert_element_type3A, %get3A_80, %dot_general3A {dimension_numbers = #tpu.dot_dimension_numbers<[1], [0], [0], [1], [0, 0, 1, 1], [], []>, transpose_lhs_hint = false} : vector<512x1024xbf16>, vector<1024x1024xbf16>, vector<512x1024xf32> -> vector<512x1024xf32>
      %get3A_82 = arith.constant 4 : index
      %get3A_83 = arith.constant 0 : index
      %get3A_84 = vector.load %arg4[%get3A_82, %get3A_83] : memref<6x1024xf32, #tpu.memory_space<vmem>>, vector<1x1024xf32>
      %get3A_85 = vector.shape_cast %get3A_84 : vector<1x1024xf32> to vector<1024xf32>
      %broadcast_in_dim3A = vector.shape_cast %get3A_85 : vector<1024xf32> to vector<1x1024xf32>
      %add3A_86 = vector.broadcast %broadcast_in_dim3A : vector<1x1024xf32> to vector<512x1024xf32>
      %add3A_87 = arith.addf %dot_general3A_81, %add3A_86 : vector<512x1024xf32>
      %swap3A = arith.constant 0 : index
      %swap3A_88 = arith.constant 0 : index
      %swap3A_89 = vector.load %arg5[%swap3A, %swap3A_88] : memref<512x1024xf32, #tpu.memory_space<vmem>>, vector<512x1024xf32>
      tpu.vector_store %arg5[%swap3A, %swap3A_88], %add3A_87 {strides = array<i32>} : memref<512x1024xf32, #tpu.memory_space<vmem>>, vector<512x1024xf32>,
    } else {
    }
    %get3A_63 = arith.constant 5 : index
    %get3A_64 = memref.load %arg1[%get3A_63] : memref<16xi32, #tpu.memory_space<smem>>
    %le3A_65 = arith.cmpi sle, %get3A_64, %mul3A_0 : i32
    %get3A_66 = arith.constant 5 : index
    %get3A_67 = memref.load %arg1[%get3A_66] : memref<16xi32, #tpu.memory_space<smem>>
    %get3A_68 = arith.constant 13 : index
    %get3A_69 = memref.load %arg1[%get3A_68] : memref<16xi32, #tpu.memory_space<smem>>
    %add3A_70 = arith.addi %get3A_67, %get3A_69 : i32
    %lt3A_71 = arith.cmpi slt, %mul3A_0, %add3A_70 : i32
    %and3A_72 = arith.andi %le3A_65, %lt3A_71 : i1
    %convert_element_type3A_73 = arith.extui %and3A_72 : i1 to i32
    %cond3A_74 = arith.constant 0 : i32
    %cond3A_75 = arith.cmpi ne, %convert_element_type3A_73, %cond3A_74 : i32
    scf.if %cond3A_75 {
      %get3A_76 = arith.constant 5 : index
      %get3A_77 = arith.constant 0 : index
      %get3A_78 = arith.constant 0 : index
      %get3A_79 = vector.load %arg3[%get3A_76, %get3A_77, %get3A_78] : memref<6x1024x1024xbf16, #tpu.memory_space<vmem>>, vector<1x1024x1024xbf16>
      %get3A_80 = vector.shape_cast %get3A_79 : vector<1x1024x1024xbf16> to vector<1024x1024xbf16>
      %dot_general3A = arith.constant dense<0.000000e+00> : vector<512x1024xf32>
      %dot_general3A_81 = tpu.matmul %convert_element_type3A, %get3A_80, %dot_general3A {dimension_numbers = #tpu.dot_dimension_numbers<[1], [0], [0], [1], [0, 0, 1, 1], [], []>, transpose_lhs_hint = false} : vector<512x1024xbf16>, vector<1024x1024xbf16>, vector<512x1024xf32> -> vector<512x1024xf32>
      %get3A_82 = arith.constant 5 : index
      %get3A_83 = arith.constant 0 : index
      %get3A_84 = vector.load %arg4[%get3A_82, %get3A_83] : memref<6x1024xf32, #tpu.memory_space<vmem>>, vector<1x1024xf32>
      %get3A_85 = vector.shape_cast %get3A_84 : vector<1x1024xf32> to vector<1024xf32>
      %broadcast_in_dim3A = vector.shape_cast %get3A_85 : vector<1024xf32> to vector<1x1024xf32>
      %add3A_86 = vector.broadcast %broadcast_in_dim3A : vector<1x1024xf32> to vector<512x1024xf32>
      %add3A_87 = arith.addf %dot_general3A_81, %add3A_86 : vector<512x1024xf32>
      %swap3A = arith.constant 0 : index
      %swap3A_88 = arith.constant 0 : index
      %swap3A_89 = vector.load %arg5[%swap3A, %swap3A_88] : memref<512x1024xf32, #tpu.memory_space<vmem>>, vector<512x1024xf32>
      tpu.vector_store %arg5[%swap3A, %swap3A_88], %add3A_87 {strides = array<i32>} : memref<512x1024xf32, #tpu.memory_space<vmem>>, vector<512x1024xf32>,
    } else {
    }
    return
  }
  func.func @transform_0(%arg0: i32, %arg1: memref<16xi32, #tpu.memory_space<smem>>) -> (i32, i32) {
    %c0_i32 = arith.constant 0 : i32
    %c0_i32_0 = arith.constant 0 : i32
    return %arg0, %c0_i32 : i32, i32
  }
  func.func @transform_1(%arg0: i32, %arg1: memref<16xi32, #tpu.memory_space<smem>>) -> (i32, i32, i32) {
    %c0_i32 = arith.constant 0 : i32
    %c0_i32_0 = arith.constant 0 : i32
    %c0_i32_1 = arith.constant 0 : i32
    %c0_i32_2 = arith.constant 0 : i32
    return %c0_i32, %c0_i32_0, %c0_i32_1 : i32, i32, i32
  }
  func.func @transform_2(%arg0: i32, %arg1: memref<16xi32, #tpu.memory_space<smem>>) -> (i32, i32) {
    %c0_i32 = arith.constant 0 : i32
    %c0_i32_0 = arith.constant 0 : i32
    %c0_i32_1 = arith.constant 0 : i32
    return %c0_i32, %c0_i32_0 : i32, i32
  }
  func.func @transform_3(%arg0: i32, %arg1: memref<16xi32, #tpu.memory_space<smem>>) -> (i32, i32) {
    %c0_i32 = arith.constant 0 : i32
    %c0_i32_0 = arith.constant 0 : i32
    return %arg0, %c0_i32 : i32, i32
  }
}

module attributes {stable_mosaic.version = 14 : i64} {
  func.func @_final_body(%arg0: i32, %arg1: memref<512x1024xf32, #tpu.memory_space<vmem>>, %arg2: memref<512x1024xf32, #tpu.memory_space<vmem>>, %arg3: memref<512x128xf32, #tpu.memory_space<vmem>>, %arg4: memref<1024x1024xbf16, #tpu.memory_space<vmem>>, %arg5: memref<1x1024xf32, #tpu.memory_space<vmem>>, %arg6: memref<512x1024xf32, #tpu.memory_space<vmem>>) attributes {dimension_semantics = [#tpu.dimension_semantics<arbitrary>], iteration_bounds = array<i64: 4>, scalar_prefetch = 0 : i64, scratch_operands = 0 : i64, tpu.core_type = #tpu.core_type<tc>, window_params = [{transform_indices = @transform_0, window_bounds = array<i64: 512, 1024>}, {transform_indices = @transform_1, window_bounds = array<i64: 512, 1024>}, {transform_indices = @transform_2, window_bounds = array<i64: 512, 128>}, {pipeline_mode = #tpu.pipeline_mode<synchronous>, transform_indices = @transform_3, window_bounds = array<i64: 1024, 1024>}, {pipeline_mode = #tpu.pipeline_mode<synchronous>, transform_indices = @transform_4, window_bounds = array<i64: 1, 1024>}, {transform_indices = @transform_5, window_bounds = array<i64: 512, 1024>}]} {
    %get3A = arith.constant 0 : index
    %get3A_0 = arith.constant 2 : index
    %get3A_1 = vector.load %arg3[%get3A, %get3A_0] : memref<512x128xf32, #tpu.memory_space<vmem>>, vector<512x1xf32>
    %get3A_2 = arith.constant 0 : index
    %get3A_3 = arith.constant 3 : index
    %get3A_4 = vector.load %arg3[%get3A_2, %get3A_3] : memref<512x128xf32, #tpu.memory_space<vmem>>, vector<512x1xf32>
    %get3A_5 = arith.constant 0 : index
    %get3A_6 = arith.constant 0 : index
    %get3A_7 = vector.load %arg1[%get3A_5, %get3A_6] : memref<512x1024xf32, #tpu.memory_space<vmem>>, vector<512x1024xf32>
    %mul3A = vector.broadcast %get3A_1 : vector<512x1xf32> to vector<512x1024xf32>
    %mul3A_8 = arith.mulf %mul3A, %get3A_7 : vector<512x1024xf32>
    %get3A_9 = arith.constant 0 : index
    %get3A_10 = arith.constant 0 : index
    %get3A_11 = vector.load %arg2[%get3A_9, %get3A_10] : memref<512x1024xf32, #tpu.memory_space<vmem>>, vector<512x1024xf32>
    %mul3A_12 = vector.broadcast %get3A_4 : vector<512x1xf32> to vector<512x1024xf32>
    %mul3A_13 = arith.mulf %mul3A_12, %get3A_11 : vector<512x1024xf32>
    %add3A = arith.addf %mul3A_8, %mul3A_13 : vector<512x1024xf32>
    %convert_element_type3A = arith.truncf %add3A : vector<512x1024xf32> to vector<512x1024xbf16>
    %get3A_14 = arith.constant 0 : index
    %get3A_15 = arith.constant 0 : index
    %get3A_16 = vector.load %arg4[%get3A_14, %get3A_15] : memref<1024x1024xbf16, #tpu.memory_space<vmem>>, vector<1024x1024xbf16>
    %dot_general3A = arith.constant dense<0.000000e+00> : vector<512x1024xf32>
    %dot_general3A_17 = tpu.matmul %convert_element_type3A, %get3A_16, %dot_general3A {dimension_numbers = #tpu.dot_dimension_numbers<[1], [0], [0], [1], [0, 0, 1, 1], [], []>, transpose_lhs_hint = false} : vector<512x1024xbf16>, vector<1024x1024xbf16>, vector<512x1024xf32> -> vector<512x1024xf32>
    %get3A_18 = arith.constant 0 : index
    %get3A_19 = arith.constant 0 : index
    %get3A_20 = vector.load %arg5[%get3A_18, %get3A_19] : memref<1x1024xf32, #tpu.memory_space<vmem>>, vector<1x1024xf32>
    %add3A_21 = vector.broadcast %get3A_20 : vector<1x1024xf32> to vector<512x1024xf32>
    %add3A_22 = arith.addf %dot_general3A_17, %add3A_21 : vector<512x1024xf32>
    %reduce_max3A = arith.constant dense<0xFF800000> : vector<512xf32>
    %reduce_max3A_23 = vector.multi_reduction <maximumf>, %add3A_22, %reduce_max3A [1] : vector<512x1024xf32> to vector<512xf32>
    %broadcast_in_dim3A = vector.shape_cast %reduce_max3A_23 : vector<512xf32> to vector<512x1xf32>
    %sub3A = vector.broadcast %broadcast_in_dim3A : vector<512x1xf32> to vector<512x1024xf32>
    %sub3A_24 = arith.subf %add3A_22, %sub3A : vector<512x1024xf32>
    %exp3A = math.exp %sub3A_24 : vector<512x1024xf32>
    %reduce_sum3A = arith.constant dense<0.000000e+00> : vector<512xf32>
    %reduce_sum3A_25 = vector.multi_reduction <add>, %exp3A, %reduce_sum3A [1] : vector<512x1024xf32> to vector<512xf32>
    %broadcast_in_dim3A_26 = vector.shape_cast %reduce_sum3A_25 : vector<512xf32> to vector<512x1xf32>
    %log3A = math.log %broadcast_in_dim3A_26 : vector<512x1xf32>
    %sub3A_27 = vector.broadcast %broadcast_in_dim3A : vector<512x1xf32> to vector<512x1024xf32>
    %sub3A_28 = arith.subf %add3A_22, %sub3A_27 : vector<512x1024xf32>
    %sub3A_29 = vector.broadcast %log3A : vector<512x1xf32> to vector<512x1024xf32>
    %sub3A_30 = arith.subf %sub3A_28, %sub3A_29 : vector<512x1024xf32>
    %swap3A = arith.constant 0 : index
    %swap3A_31 = arith.constant 0 : index
    %swap3A_32 = vector.load %arg6[%swap3A, %swap3A_31] : memref<512x1024xf32, #tpu.memory_space<vmem>>, vector<512x1024xf32>
    tpu.vector_store %arg6[%swap3A, %swap3A_31], %sub3A_30 {strides = array<i32>} : memref<512x1024xf32, #tpu.memory_space<vmem>>, vector<512x1024xf32>,
    return
  }
  func.func @transform_0(%arg0: i32) -> (i32, i32) {
    %c0_i32 = arith.constant 0 : i32
    %c0_i32_0 = arith.constant 0 : i32
    return %arg0, %c0_i32 : i32, i32
  }
  func.func @transform_1(%arg0: i32) -> (i32, i32) {
    %c0_i32 = arith.constant 0 : i32
    %c0_i32_0 = arith.constant 0 : i32
    return %arg0, %c0_i32 : i32, i32
  }
  func.func @transform_2(%arg0: i32) -> (i32, i32) {
    %c0_i32 = arith.constant 0 : i32
    %c0_i32_0 = arith.constant 0 : i32
    return %arg0, %c0_i32 : i32, i32
  }
  func.func @transform_3(%arg0: i32) -> (i32, i32) {
    %c0_i32 = arith.constant 0 : i32
    %c0_i32_0 = arith.constant 0 : i32
    %c0_i32_1 = arith.constant 0 : i32
    return %c0_i32, %c0_i32_0 : i32, i32
  }
  func.func @transform_4(%arg0: i32) -> (i32, i32) {
    %c0_i32 = arith.constant 0 : i32
    %c0_i32_0 = arith.constant 0 : i32
    %c0_i32_1 = arith.constant 0 : i32
    return %c0_i32, %c0_i32_0 : i32, i32
  }
  func.func @transform_5(%arg0: i32) -> (i32, i32) {
    %c0_i32 = arith.constant 0 : i32
    %c0_i32_0 = arith.constant 0 : i32
    return %arg0, %c0_i32 : i32, i32
  }
}

</mosaic_0001>

<sc_bundles>
// kernel: kernel.14.cloned.1.call-start
scs
__scs_entry_jumppad:
0x0: {  	(pc) =	sbr.rel $0x88, $3  }
0x1: {  	(tag) =	ssettag $0x0;
	lr =	simm.s32 $0x1  }
0x2: {  	[smem:$0x3F97] =	sst lr;
	_ =	strace $0xD0000000  }
0x3: {  	_ = 	snop  }
0x4: {  	_ = 	snop  }
0x5: {  	_ = 	snop  }
0x6: {  	_ = 	snop  }
0x7: {  	_ = 	snop  }
__scs_overlays_trampoline_lowered:
0x8: {  	[smem:$0x3FA6] =	sst s0  }
0x9: {  	[smem:$0x3FA7] =	sst s1  }
0xa: {  	[smem:$0x3FA8] =	sst s2  }
0xb: {  	[smem:$0x3FA9] =	sst s3  }
0xc: {  	[smem:$0x3FAA] =	sst s4  }
0xd: {  	[smem:$0x3FAB] =	sst s5  }
0xe: {  	[smem:$0x3FAC] =	sst s6  }
0xf: {  	[smem:$0x3FAD] =	sst s7  }
0x10: {  	[smem:$0x3FAE] =	sst s8  }
0x11: {  	[smem:$0x3FAF] =	sst s9;
	s0 =	simm.s32 @!p0 $0x0  }
0x12: {  	s1 =	sld [smem:$0x3F95];
	s0 =	simm.s32 @p0 $0x1  }
0x13: {  	[smem:$0x3FB0] =	sst s0;
	s0 =	simm.s32 @!p1 $0x0  }
0x14: {  	s2 =	sld [smem:$0x3F94];
	s0 =	simm.s32 @p1 $0x1  }
0x15: {  	[smem:$0x3FB1] =	sst s0;
	s0 =	simm.s32 @!p2 $0x0  }
0x16: {  	s3 =	sld [smem:$0x3FDB];
	s0 =	simm.s32 @p2 $0x1  }
0x17: {  	s4 =	simm.s32 $0x1BF5;
	[smem:$0x3FB3] =	sst s0  }
0x18: {  	s0 =	sld [smem:$0x3F96];
	_ =	swait.ge [sflag:s4], $0x0  }
0x19: {  	s7 =	sld [smem:$0x3F97]  }
0x1a: {  	s8 =	sadd.s32 $0xFFFFE003, lr  }
0x1b: {  	s9 =	sadd.s32 $0xFFFFFEF7, lr;
	s5 =	simm.s32 $0xFFFFFFFF;
	p2 =	slt.u32 s8, $0xFFFFF086  }
0x1c: {  	p1 =	slt.u32 s9, $0xF7A;
	s5 =	simm.s32 @!p2 $0x0  }
0x1d: {  	s5 =	simm.s32 @p1 $0x1;
	p0 =	seq.s32 s7, s2  }
0x1e: {  	s7 =	smul.u32 @!p0 $0xF7A, s2;
	p2 =	seq.s32 @!p0 s5, $0x0  }
0x1f: {  	s9 =	smul.u32 $0xF7A, s1;
	s8 =	simm.s32 @!p0 $0x1BF5;
	p2 =	por !p2, p0  }
0x20: {  	[sflag:s8] =	ssyncset.s32 @!p0 $0xFFFFF086;
	s6 =	sadd.s32 @!p0 s3, s7;
	s7 =	simm.s32 @!p0 $0x108  }
0x21: {  	s3 =	sadd.s32 s3, s9;
	s6 =	sadd.s32 @!p0 $0x88, s6;
	s7 =	simm.s32 @p2 $0x1082  }
0x22: {  	[simem:s7], [sflag:s8] =	dma.local @!p0 [hbm:s6], $0xF7A  }
0x23: {  	s9 =	sor.u32 $0xD0000000, s2;
	s6 =	simm.s32 $0x108;
	_ =	swait.ge @!p0 [sflag:s8], $0x0  }
0x24: {  	s3 =	sadd.s32 $0x88, s3;
	s6 =	simm.s32 @!p1 $0x1082;
	[sflag:s4] =	ssyncset.s32 $0xFFFFF086  }
0x25: {  	[simem:s6], [sflag:s4] =	dma.local [hbm:s3], $0xF7A  }
0x26: {  	[smem:$0x3F97] =	sst s1;
	(tag) =	ssettag s2;
	_ =	strace s9  }
0x27: {  	s1 =	sld [smem:$0x3FA7]  }
0x28: {  	s2 =	sld [smem:$0x3FA8]  }
0x29: {  	s4 =	sld [smem:$0x3FAA]  }
0x2a: {  	p0 =	seq.s32 s5, $0x0;
	s5 =	sld [smem:$0x3FAB]  }
0x2b: {  	s6 =	sld [smem:$0x3FAC]  }
0x2c: {  	s7 =	sld [smem:$0x3FAD]  }
0x2d: {  	s3 =	simm.s32 $0x108;
	s8 =	sld [smem:$0x3FAE]  }
0x2e: {  	s3 =	simm.s32 @!p0 $0x1082;
	s9 =	sld [smem:$0x3FAF]  }
0x2f: {  	lr =	sadd.s32 s0, s3;
	s0 =	sld [smem:$0x3FA6]  }
0x30: {  	s3 =	sld [smem:$0x3FA9]  }
0x31: {  	[smem:$0x3FB2] =	sst s10  }
0x32: {  	s10 =	sld [smem:$0x3FB0];
	_ =	sdelay $0x3  }
0x33: {  	p0 =	seq.s32 s10, $0x1;
	s10 =	sld [smem:$0x3FB2];
	_ =	sdelay $0x3  }
0x34: {  	[smem:$0x3FB2] =	sst s10  }
0x35: {  	s10 =	sld [smem:$0x3FB1];
	_ =	sdelay $0x3  }
0x36: {  	p1 =	seq.s32 s10, $0x1;
	s10 =	sld [smem:$0x3FB2];
	_ =	sdelay $0x3  }
0x37: {  	[smem:$0x3FB2] =	sst s10  }
0x38: {  	s10 =	sld [smem:$0x3FB3]  }
0x39: {  	_ = 	snop;
	(pc) =	sbr.ind lr, $3  }
0x3a: {  	_ = 	snop  }
0x3b: {  	_ = 	snop  }
0x3c: {  	p2 =	seq.s32 s10, $0x1;
	s10 =	sld [smem:$0x3FB2]  }
0x3d: {  	_ =	shalt  }
0x3e: {  	_ =	shalt  }
0x3f: {  	_ =	shalt  }
0x40: {  	_ =	shalt  }
0x41: {  	_ =	shalt  }
0x42: {  	_ =	shalt  }
0x43: {  	_ =	shalt  }
0x44: {  	_ =	shalt  }
0x45: {  	_ =	shalt  }
0x46: {  	_ =	shalt  }
0x47: {  	_ =	shalt  }
0x48: {  	_ =	shalt  }
0x49: {  	_ =	shalt  }
0x4a: {  	_ =	shalt  }
0x4b: {  	_ =	shalt  }
0x4c: {  	_ =	shalt  }
0x4d: {  	_ =	shalt  }
0x4e: {  	_ =	shalt  }
0x4f: {  	_ =	shalt  }
0x50: {  	_ =	shalt  }
0x51: {  	_ =	shalt  }
0x52: {  	_ =	shalt  }
0x53: {  	_ =	shalt  }
0x54: {  	_ =	shalt  }
0x55: {  	_ =	shalt  }
0x56: {  	_ =	shalt  }
0x57: {  	_ =	shalt  }
0x58: {  	_ =	shalt  }
0x59: {  	_ =	shalt  }
0x5a: {  	_ =	shalt  }
0x5b: {  	_ =	shalt  }
0x5c: {  	_ =	shalt  }
0x5d: {  	_ =	shalt  }
0x5e: {  	_ =	shalt  }
0x5f: {  	_ =	shalt  }
0x60: {  	_ =	shalt  }
0x61: {  	_ =	shalt  }
0x62: {  	_ =	shalt  }
0x63: {  	_ =	shalt  }
0x64: {  	_ =	shalt  }
0x65: {  	_ =	shalt  }
0x66: {  	_ =	shalt  }
0x67: {  	_ =	shalt  }
0x68: {  	_ =	shalt  }
0x69: {  	_ =	shalt  }
0x6a: {  	_ =	shalt  }
0x6b: {  	_ =	shalt  }
0x6c: {  	_ =	shalt  }
0x6d: {  	_ =	shalt  }
0x6e: {  	_ =	shalt  }
0x6f: {  	_ =	shalt  }
0x70: {  	_ =	shalt  }
0x71: {  	_ =	shalt  }
0x72: {  	_ =	shalt  }
0x73: {  	_ =	shalt  }
0x74: {  	_ =	shalt  }
0x75: {  	_ =	shalt  }
0x76: {  	_ =	shalt  }
0x77: {  	_ =	shalt  }
0x78: {  	_ =	shalt  }
0x79: {  	_ =	shalt  }
0x7a: {  	_ =	shalt  }
0x7b: {  	_ =	shalt  }
0x7c: {  	_ =	shalt  }
0x7d: {  	_ =	shalt  }
0x7e: {  	_ =	shalt  }
0x7f: {  	_ =	shalt  }
0x80: {  	_ =	shalt  }
0x81: {  	_ =	shalt  }
0x82: {  	_ =	shalt  }
0x83: {  	_ =	shalt  }
0x84: {  	_ =	shalt  }
0x85: {  	_ =	shalt  }
0x86: {  	_ =	shalt  }
0x87: {  	_ =	shalt  }
.Lfunc_end0:
.L_simem_size_0:
called_computation_lowered:
.L_overlay_start_0:
0x88: {  	s2 =	sld [smem:$0x3FD9]  }
0x89: {  	s3 =	sld [smem:$0x3FFE];
	_ =	sdelay $0x1  }
0x8a: {  	s1 =	srdreg.scid  }
0x8b: {  	s0 =	sand.u32 $0x1, s1  }
0x8c: {  	s16 =	sshll.u32 s0, $0xA;
	s2 =	sadd.s32 s3, s2  }
0x8d: {  	s2 =	sadd.s32 s2, s16  }
0x8e: {  	[smem:$0x3FBE] =	sst s2  }
0x8f: {  	_ = 	snop  }
0x90: {  	(tm) =	ssettm $0x1  }
0x91: {  	s17 =	sld [smem:$0x3FFB];
	_ =	sdelay $0x3  }
0x92: {  	_ =	strace s17  }
0x93: {  	s2 =	sld [smem:$0x3FFC];
	_ =	sdelay $0x3  }
0x94: {  	_ =	strace s2  }
0x95: {  	s2 =	sld [smem:$0x3FFD];
	_ =	sdelay $0x3  }
0x96: {  	_ =	strace s2  }
0x97: {  	_ =	strace $0x8FFFFFFF  }
0x98: {  	s18 =	sld [smem:$0x3FDB];
	_ =	sdelay $0x1  }
0x99: {  	s19 =	simm.s32 $_scs_section_size  }
0x9a: {  	s4 =	simm.s32 $_size__tile_overlayer_lowered;
	s5 =	simm.s32 $_tile_overlayer_lowered  }
0x9b: {  	s22 =	simm.s32 $0x1BFF;
	s21 =	sshll.u32 s5, $0x1;
	s2 =	sadd.s32 s19, s18  }
0x9c: {  	s6 =	simm.s32 $0x0;
	s20 =	sshll.u32 s4, $0x1;
	s4 =	sadd.s32 s21, s2  }
0x9d: {  	[timem:s6], [sflag:s22] =	dma.local [hbm:s4], s20  }
0x9e: {  	_ =	swait.ge [sflag:s22], s20  }
0x9f: {  	s3 =	ssub.s32 $0x0, s20;
	[sflag:s22] =	ssyncset.done $0x0  }
0xa0: {  	[sflag:s22] =	ssyncadd.s32 s3;
	_ =	sdelay $0x1  }
0xa1: {  	s23 =	simm.s32 $0x1B8B  }
0xa2: {  	_ =	swait.ge [sflag:s23], $0x1  }
0xa3: {  	[sflag:s23] =	ssyncset.done $0x0  }
0xa4: {  	s25 =	simm.s32 $0x1B8E;
	s24 =	sld [smem:$0x3FFE];
	[sflag:s23] =	ssyncadd.s32 $0xFFFFFFFF  }
0xa5: {  	s26 =	simm.s32 $execute0_lowered;
	[smem:$0x3FD2] =	sst s25  }
0xa6: {  	s4 =	sshll.u32 s26, $0x1;
	_ =	strace $0x80000046;
	[dreg:$0x1] =	wrdreg $0xFFFFFFFF  }
0xa7: {  	s28 =	simm.s32 $_size_execute0_lowered;
	s2 =	sadd.s32 s2, s4;
	[dreg:$0x0] =	wrdreg $0x0  }
0xa8: {  	s4 =	sshll.u32 s28, $0x1;
	[dreg:$0x2] =	wrdreg s2  }
0xa9: {  	[dreg:$0x3] =	wrdreg s4  }
0xaa: {  	[dreg:$0x4] =	wrdreg $0xC0  }
0xab: {  	_ =	task [dreg:s6], $0x5FFFF  }
0xac: {  	[dreg:$0x1] =	wrdreg $0xFFFFFFFF  }
0xad: {  	[dreg:$0x0] =	wrdreg $0x60  }
0xae: {  	[dreg:$0x2] =	wrdreg s24  }
0xaf: {  	[dreg:$0x3] =	wrdreg $0x9  }
0xb0: {  	_ =	task.clear_ibuf [dreg:s6], $0x4FFFF;
	_ =	strace $0x90000046  }
0xb1: {  	s29 =	simm.s32 $0x9;
	_ =	strace $0x80000048  }
0xb2: {  	_ =	swait.ge [sflag:s29], $0x1  }
0xb3: {  	[sflag:s29] =	ssyncadd.s32 $0xFFFFFFFF  }
0xb4: {  	_ =	strace $0x90000048  }
0xb5: {  	_ =	sfence  }
0xb6: {  	s30 =	sld [smem:$0x0];
	_ =	sdelay $0x2  }
0xb7: {  	s31 =	sshll.u32 s1, $0xD;
	s1 =	sshrl.u32 s1, $0x2  }
0xb8: {  	s3 =	sand.u32 $0x4000, s31;
	s1 =	sadd.s32 s1, s30  }
0xb9: {  	s0 =	sor.u32 s3, s0;
	s1 =	sshll.u32 s1, $0x11  }
0xba: {  	s0 =	sor.u32 s1, s0  }
0xbb: {  	s0 =	sadd.s32 $0x8F2B, s0  }
0xbc: {  	[sflag:s0] =	ssyncadd.remote.s32 $0x1  }
0xbd: {  	_ =	sfence.sel $0xFFFF  }
0xbe: {  	[dreg:$0x0] =	wrdreg $0xFFFFFFFF;
	(pc) =	sbr.abs _section_cstart, $3  }
0xbf: {  	[dreg:$0x1] =	wrdreg $0xFFFFFFFF  }
0xc0: {  	_ =	task.clear_ibuf [dreg:s6], $0x2FFFF;
	_ =	strace $0x9FFFFFFF  }
0xc1: {  	(tm) =	ssettm $0x7FFFFFFF  }
tec
execute0_lowered:
.L_overlay_start_1:
0x0: {  	(tag) =	ssettag $0x1  }
0x1: {  	s0 =	srdreg.scid  }
0x2: {  	s2 =	stileid.u32;
	s1 =	rddreg [dreg:$0x0];
	s11 =	simm.s32 $0x1  }
0x3: {  	s28 =	simm.s32 $0x2;
	s29 =	simm.s32 $0x2A00;
	s30 =	simm.s32 $0x3200  }
0x4: {  	s31 =	simm.s32 $0x3A00;
	s18 =	simm.s32 $0x8A00;
	s19 =	simm.s32 $0x9200  }
0x5: {  	s20 =	simm.s32 $0x9A00;
	s21 =	simm.s32 $0xA200;
	s8 =	simm.s32 $0xAA00  }
0x6: {  	s9 =	simm.s32 $0xB200;
	s12 =	simm.s32 $0xC200;
	s13 =	simm.s32 $0xCA00  }
0x7: {  	s14 =	simm.s32 $0xD200;
	s15 =	simm.s32 $0xDA00;
	s16 =	simm.s32 $0xE200  }
0x8: {  	s0 =	sand.u32 $0x1, s0;
	s3 =	sshll.u32 s2, $0x1;
	s2 =	simm.s32 $0x0  }
0x9: {  	s17 =	simm.s32 $0xEA00;
	s3 =	sor.u32 s0, s3;
	[smem:$0x7FF] =	sst s2  }
0xa: {  	s0 =	ssub.s32 $0x2, s0;
	s4 =	sshll.u32 s3, $0xE;
	s3 =	sshll.u32 s3, $0x6  }
0xb: {  	_ =	strace $0x80000047;
	s4 =	sand.u32 $0x3C000, s4;
	s5 =	sadd.s32 s3, s1  }
0xc: {  	s24 =	sshrl.u32 s0, $0x1;
	s6 =	sadd.s32 s4, s1;
	s22 =	sadd.s32 $0x4BA00, s5  }
0xd: {  	s3 =	sadd.s32 $0x4C200, s1;
	[dreg:$0x2] =	wrdreg s22;
	s23 =	sadd.s32 $0x3A00, s6  }
0xe: {  	s0 =	ssub.s32 s0, s24;
	s25 =	sadd.s32 $0x4A00, s6;
	[dreg:$0x3] =	wrdreg s23  }
0xf: {  	s24 =	simm.s32 $0xFA00;
	s26 =	sadd.s32 $0x5A00, s6;
	[dreg:$0x4] =	wrdreg s25  }
0x10: {  	v2 =	vlaneseq.u32;
	s4 =	sadd.s32 $0x4C300, s1;
	s7 =	sadd.s32 $0x6A00, s6;
	[dreg:$0x5] =	wrdreg s26  }
0x11: {  	vm0 =	vmmov $0xffff;
	v1 =	vshrl.u32 v2, $0x3;
	s5 =	sadd.s32 $0x4C400, s1;
	s6 =	sadd.s32 $0x4C500, s1;
	[dreg:$0x6] =	wrdreg s7  }
0x12: {  	v0 =	vand.u32 $0x7, v2;
	v2 =	vor.u32 $0x8, v2;
	v1 =	vmul.u32 $0x8, v1;
	s7 =	smax.u32 s0, $0x1;
	s25 =	simm.s32 $0x1A00;
	s26 =	simm.s32 $0x2200  }
.LBB2_1:
0x13: {  	s22 =	rddreg [dreg:$0x2];
	s0 =	simm.s32 $0x3  }
0x14: {  	[tilespmem:s2], [sflag:$0x3] =	stream.linear.gather [hbm4b:s22+s2], $0x200, $0x38;
	[tilespmem:$0x10200] =	vst v63  }
0x15: {  	_ =	swait.ge [sflag:s0], $0x200  }
0x16: {  	[sflag:s0] =	ssyncset.done $0x0  }
0x17: {  	s10 =	simm.s32 $0x200;
	s1 =	rddreg [dreg:$0x3];
	[sflag:s0] =	ssyncadd.s32 $0xFFFFFE00  }
0x18: {  	[tilespmem:s10], [sflag:$0x1] =	stream.linear.gather [hbm4b:s1+s2], $0x8000, $0x38;
	[tilespmem:$0x10200] =	vst v63  }
0x19: {  	s23 =	rddreg [dreg:$0x4];
	s0 =	simm.s32 $0x8200  }
0x1a: {  	[tilespmem:s0], [sflag:$0x1] =	stream.linear.gather [hbm4b:s23+s2], $0x8000, $0x38;
	[tilespmem:$0x10200] =	vst v63  }
0x1b: {  	_ =	swait.ge [sflag:s11], $0x8000  }
0x1c: {  	[sflag:s11] =	ssyncset.done $0x0  }
0x1d: {  	[sflag:s11] =	ssyncadd.s32 $0xFFFF8000  }
0x1e: {  	v3 =	vld [tilespmem:$0x0];
	_ =	sdelay $0x4  }
0x1f: {  	v4 =	vshll.u32 v3, $0x3  }
0x20: {  	v3 =	vand.u32 $0x7, v3;
	v4 =	vand.u32 $0xFFFFFFC0, v4  }
0x21: {  	v3 =	vor.u32 v3, v4  }
0x22: {  	v4 =	vperm.xlane v3, v0;
	_ =	sdelay $0x1  }
0x23: {  	v4 =	vadd.s32 v1, v4;
	_ =	sdelay $0x4  }
0x24: {  	[hbm4b:s3+s2] =	stream.indirect_vreg.scatter [tilespmem:s10], [sflag:$0x2], $0x80, v4, vm0, $0xb8;
	[tilespmem:$0x10200] =	vst v63  }
0x25: {  	s1 =	simm.s32 $0xA00;
	v3 =	vperm.xlane v3, v2  }
0x26: {  	[hbm4b:s4+s2] =	stream.indirect_vreg.scatter [tilespmem:s1], [sflag:$0x2], $0x80, v4, vm0, $0xb8;
	[tilespmem:$0x10200] =	vst v63  }
0x27: {  	s23 =	simm.s32 $0x1200;
	v3 =	vadd.s32 v1, v3  }
0x28: {  	[hbm4b:s5+s2] =	stream.indirect_vreg.scatter [tilespmem:s23], [sflag:$0x2], $0x80, v4, vm0, $0xb8;
	[tilespmem:$0x10200] =	vst v63  }
0x29: {  	_ = 	snop  }
0x2a: {  	[hbm4b:s6+s2] =	stream.indirect_vreg.scatter [tilespmem:s25], [sflag:$0x2], $0x80, v4, vm0, $0xb8;
	[tilespmem:$0x10200] =	vst v63  }
0x2b: {  	_ = 	snop  }
0x2c: {  	[hbm4b:s3+s2] =	stream.indirect_vreg.scatter [tilespmem:s26], [sflag:$0x2], $0x80, v3, vm0, $0xb8;
	[tilespmem:$0x10200] =	vst v63  }
0x2d: {  	_ = 	snop  }
0x2e: {  	[hbm4b:s4+s2] =	stream.indirect_vreg.scatter [tilespmem:s29], [sflag:$0x2], $0x80, v3, vm0, $0xb8;
	[tilespmem:$0x10200] =	vst v63  }
0x2f: {  	_ = 	snop  }
0x30: {  	[hbm4b:s5+s2] =	stream.indirect_vreg.scatter [tilespmem:s30], [sflag:$0x2], $0x80, v3, vm0, $0xb8;
	[tilespmem:$0x10200] =	vst v63  }
0x31: {  	_ = 	snop  }
0x32: {  	[hbm4b:s6+s2] =	stream.indirect_vreg.scatter [tilespmem:s31], [sflag:$0x2], $0x80, v3, vm0, $0xb8;
	[tilespmem:$0x10200] =	vst v63  }
0x33: {  	v3 =	vld [tilespmem:$0x10];
	_ =	sdelay $0x4  }
0x34: {  	v57 =	vshll.u32 v3, $0x3  }
0x35: {  	v3 =	vand.u32 $0x7, v3;
	v4 =	vand.u32 $0xFFFFFFC0, v57  }
0x36: {  	v3 =	vor.u32 v3, v4  }
0x37: {  	v4 =	vperm.xlane v3, v0;
	_ =	sdelay $0x1  }
0x38: {  	v4 =	vadd.s32 v1, v4;
	_ =	sdelay $0x3  }
0x39: {  	s22 =	simm.s32 $0x4200  }
0x3a: {  	[hbm4b:s3+s2] =	stream.indirect_vreg.scatter [tilespmem:s22], [sflag:$0x2], $0x80, v4, vm0, $0xb8;
	[tilespmem:$0x10200] =	vst v63  }
0x3b: {  	s23 =	simm.s32 $0x4A00;
	v3 =	vperm.xlane v3, v2  }
0x3c: {  	[hbm4b:s4+s2] =	stream.indirect_vreg.scatter [tilespmem:s23], [sflag:$0x2], $0x80, v4, vm0, $0xb8;
	[tilespmem:$0x10200] =	vst v63  }
0x3d: {  	v3 =	vadd.s32 v1, v3;
	s22 =	simm.s32 $0x5200  }
0x3e: {  	[hbm4b:s5+s2] =	stream.indirect_vreg.scatter [tilespmem:s22], [sflag:$0x2], $0x80, v4, vm0, $0xb8;
	[tilespmem:$0x10200] =	vst v63  }
0x3f: {  	s23 =	simm.s32 $0x5A00  }
0x40: {  	[hbm4b:s6+s2] =	stream.indirect_vreg.scatter [tilespmem:s23], [sflag:$0x2], $0x80, v4, vm0, $0xb8;
	[tilespmem:$0x10200] =	vst v63  }
0x41: {  	s22 =	simm.s32 $0x6200  }
0x42: {  	[hbm4b:s3+s2] =	stream.indirect_vreg.scatter [tilespmem:s22], [sflag:$0x2], $0x80, v3, vm0, $0xb8;
	[tilespmem:$0x10200] =	vst v63  }
0x43: {  	s23 =	simm.s32 $0x6A00  }
0x44: {  	[hbm4b:s4+s2] =	stream.indirect_vreg.scatter [tilespmem:s23], [sflag:$0x2], $0x80, v3, vm0, $0xb8;
	[tilespmem:$0x10200] =	vst v63  }
0x45: {  	s22 =	simm.s32 $0x7200  }
0x46: {  	[hbm4b:s5+s2] =	stream.indirect_vreg.scatter [tilespmem:s22], [sflag:$0x2], $0x80, v3, vm0, $0xb8;
	[tilespmem:$0x10200] =	vst v63  }
0x47: {  	s23 =	simm.s32 $0x7A00  }
0x48: {  	[hbm4b:s6+s2] =	stream.indirect_vreg.scatter [tilespmem:s23], [sflag:$0x2], $0x80, v3, vm0, $0xb8;
	[tilespmem:$0x10200] =	vst v63  }
0x49: {  	_ =	swait.ge [sflag:s28], $0x8000  }
0x4a: {  	[sflag:s28] =	ssyncset.done $0x0  }
0x4b: {  	s1 =	rddreg [dreg:$0x5];
	[sflag:s28] =	ssyncadd.s32 $0xFFFF8000  }
0x4c: {  	[tilespmem:s10], [sflag:$0x1] =	stream.linear.gather [hbm4b:s1+s2], $0x8000, $0x38;
	[tilespmem:$0x10200] =	vst v63  }
0x4d: {  	_ =	swait.ge [sflag:s11], $0x8000  }
0x4e: {  	[sflag:s11] =	ssyncset.done $0x0  }
0x4f: {  	[sflag:s11] =	ssyncadd.s32 $0xFFFF8000  }
0x50: {  	v3 =	vld [tilespmem:$0x80];
	_ =	sdelay $0x4  }
0x51: {  	v58 =	vshll.u32 v3, $0x3  }
0x52: {  	v3 =	vand.u32 $0x7, v3;
	v4 =	vand.u32 $0xFFFFFFC0, v58  }
0x53: {  	v3 =	vor.u32 v3, v4  }
0x54: {  	v4 =	vperm.xlane v3, v0;
	_ =	sdelay $0x1  }
0x55: {  	v4 =	vadd.s32 v1, v4;
	_ =	sdelay $0x4  }
0x56: {  	[hbm4b:s3+s2] =	stream.indirect_vreg.scatter [tilespmem:s0], [sflag:$0x2], $0x80, v4, vm0, $0xb8;
	[tilespmem:$0x10200] =	vst v63  }
0x57: {  	v3 =	vperm.xlane v3, v2  }
0x58: {  	[hbm4b:s4+s2] =	stream.indirect_vreg.scatter [tilespmem:s18], [sflag:$0x2], $0x80, v4, vm0, $0xb8;
	[tilespmem:$0x10200] =	vst v63  }
0x59: {  	v3 =	vadd.s32 v1, v3  }
0x5a: {  	[hbm4b:s5+s2] =	stream.indirect_vreg.scatter [tilespmem:s19], [sflag:$0x2], $0x80, v4, vm0, $0xb8;
	[tilespmem:$0x10200] =	vst v63  }
0x5b: {  	_ = 	snop  }
0x5c: {  	[hbm4b:s6+s2] =	stream.indirect_vreg.scatter [tilespmem:s20], [sflag:$0x2], $0x80, v4, vm0, $0xb8;
	[tilespmem:$0x10200] =	vst v63  }
0x5d: {  	_ = 	snop  }
0x5e: {  	[hbm4b:s3+s2] =	stream.indirect_vreg.scatter [tilespmem:s21], [sflag:$0x2], $0x80, v3, vm0, $0xb8;
	[tilespmem:$0x10200] =	vst v63  }
0x5f: {  	_ = 	snop  }
0x60: {  	[hbm4b:s4+s2] =	stream.indirect_vreg.scatter [tilespmem:s8], [sflag:$0x2], $0x80, v3, vm0, $0xb8;
	[tilespmem:$0x10200] =	vst v63  }
0x61: {  	_ = 	snop  }
0x62: {  	[hbm4b:s5+s2] =	stream.indirect_vreg.scatter [tilespmem:s9], [sflag:$0x2], $0x80, v3, vm0, $0xb8;
	[tilespmem:$0x10200] =	vst v63  }
0x63: {  	s1 =	simm.s32 $0xBA00  }
0x64: {  	[hbm4b:s6+s2] =	stream.indirect_vreg.scatter [tilespmem:s1], [sflag:$0x2], $0x80, v3, vm0, $0xb8;
	[tilespmem:$0x10200] =	vst v63  }
0x65: {  	v3 =	vld [tilespmem:$0x90];
	_ =	sdelay $0x4  }
0x66: {  	v59 =	vshll.u32 v3, $0x3  }
0x67: {  	v3 =	vand.u32 $0x7, v3;
	v4 =	vand.u32 $0xFFFFFFC0, v59  }
0x68: {  	v3 =	vor.u32 v3, v4  }
0x69: {  	v4 =	vperm.xlane v3, v0;
	_ =	sdelay $0x1  }
0x6a: {  	v4 =	vadd.s32 v1, v4;
	_ =	sdelay $0x4  }
0x6b: {  	[hbm4b:s3+s2] =	stream.indirect_vreg.scatter [tilespmem:s12], [sflag:$0x2], $0x80, v4, vm0, $0xb8;
	[tilespmem:$0x10200] =	vst v63  }
0x6c: {  	v3 =	vperm.xlane v3, v2  }
0x6d: {  	[hbm4b:s4+s2] =	stream.indirect_vreg.scatter [tilespmem:s13], [sflag:$0x2], $0x80, v4, vm0, $0xb8;
	[tilespmem:$0x10200] =	vst v63  }
0x6e: {  	v3 =	vadd.s32 v1, v3  }
0x6f: {  	[hbm4b:s5+s2] =	stream.indirect_vreg.scatter [tilespmem:s14], [sflag:$0x2], $0x80, v4, vm0, $0xb8;
	[tilespmem:$0x10200] =	vst v63  }
0x70: {  	_ = 	snop  }
0x71: {  	[hbm4b:s6+s2] =	stream.indirect_vreg.scatter [tilespmem:s15], [sflag:$0x2], $0x80, v4, vm0, $0xb8;
	[tilespmem:$0x10200] =	vst v63  }
0x72: {  	_ = 	snop  }
0x73: {  	[hbm4b:s3+s2] =	stream.indirect_vreg.scatter [tilespmem:s16], [sflag:$0x2], $0x80, v3, vm0, $0xb8;
	[tilespmem:$0x10200] =	vst v63  }
0x74: {  	_ = 	snop  }
0x75: {  	[hbm4b:s4+s2] =	stream.indirect_vreg.scatter [tilespmem:s17], [sflag:$0x2], $0x80, v3, vm0, $0xb8;
	[tilespmem:$0x10200] =	vst v63  }
0x76: {  	s23 =	simm.s32 $0xF200  }
0x77: {  	[hbm4b:s5+s2] =	stream.indirect_vreg.scatter [tilespmem:s23], [sflag:$0x2], $0x80, v3, vm0, $0xb8;
	[tilespmem:$0x10200] =	vst v63  }
0x78: {  	_ = 	snop  }
0x79: {  	[hbm4b:s6+s2] =	stream.indirect_vreg.scatter [tilespmem:s24], [sflag:$0x2], $0x80, v3, vm0, $0xb8;
	[tilespmem:$0x10200] =	vst v63  }
0x7a: {  	_ =	swait.ge [sflag:s28], $0x8000  }
0x7b: {  	[sflag:s28] =	ssyncset.done $0x0  }
0x7c: {  	s22 =	rddreg [dreg:$0x6];
	[sflag:s28] =	ssyncadd.s32 $0xFFFF8000  }
0x7d: {  	[tilespmem:s0], [sflag:$0x1] =	stream.linear.gather [hbm4b:s22+s2], $0x8000, $0x38;
	[tilespmem:$0x10200] =	vst v63  }
0x7e: {  	_ =	swait.ge [sflag:s11], $0x8000  }
0x7f: {  	[sflag:s11] =	ssyncset.done $0x0  }
0x80: {  	[sflag:s11] =	ssyncadd.s32 $0xFFFF8000  }
0x81: {  	v3 =	vld [tilespmem:$0x100];
	_ =	sdelay $0x4  }
0x82: {  	v60 =	vshll.u32 v3, $0x3  }
0x83: {  	v3 =	vand.u32 $0x7, v3;
	v4 =	vand.u32 $0xFFFFFFC0, v60  }
0x84: {  	v3 =	vor.u32 v3, v4  }
0x85: {  	v4 =	vperm.xlane v3, v0;
	_ =	sdelay $0x1  }
0x86: {  	v4 =	vadd.s32 v1, v4;
	_ =	sdelay $0x4  }
0x87: {  	[hbm4b:s3+s2] =	stream.indirect_vreg.scatter [tilespmem:s10], [sflag:$0x2], $0x80, v4, vm0, $0xb8;
	[tilespmem:$0x10200] =	vst v63  }
0x88: {  	s22 =	simm.s32 $0xA00;
	v3 =	vperm.xlane v3, v2  }
0x89: {  	[hbm4b:s4+s2] =	stream.indirect_vreg.scatter [tilespmem:s22], [sflag:$0x2], $0x80, v4, vm0, $0xb8;
	[tilespmem:$0x10200] =	vst v63  }
0x8a: {  	v3 =	vadd.s32 v1, v3;
	s22 =	simm.s32 $0x1200  }
0x8b: {  	[hbm4b:s5+s2] =	stream.indirect_vreg.scatter [tilespmem:s22], [sflag:$0x2], $0x80, v4, vm0, $0xb8;
	[tilespmem:$0x10200] =	vst v63  }
0x8c: {  	_ = 	snop  }
0x8d: {  	[hbm4b:s6+s2] =	stream.indirect_vreg.scatter [tilespmem:s25], [sflag:$0x2], $0x80, v4, vm0, $0xb8;
	[tilespmem:$0x10200] =	vst v63  }
0x8e: {  	_ = 	snop  }
0x8f: {  	[hbm4b:s3+s2] =	stream.indirect_vreg.scatter [tilespmem:s26], [sflag:$0x2], $0x80, v3, vm0, $0xb8;
	[tilespmem:$0x10200] =	vst v63  }
0x90: {  	_ = 	snop  }
0x91: {  	[hbm4b:s4+s2] =	stream.indirect_vreg.scatter [tilespmem:s29], [sflag:$0x2], $0x80, v3, vm0, $0xb8;
	[tilespmem:$0x10200] =	vst v63  }
0x92: {  	_ = 	snop  }
0x93: {  	[hbm4b:s5+s2] =	stream.indirect_vreg.scatter [tilespmem:s30], [sflag:$0x2], $0x80, v3, vm0, $0xb8;
	[tilespmem:$0x10200] =	vst v63  }
0x94: {  	_ = 	snop  }
0x95: {  	[hbm4b:s6+s2] =	stream.indirect_vreg.scatter [tilespmem:s31], [sflag:$0x2], $0x80, v3, vm0, $0xb8;
	[tilespmem:$0x10200] =	vst v63  }
0x96: {  	v3 =	vld [tilespmem:$0x110];
	_ =	sdelay $0x4  }
0x97: {  	v61 =	vshll.u32 v3, $0x3  }
0x98: {  	v3 =	vand.u32 $0x7, v3;
	v4 =	vand.u32 $0xFFFFFFC0, v61  }
0x99: {  	v3 =	vor.u32 v3, v4  }
0x9a: {  	v4 =	vperm.xlane v3, v0;
	_ =	sdelay $0x1  }
0x9b: {  	v4 =	vadd.s32 v1, v4;
	_ =	sdelay $0x3  }
0x9c: {  	s22 =	simm.s32 $0x4200  }
0x9d: {  	[hbm4b:s3+s2] =	stream.indirect_vreg.scatter [tilespmem:s22], [sflag:$0x2], $0x80, v4, vm0, $0xb8;
	[tilespmem:$0x10200] =	vst v63  }
0x9e: {  	v3 =	vperm.xlane v3, v2;
	s22 =	simm.s32 $0x4A00  }
0x9f: {  	[hbm4b:s4+s2] =	stream.indirect_vreg.scatter [tilespmem:s22], [sflag:$0x2], $0x80, v4, vm0, $0xb8;
	[tilespmem:$0x10200] =	vst v63  }
0xa0: {  	v3 =	vadd.s32 v1, v3;
	s22 =	simm.s32 $0x5200  }
0xa1: {  	[hbm4b:s5+s2] =	stream.indirect_vreg.scatter [tilespmem:s22], [sflag:$0x2], $0x80, v4, vm0, $0xb8;
	[tilespmem:$0x10200] =	vst v63  }
0xa2: {  	s22 =	simm.s32 $0x5A00  }
0xa3: {  	[hbm4b:s6+s2] =	stream.indirect_vreg.scatter [tilespmem:s22], [sflag:$0x2], $0x80, v4, vm0, $0xb8;
	[tilespmem:$0x10200] =	vst v63  }
0xa4: {  	s22 =	simm.s32 $0x6200  }
0xa5: {  	[hbm4b:s3+s2] =	stream.indirect_vreg.scatter [tilespmem:s22], [sflag:$0x2], $0x80, v3, vm0, $0xb8;
	[tilespmem:$0x10200] =	vst v63  }
0xa6: {  	s22 =	simm.s32 $0x6A00  }
0xa7: {  	[hbm4b:s4+s2] =	stream.indirect_vreg.scatter [tilespmem:s22], [sflag:$0x2], $0x80, v3, vm0, $0xb8;
	[tilespmem:$0x10200] =	vst v63  }
0xa8: {  	s22 =	simm.s32 $0x7200  }
0xa9: {  	[hbm4b:s5+s2] =	stream.indirect_vreg.scatter [tilespmem:s22], [sflag:$0x2], $0x80, v3, vm0, $0xb8;
	[tilespmem:$0x10200] =	vst v63  }
0xaa: {  	s22 =	simm.s32 $0x7A00  }
0xab: {  	[hbm4b:s6+s2] =	stream.indirect_vreg.scatter [tilespmem:s22], [sflag:$0x2], $0x80, v3, vm0, $0xb8;
	[tilespmem:$0x10200] =	vst v63  }
0xac: {  	_ =	swait.ge [sflag:s11], $0x8000  }
0xad: {  	[sflag:s11] =	ssyncset.done $0x0  }
0xae: {  	[sflag:s11] =	ssyncadd.s32 $0xFFFF8000  }
0xaf: {  	v3 =	vld [tilespmem:$0x180];
	_ =	sdelay $0x4  }
0xb0: {  	v62 =	vshll.u32 v3, $0x3  }
0xb1: {  	v3 =	vand.u32 $0x7, v3;
	v4 =	vand.u32 $0xFFFFFFC0, v62  }
0xb2: {  	v3 =	vor.u32 v3, v4  }
0xb3: {  	v4 =	vperm.xlane v3, v0;
	_ =	sdelay $0x1  }
0xb4: {  	v4 =	vadd.s32 v1, v4;
	_ =	sdelay $0x4  }
0xb5: {  	[hbm4b:s3+s2] =	stream.indirect_vreg.scatter [tilespmem:s0], [sflag:$0x2], $0x80, v4, vm0, $0xb8;
	[tilespmem:$0x10200] =	vst v63  }
0xb6: {  	v3 =	vperm.xlane v3, v2  }
0xb7: {  	[hbm4b:s4+s2] =	stream.indirect_vreg.scatter [tilespmem:s18], [sflag:$0x2], $0x80, v4, vm0, $0xb8;
	[tilespmem:$0x10200] =	vst v63  }
0xb8: {  	v3 =	vadd.s32 v1, v3  }
0xb9: {  	[hbm4b:s5+s2] =	stream.indirect_vreg.scatter [tilespmem:s19], [sflag:$0x2], $0x80, v4, vm0, $0xb8;
	[tilespmem:$0x10200] =	vst v63  }
0xba: {  	_ = 	snop  }
0xbb: {  	[hbm4b:s6+s2] =	stream.indirect_vreg.scatter [tilespmem:s20], [sflag:$0x2], $0x80, v4, vm0, $0xb8;
	[tilespmem:$0x10200] =	vst v63  }
0xbc: {  	_ = 	snop  }
0xbd: {  	[hbm4b:s3+s2] =	stream.indirect_vreg.scatter [tilespmem:s21], [sflag:$0x2], $0x80, v3, vm0, $0xb8;
	[tilespmem:$0x10200] =	vst v63  }
0xbe: {  	_ = 	snop  }
0xbf: {  	[hbm4b:s4+s2] =	stream.indirect_vreg.scatter [tilespmem:s8], [sflag:$0x2], $0x80, v3, vm0, $0xb8;
	[tilespmem:$0x10200] =	vst v63  }
0xc0: {  	_ = 	snop  }
0xc1: {  	[hbm4b:s5+s2] =	stream.indirect_vreg.scatter [tilespmem:s9], [sflag:$0x2], $0x80, v3, vm0, $0xb8;
	[tilespmem:$0x10200] =	vst v63  }
0xc2: {  	_ = 	snop  }
0xc3: {  	[hbm4b:s6+s2] =	stream.indirect_vreg.scatter [tilespmem:s1], [sflag:$0x2], $0x80, v3, vm0, $0xb8;
	[tilespmem:$0x10200] =	vst v63  }
0xc4: {  	v3 =	vld [tilespmem:$0x190];
	_ =	sdelay $0x4  }
0xc5: {  	v63 =	vshll.u32 v3, $0x3  }
0xc6: {  	v3 =	vand.u32 $0x7, v3;
	v4 =	vand.u32 $0xFFFFFFC0, v63  }
0xc7: {  	v3 =	vor.u32 v3, v4  }
0xc8: {  	v4 =	vperm.xlane v3, v0;
	_ =	sdelay $0x1  }
0xc9: {  	v4 =	vadd.s32 v1, v4;
	_ =	sdelay $0x4  }
0xca: {  	[hbm4b:s3+s2] =	stream.indirect_vreg.scatter [tilespmem:s12], [sflag:$0x2], $0x80, v4, vm0, $0xb8;
	[tilespmem:$0x10200] =	vst v63  }
0xcb: {  	v3 =	vperm.xlane v3, v2  }
0xcc: {  	[hbm4b:s4+s2] =	stream.indirect_vreg.scatter [tilespmem:s13], [sflag:$0x2], $0x80, v4, vm0, $0xb8;
	[tilespmem:$0x10200] =	vst v63  }
0xcd: {  	v3 =	vadd.s32 v1, v3  }
0xce: {  	[hbm4b:s5+s2] =	stream.indirect_vreg.scatter [tilespmem:s14], [sflag:$0x2], $0x80, v4, vm0, $0xb8;
	[tilespmem:$0x10200] =	vst v63  }
0xcf: {  	_ = 	snop  }
0xd0: {  	[hbm4b:s6+s2] =	stream.indirect_vreg.scatter [tilespmem:s15], [sflag:$0x2], $0x80, v4, vm0, $0xb8;
	[tilespmem:$0x10200] =	vst v63  }
0xd1: {  	_ = 	snop  }
0xd2: {  	[hbm4b:s3+s2] =	stream.indirect_vreg.scatter [tilespmem:s16], [sflag:$0x2], $0x80, v3, vm0, $0xb8;
	[tilespmem:$0x10200] =	vst v63  }
0xd3: {  	_ = 	snop  }
0xd4: {  	[hbm4b:s4+s2] =	stream.indirect_vreg.scatter [tilespmem:s17], [sflag:$0x2], $0x80, v3, vm0, $0xb8;
	[tilespmem:$0x10200] =	vst v63  }
0xd5: {  	_ = 	snop  }
0xd6: {  	[hbm4b:s5+s2] =	stream.indirect_vreg.scatter [tilespmem:s23], [sflag:$0x2], $0x80, v3, vm0, $0xb8;
	[tilespmem:$0x10200] =	vst v63  }
0xd7: {  	_ = 	snop  }
0xd8: {  	[hbm4b:s6+s2] =	stream.indirect_vreg.scatter [tilespmem:s24], [sflag:$0x2], $0x80, v3, vm0, $0xb8;
	[tilespmem:$0x10200] =	vst v63  }
0xd9: {  	p0 =	sne.s32 s7, $0x1;
	_ =	swait.ge [sflag:s28], $0x8000  }
.Ltmp0:
0xda: {  	[sflag:s28] =	ssyncset.done $0x0;
	(pc) =	sbr.rel @p0 .LBB2_1-.Ltmp0, $4  }
0xdb: {  	[sflag:s28] =	ssyncadd.s32 $0xFFFF8000  }
0xdc: {  	_ =	swait.ge [sflag:s28], $0x8000  }
0xdd: {  	[sflag:s28] =	ssyncset.done $0x0  }
0xde: {  	s7 =	sadd.s32 $0xFFFFFFFF, s7;
	[sflag:s28] =	ssyncadd.s32 $0xFFFF8000  }
0xdf: {  	_ =	sfence.sel $0x180000  }
0xe0: {  	[bflag:$0x0] =	sbarrier.arrive $0xFFFF  }
0xe1: {  	_ =	strace $0x90000047  }
0xe2: {  	s0 =	stileid.u32;
	[bflag:$0x2] =	sbarrier.arrive $0xFFFF  }
0xe3: {  	p0 =	sne.s32 s0, $0x0;
	s0 =	rddreg [dreg:$0x1]  }
0xe4: {  	s0 =	sadd.s32 @!p0 $0x100000, s0  }
0xe5: {  	[sflag:s0] =	ssyncadd.tile.s32 @!p0 $0x1;
	_ =	shalt  }
.Lfunc_end2:
_tile_overlayer_lowered:
.L_overlay_start_2:
0xe6: {  	(tag) =	ssettag $0x2  }
0xe7: {  	s0 =	rddreg [dreg:$0x0];
	s2 =	stileid.u32  }
0xe8: {  	s1 =	rddreg [dreg:$0x1];
	p0 =	sne.s32 s2, $0x0  }
0xe9: {  	s3 =	rddreg [dreg:$0x2];
	[bflag:$0x3] =	sbarrier.arrive $0xFFFF;
	s2 =	simm.s32 @!p0 $0x1C03  }
0xea: {  	[timem:s3], [sflag:s2] =	dma.local @!p0 [hbm:s0], s1  }
0xeb: {  	s0 =	simm.s32 @!p0 $0x3  }
0xec: {  	_ =	swait.ge @!p0 [sflag:s0], s1  }
0xed: {  	s1 =	ssub.s32 @!p0 $0x0, s1;
	[sflag:s0] =	ssyncset.done @!p0 $0x0  }
0xee: {  	[sflag:s0] =	ssyncadd.s32 @!p0 s1  }
0xef: {  	[bflag:$0x3] =	sbarrier.arrive $0xFFFF  }
0xf0: {  	_ =	shalt  }

// kernel: kernel.17.cloned.1.call-start
scs
__scs_entry_jumppad:
0x0: {  	(pc) =	sbr.rel $0x88, $3  }
0x1: {  	(tag) =	ssettag $0x0;
	lr =	simm.s32 $0x1  }
0x2: {  	[smem:$0x3F97] =	sst lr;
	_ =	strace $0xD0000000  }
0x3: {  	_ = 	snop  }
0x4: {  	_ = 	snop  }
0x5: {  	_ = 	snop  }
0x6: {  	_ = 	snop  }
0x7: {  	_ = 	snop  }
__scs_overlays_trampoline_lowered:
0x8: {  	[smem:$0x3FA6] =	sst s0  }
0x9: {  	[smem:$0x3FA7] =	sst s1  }
0xa: {  	[smem:$0x3FA8] =	sst s2  }
0xb: {  	[smem:$0x3FA9] =	sst s3  }
0xc: {  	[smem:$0x3FAA] =	sst s4  }
0xd: {  	[smem:$0x3FAB] =	sst s5  }
0xe: {  	[smem:$0x3FAC] =	sst s6  }
0xf: {  	[smem:$0x3FAD] =	sst s7  }
0x10: {  	[smem:$0x3FAE] =	sst s8  }
0x11: {  	[smem:$0x3FAF] =	sst s9;
	s0 =	simm.s32 @!p0 $0x0  }
0x12: {  	s1 =	sld [smem:$0x3F95];
	s0 =	simm.s32 @p0 $0x1  }
0x13: {  	[smem:$0x3FB0] =	sst s0;
	s0 =	simm.s32 @!p1 $0x0  }
0x14: {  	s2 =	sld [smem:$0x3F94];
	s0 =	simm.s32 @p1 $0x1  }
0x15: {  	[smem:$0x3FB1] =	sst s0;
	s0 =	simm.s32 @!p2 $0x0  }
0x16: {  	s3 =	sld [smem:$0x3FDB];
	s0 =	simm.s32 @p2 $0x1  }
0x17: {  	s4 =	simm.s32 $0x1BF5;
	[smem:$0x3FB3] =	sst s0  }
0x18: {  	s0 =	sld [smem:$0x3F96];
	_ =	swait.ge [sflag:s4], $0x0  }
0x19: {  	s7 =	sld [smem:$0x3F97]  }
0x1a: {  	s8 =	sadd.s32 $0xFFFFE003, lr  }
0x1b: {  	s9 =	sadd.s32 $0xFFFFFEF7, lr;
	s5 =	simm.s32 $0xFFFFFFFF;
	p2 =	slt.u32 s8, $0xFFFFF086  }
0x1c: {  	p1 =	slt.u32 s9, $0xF7A;
	s5 =	simm.s32 @!p2 $0x0  }
0x1d: {  	s5 =	simm.s32 @p1 $0x1;
	p0 =	seq.s32 s7, s2  }
0x1e: {  	s7 =	smul.u32 @!p0 $0xF7A, s2;
	p2 =	seq.s32 @!p0 s5, $0x0  }
0x1f: {  	s9 =	smul.u32 $0xF7A, s1;
	s8 =	simm.s32 @!p0 $0x1BF5;
	p2 =	por !p2, p0  }
0x20: {  	[sflag:s8] =	ssyncset.s32 @!p0 $0xFFFFF086;
	s6 =	sadd.s32 @!p0 s3, s7;
	s7 =	simm.s32 @!p0 $0x108  }
0x21: {  	s3 =	sadd.s32 s3, s9;
	s6 =	sadd.s32 @!p0 $0x88, s6;
	s7 =	simm.s32 @p2 $0x1082  }
0x22: {  	[simem:s7], [sflag:s8] =	dma.local @!p0 [hbm:s6], $0xF7A  }
0x23: {  	s9 =	sor.u32 $0xD0000000, s2;
	s6 =	simm.s32 $0x108;
	_ =	swait.ge @!p0 [sflag:s8], $0x0  }
0x24: {  	s3 =	sadd.s32 $0x88, s3;
	s6 =	simm.s32 @!p1 $0x1082;
	[sflag:s4] =	ssyncset.s32 $0xFFFFF086  }
0x25: {  	[simem:s6], [sflag:s4] =	dma.local [hbm:s3], $0xF7A  }
0x26: {  	[smem:$0x3F97] =	sst s1;
	(tag) =	ssettag s2;
	_ =	strace s9  }
0x27: {  	s1 =	sld [smem:$0x3FA7]  }
0x28: {  	s2 =	sld [smem:$0x3FA8]  }
0x29: {  	s4 =	sld [smem:$0x3FAA]  }
0x2a: {  	p0 =	seq.s32 s5, $0x0;
	s5 =	sld [smem:$0x3FAB]  }
0x2b: {  	s6 =	sld [smem:$0x3FAC]  }
0x2c: {  	s7 =	sld [smem:$0x3FAD]  }
0x2d: {  	s3 =	simm.s32 $0x108;
	s8 =	sld [smem:$0x3FAE]  }
0x2e: {  	s3 =	simm.s32 @!p0 $0x1082;
	s9 =	sld [smem:$0x3FAF]  }
0x2f: {  	lr =	sadd.s32 s0, s3;
	s0 =	sld [smem:$0x3FA6]  }
0x30: {  	s3 =	sld [smem:$0x3FA9]  }
0x31: {  	[smem:$0x3FB2] =	sst s10  }
0x32: {  	s10 =	sld [smem:$0x3FB0];
	_ =	sdelay $0x3  }
0x33: {  	p0 =	seq.s32 s10, $0x1;
	s10 =	sld [smem:$0x3FB2];
	_ =	sdelay $0x3  }
0x34: {  	[smem:$0x3FB2] =	sst s10  }
0x35: {  	s10 =	sld [smem:$0x3FB1];
	_ =	sdelay $0x3  }
0x36: {  	p1 =	seq.s32 s10, $0x1;
	s10 =	sld [smem:$0x3FB2];
	_ =	sdelay $0x3  }
0x37: {  	[smem:$0x3FB2] =	sst s10  }
0x38: {  	s10 =	sld [smem:$0x3FB3]  }
0x39: {  	_ = 	snop;
	(pc) =	sbr.ind lr, $3  }
0x3a: {  	_ = 	snop  }
0x3b: {  	_ = 	snop  }
0x3c: {  	p2 =	seq.s32 s10, $0x1;
	s10 =	sld [smem:$0x3FB2]  }
0x3d: {  	_ =	shalt  }
0x3e: {  	_ =	shalt  }
0x3f: {  	_ =	shalt  }
0x40: {  	_ =	shalt  }
0x41: {  	_ =	shalt  }
0x42: {  	_ =	shalt  }
0x43: {  	_ =	shalt  }
0x44: {  	_ =	shalt  }
0x45: {  	_ =	shalt  }
0x46: {  	_ =	shalt  }
0x47: {  	_ =	shalt  }
0x48: {  	_ =	shalt  }
0x49: {  	_ =	shalt  }
0x4a: {  	_ =	shalt  }
0x4b: {  	_ =	shalt  }
0x4c: {  	_ =	shalt  }
0x4d: {  	_ =	shalt  }
0x4e: {  	_ =	shalt  }
0x4f: {  	_ =	shalt  }
0x50: {  	_ =	shalt  }
0x51: {  	_ =	shalt  }
0x52: {  	_ =	shalt  }
0x53: {  	_ =	shalt  }
0x54: {  	_ =	shalt  }
0x55: {  	_ =	shalt  }
0x56: {  	_ =	shalt  }
0x57: {  	_ =	shalt  }
0x58: {  	_ =	shalt  }
0x59: {  	_ =	shalt  }
0x5a: {  	_ =	shalt  }
0x5b: {  	_ =	shalt  }
0x5c: {  	_ =	shalt  }
0x5d: {  	_ =	shalt  }
0x5e: {  	_ =	shalt  }
0x5f: {  	_ =	shalt  }
0x60: {  	_ =	shalt  }
0x61: {  	_ =	shalt  }
0x62: {  	_ =	shalt  }
0x63: {  	_ =	shalt  }
0x64: {  	_ =	shalt  }
0x65: {  	_ =	shalt  }
0x66: {  	_ =	shalt  }
0x67: {  	_ =	shalt  }
0x68: {  	_ =	shalt  }
0x69: {  	_ =	shalt  }
0x6a: {  	_ =	shalt  }
0x6b: {  	_ =	shalt  }
0x6c: {  	_ =	shalt  }
0x6d: {  	_ =	shalt  }
0x6e: {  	_ =	shalt  }
0x6f: {  	_ =	shalt  }
0x70: {  	_ =	shalt  }
0x71: {  	_ =	shalt  }
0x72: {  	_ =	shalt  }
0x73: {  	_ =	shalt  }
0x74: {  	_ =	shalt  }
0x75: {  	_ =	shalt  }
0x76: {  	_ =	shalt  }
0x77: {  	_ =	shalt  }
0x78: {  	_ =	shalt  }
0x79: {  	_ =	shalt  }
0x7a: {  	_ =	shalt  }
0x7b: {  	_ =	shalt  }
0x7c: {  	_ =	shalt  }
0x7d: {  	_ =	shalt  }
0x7e: {  	_ =	shalt  }
0x7f: {  	_ =	shalt  }
0x80: {  	_ =	shalt  }
0x81: {  	_ =	shalt  }
0x82: {  	_ =	shalt  }
0x83: {  	_ =	shalt  }
0x84: {  	_ =	shalt  }
0x85: {  	_ =	shalt  }
0x86: {  	_ =	shalt  }
0x87: {  	_ =	shalt  }
.Lfunc_end0:
.L_simem_size_0:
called_computation.1_lowered:
.L_overlay_start_0:
0x88: {  	s2 =	sld [smem:$0x3FD9]  }
0x89: {  	s3 =	sld [smem:$0x3FFE];
	_ =	sdelay $0x1  }
0x8a: {  	s1 =	srdreg.scid  }
0x8b: {  	s0 =	sand.u32 $0x1, s1  }
0x8c: {  	s17 =	sshll.u32 s0, $0xA;
	s2 =	sadd.s32 s3, s2  }
0x8d: {  	s2 =	sadd.s32 s2, s17  }
0x8e: {  	[smem:$0x3FBE] =	sst s2  }
0x8f: {  	_ = 	snop  }
0x90: {  	(tm) =	ssettm $0x1  }
0x91: {  	s18 =	sld [smem:$0x3FFB];
	_ =	sdelay $0x3  }
0x92: {  	_ =	strace s18  }
0x93: {  	s2 =	sld [smem:$0x3FFC];
	_ =	sdelay $0x3  }
0x94: {  	_ =	strace s2  }
0x95: {  	s2 =	sld [smem:$0x3FFD];
	_ =	sdelay $0x3  }
0x96: {  	_ =	strace s2  }
0x97: {  	_ =	strace $0x8FFFFFFF  }
0x98: {  	s19 =	sld [smem:$0x3FDB];
	_ =	sdelay $0x1  }
0x99: {  	s20 =	simm.s32 $_scs_section_size  }
0x9a: {  	s4 =	simm.s32 $_size__tile_overlayer_lowered;
	s5 =	simm.s32 $_tile_overlayer_lowered  }
0x9b: {  	s6 =	simm.s32 $0x1BFF;
	s21 =	sshll.u32 s5, $0x1;
	s3 =	sadd.s32 s20, s19  }
0x9c: {  	s22 =	simm.s32 $0x0;
	s4 =	sshll.u32 s4, $0x1;
	s5 =	sadd.s32 s21, s3  }
0x9d: {  	[timem:s22], [sflag:s6] =	dma.local [hbm:s5], s4  }
0x9e: {  	_ =	swait.ge [sflag:s6], s4  }
0x9f: {  	s4 =	ssub.s32 $0x0, s4;
	[sflag:s6] =	ssyncset.done $0x0  }
0xa0: {  	[sflag:s6] =	ssyncadd.s32 s4;
	_ =	sdelay $0x1  }
0xa1: {  	s23 =	simm.s32 $0x1B8B  }
0xa2: {  	_ =	swait.ge [sflag:s23], $0x1  }
0xa3: {  	[sflag:s23] =	ssyncset.done $0x0  }
0xa4: {  	[sflag:s23] =	ssyncadd.s32 $0xFFFFFFFF  }
0xa5: {  	s4 =	sld [smem:$0x0]  }
0xa6: {  	s5 =	sand.u32 $0xFFFFFFFE, s1  }
0xa7: {  	p0 =	sne.s32 s1, s5  }
0xa8: {  	s5 =	sshll.u32 @p0 s5, $0xE  }
0xa9: {  	s5 =	sadd.s32 @p0 $0x11B8D, s5;
	s6 =	sshll.u32 @p0 s4, $0x11  }
0xaa: {  	s5 =	sor.u32 @p0 s6, s5  }
0xab: {  	[sflag:s5] =	ssyncadd.remote.s32 @p0 $0x1;
	_ =	sdelay $0x1  }
0xac: {  	s5 =	simm.s32 @p0 $0x1B8D  }
0xad: {  	_ =	swait.eq @p0 [sflag:s5], $0x1  }
0xae: {  	[sflag:s5] =	ssyncadd.s32 @p0 $0xFFFFFFFF  }
0xaf: {  	s6 =	sshll.u32 @!p0 s1, $0xE  }
0xb0: {  	s6 =	sor.u32 @!p0 $0x4000, s6;
	s5 =	simm.s32 @!p0 $0x1B8D  }
0xb1: {  	s4 =	sshll.u32 @!p0 s4, $0x11;
	s6 =	sadd.s32 @!p0 $0x11B8D, s6;
	_ =	swait.eq @!p0 [sflag:s5], $0x1  }
0xb2: {  	s4 =	sor.u32 @!p0 s4, s6;
	[sflag:s5] =	ssyncadd.s32 @!p0 $0xFFFFFFFF  }
0xb3: {  	s25 =	simm.s32 $0x1B8E;
	s24 =	sld [smem:$0x3FFE];
	[sflag:s4] =	ssyncadd.remote.s32 @!p0 $0x1  }
0xb4: {  	s26 =	simm.s32 $execute0_lowered;
	[smem:$0x3FD2] =	sst s25  }
0xb5: {  	s5 =	sshll.u32 s26, $0x1;
	_ =	strace $0x8000004C;
	[dreg:$0x1] =	wrdreg $0xFFFFFFFF  }
0xb6: {  	s28 =	simm.s32 $_size_execute0_lowered;
	s3 =	sadd.s32 s3, s5;
	[dreg:$0x0] =	wrdreg $0x0  }
0xb7: {  	s5 =	sshll.u32 s28, $0x1;
	[dreg:$0x2] =	wrdreg s3  }
0xb8: {  	[dreg:$0x3] =	wrdreg s5  }
0xb9: {  	[dreg:$0x4] =	wrdreg $0xC0  }
0xba: {  	_ =	task [dreg:s22], $0x5FFFF  }
0xbb: {  	[dreg:$0x1] =	wrdreg $0xFFFFFFFF  }
0xbc: {  	[dreg:$0x0] =	wrdreg $0x60  }
0xbd: {  	[dreg:$0x2] =	wrdreg s24  }
0xbe: {  	[dreg:$0x3] =	wrdreg $0x9  }
0xbf: {  	_ =	task.clear_ibuf [dreg:s22], $0x4FFFF;
	_ =	strace $0x9000004C  }
0xc0: {  	s29 =	simm.s32 $0x9;
	_ =	strace $0x8000004E  }
0xc1: {  	_ =	swait.ge [sflag:s29], $0x1  }
0xc2: {  	[sflag:s29] =	ssyncadd.s32 $0xFFFFFFFF  }
0xc3: {  	_ =	strace $0x9000004E  }
0xc4: {  	_ =	sfence  }
0xc5: {  	s30 =	sld [smem:$0x0];
	_ =	sdelay $0x2  }
0xc6: {  	s31 =	sshll.u32 s1, $0xD;
	s1 =	sshrl.u32 s1, $0x2  }
0xc7: {  	s4 =	sand.u32 $0x4000, s31;
	s1 =	sadd.s32 s1, s30  }
0xc8: {  	s0 =	sor.u32 s4, s0;
	s1 =	sshll.u32 s1, $0x11  }
0xc9: {  	s0 =	sor.u32 s1, s0  }
0xca: {  	s0 =	sadd.s32 $0x8F2B, s0  }
0xcb: {  	[sflag:s0] =	ssyncadd.remote.s32 $0x1  }
0xcc: {  	_ =	sfence.sel $0xFFFF  }
0xcd: {  	[dreg:$0x0] =	wrdreg $0xFFFFFFFF;
	(pc) =	sbr.abs _section_cstart, $3  }
0xce: {  	[dreg:$0x1] =	wrdreg $0xFFFFFFFF  }
0xcf: {  	_ =	task.clear_ibuf [dreg:s22], $0x2FFFF;
	_ =	strace $0x9FFFFFFF  }
0xd0: {  	(tm) =	ssettm $0x7FFFFFFF  }
0xd1: {  	_ =	shalt  }
tec
execute0_lowered:
.L_overlay_start_1:
0x0: {  	(tag) =	ssettag $0x1  }
0x1: {  	s0 =	rddreg [dreg:$0x0]  }
0x2: {  	s1 =	srdreg.scid;
	s3 =	stileid.u32  }
0x3: {  	s2 =	simm.s32 $0x0;
	s18 =	simm.s32 $0x1;
	s19 =	simm.s32 $0x2  }
0x4: {  	s21 =	simm.s32 $0x900;
	s22 =	simm.s32 $0x1100;
	s23 =	simm.s32 $0x1900  }
0x5: {  	s28 =	simm.s32 $0x3100;
	s29 =	simm.s32 $0x3900;
	s30 =	simm.s32 $0x4100  }
0x6: {  	s31 =	simm.s32 $0x4900;
	s10 =	simm.s32 $0x6100;
	s11 =	simm.s32 $0x6900  }
0x7: {  	s12 =	simm.s32 $0x7100;
	s13 =	simm.s32 $0x7900;
	s14 =	simm.s32 $0x8900  }
0x8: {  	s15 =	simm.s32 $0x9100;
	s16 =	simm.s32 $0x9900;
	s17 =	simm.s32 $0xA100  }
0x9: {  	s1 =	sand.u32 $0x1, s1;
	s3 =	sshll.u32 s3, $0x1;
	[smem:$0x7FF] =	sst s2  }
0xa: {  	s6 =	sadd.s32 $0x3A00, s0;
	s7 =	sadd.s32 $0x4BA00, s0;
	s4 =	sor.u32 s1, s3  }
0xb: {  	_ =	strace $0x8000004D;
	s3 =	sadd.s32 $0x215200, s0;
	s1 =	ssub.s32 $0x2, s1  }
0xc: {  	s5 =	sshll.u32 s4, $0x5;
	s4 =	sshll.u32 s4, $0xD;
	s25 =	sshrl.u32 s1, $0x1  }
0xd: {  	s5 =	sadd.s32 s5, s0;
	s24 =	sadd.s32 s6, s4;
	s9 =	sor.u32 $0x1000, s4  }
0xe: {  	s1 =	ssub.s32 s1, s25;
	s26 =	sadd.s32 s7, s4;
	s4 =	sadd.s32 $0x215300, s0  }
0xf: {  	s25 =	simm.s32 $0x100;
	s8 =	sadd.s32 $0x214E00, s5;
	[dreg:$0x3] =	wrdreg s24  }
0x10: {  	s6 =	sadd.s32 s6, s9;
	s5 =	sadd.s32 $0x214A00, s5;
	[dreg:$0x6] =	wrdreg s26  }
0x11: {  	s7 =	sadd.s32 s7, s9;
	s24 =	simm.s32 $0x2100;
	[dreg:$0x2] =	wrdreg s8  }
0x12: {  	v2 =	vlaneseq.u32;
	s26 =	simm.s32 $0x2900;
	s9 =	simm.s32 $0xA900;
	[dreg:$0x4] =	wrdreg s6  }
0x13: {  	vm0 =	vmmov $0xffff;
	v1 =	vshrl.u32 v2, $0x3;
	[dreg:$0x5] =	wrdreg s5;
	s5 =	sadd.s32 $0x215400, s0;
	s6 =	sadd.s32 $0x215500, s0  }
0x14: {  	v0 =	vand.u32 $0x7, v2;
	v2 =	vor.u32 $0x8, v2;
	v1 =	vmul.u32 $0x8, v1;
	[dreg:$0x7] =	wrdreg s7;
	s7 =	smax.u32 s1, $0x1;
	s8 =	simm.s32 $0x8100  }
.LBB2_1:
0x15: {  	s20 =	rddreg [dreg:$0x2];
	s0 =	simm.s32 $0x3  }
0x16: {  	[tilespmem:s2], [sflag:$0x3] =	stream.linear.gather [hbm4b:s20+s2], $0x100, $0x38;
	[tilespmem:$0x10100] =	vst v63  }
0x17: {  	_ =	swait.ge [sflag:s0], $0x100  }
0x18: {  	[sflag:s0] =	ssyncset.done $0x0  }
0x19: {  	[sflag:s0] =	ssyncadd.s32 $0xFFFFFF00  }
0x1a: {  	v3 =	vld [tilespmem:$0x0];
	_ =	sdelay $0x4  }
0x1b: {  	v4 =	vshll.u32 v3, $0x3  }
0x1c: {  	v3 =	vand.u32 $0x7, v3;
	v4 =	vand.u32 $0xFFFFFFC0, v4  }
0x1d: {  	v3 =	vor.u32 v3, v4  }
0x1e: {  	v4 =	vperm.xlane v3, v0;
	_ =	sdelay $0x1  }
0x1f: {  	v4 =	vadd.s32 v1, v4;
	_ =	sdelay $0x4  }
0x20: {  	[tilespmem:s25], [sflag:$0x1] =	stream.indirect_vreg.gather [hbm4b:s3+s2], $0x80, v4, vm0, $0xb8;
	[tilespmem:$0x10100] =	vst v63  }
0x21: {  	v3 =	vperm.xlane v3, v2  }
0x22: {  	[tilespmem:s21], [sflag:$0x1] =	stream.indirect_vreg.gather [hbm4b:s4+s2], $0x80, v4, vm0, $0xb8;
	[tilespmem:$0x10100] =	vst v63  }
0x23: {  	v3 =	vadd.s32 v1, v3  }
0x24: {  	[tilespmem:s22], [sflag:$0x1] =	stream.indirect_vreg.gather [hbm4b:s5+s2], $0x80, v4, vm0, $0xb8;
	[tilespmem:$0x10100] =	vst v63  }
0x25: {  	_ = 	snop  }
0x26: {  	[tilespmem:s23], [sflag:$0x1] =	stream.indirect_vreg.gather [hbm4b:s6+s2], $0x80, v4, vm0, $0xb8;
	[tilespmem:$0x10100] =	vst v63  }
0x27: {  	_ = 	snop  }
0x28: {  	[tilespmem:s24], [sflag:$0x1] =	stream.indirect_vreg.gather [hbm4b:s3+s2], $0x80, v3, vm0, $0xb8;
	[tilespmem:$0x10100] =	vst v63  }
0x29: {  	_ = 	snop  }
0x2a: {  	[tilespmem:s26], [sflag:$0x1] =	stream.indirect_vreg.gather [hbm4b:s4+s2], $0x80, v3, vm0, $0xb8;
	[tilespmem:$0x10100] =	vst v63  }
0x2b: {  	_ = 	snop  }
0x2c: {  	[tilespmem:s28], [sflag:$0x1] =	stream.indirect_vreg.gather [hbm4b:s5+s2], $0x80, v3, vm0, $0xb8;
	[tilespmem:$0x10100] =	vst v63  }
0x2d: {  	_ = 	snop  }
0x2e: {  	[tilespmem:s29], [sflag:$0x1] =	stream.indirect_vreg.gather [hbm4b:s6+s2], $0x80, v3, vm0, $0xb8;
	[tilespmem:$0x10100] =	vst v63  }
0x2f: {  	v3 =	vld [tilespmem:$0x10];
	_ =	sdelay $0x4  }
0x30: {  	v57 =	vshll.u32 v3, $0x3  }
0x31: {  	v3 =	vand.u32 $0x7, v3;
	v4 =	vand.u32 $0xFFFFFFC0, v57  }
0x32: {  	v3 =	vor.u32 v3, v4  }
0x33: {  	v4 =	vperm.xlane v3, v0;
	_ =	sdelay $0x1  }
0x34: {  	v4 =	vadd.s32 v1, v4;
	_ =	sdelay $0x4  }
0x35: {  	[tilespmem:s30], [sflag:$0x1] =	stream.indirect_vreg.gather [hbm4b:s3+s2], $0x80, v4, vm0, $0xb8;
	[tilespmem:$0x10100] =	vst v63  }
0x36: {  	v3 =	vperm.xlane v3, v2  }
0x37: {  	[tilespmem:s31], [sflag:$0x1] =	stream.indirect_vreg.gather [hbm4b:s4+s2], $0x80, v4, vm0, $0xb8;
	[tilespmem:$0x10100] =	vst v63  }
0x38: {  	s1 =	simm.s32 $0x5100;
	v3 =	vadd.s32 v1, v3  }
0x39: {  	[tilespmem:s1], [sflag:$0x1] =	stream.indirect_vreg.gather [hbm4b:s5+s2], $0x80, v4, vm0, $0xb8;
	[tilespmem:$0x10100] =	vst v63  }
0x3a: {  	s1 =	simm.s32 $0x5900  }
0x3b: {  	[tilespmem:s1], [sflag:$0x1] =	stream.indirect_vreg.gather [hbm4b:s6+s2], $0x80, v4, vm0, $0xb8;
	[tilespmem:$0x10100] =	vst v63  }
0x3c: {  	_ = 	snop  }
0x3d: {  	[tilespmem:s10], [sflag:$0x1] =	stream.indirect_vreg.gather [hbm4b:s3+s2], $0x80, v3, vm0, $0xb8;
	[tilespmem:$0x10100] =	vst v63  }
0x3e: {  	_ = 	snop  }
0x3f: {  	[tilespmem:s11], [sflag:$0x1] =	stream.indirect_vreg.gather [hbm4b:s4+s2], $0x80, v3, vm0, $0xb8;
	[tilespmem:$0x10100] =	vst v63  }
0x40: {  	_ = 	snop  }
0x41: {  	[tilespmem:s12], [sflag:$0x1] =	stream.indirect_vreg.gather [hbm4b:s5+s2], $0x80, v3, vm0, $0xb8;
	[tilespmem:$0x10100] =	vst v63  }
0x42: {  	_ = 	snop  }
0x43: {  	[tilespmem:s13], [sflag:$0x1] =	stream.indirect_vreg.gather [hbm4b:s6+s2], $0x80, v3, vm0, $0xb8;
	[tilespmem:$0x10100] =	vst v63  }
0x44: {  	v3 =	vld [tilespmem:$0x80];
	_ =	sdelay $0x4  }
0x45: {  	v58 =	vshll.u32 v3, $0x3  }
0x46: {  	v3 =	vand.u32 $0x7, v3;
	v4 =	vand.u32 $0xFFFFFFC0, v58  }
0x47: {  	v3 =	vor.u32 v3, v4  }
0x48: {  	v4 =	vperm.xlane v3, v0;
	_ =	sdelay $0x1  }
0x49: {  	v4 =	vadd.s32 v1, v4;
	_ =	sdelay $0x4  }
0x4a: {  	[tilespmem:s8], [sflag:$0x1] =	stream.indirect_vreg.gather [hbm4b:s3+s2], $0x80, v4, vm0, $0xb8;
	[tilespmem:$0x10100] =	vst v63  }
0x4b: {  	v3 =	vperm.xlane v3, v2  }
0x4c: {  	[tilespmem:s14], [sflag:$0x1] =	stream.indirect_vreg.gather [hbm4b:s4+s2], $0x80, v4, vm0, $0xb8;
	[tilespmem:$0x10100] =	vst v63  }
0x4d: {  	v3 =	vadd.s32 v1, v3  }
0x4e: {  	[tilespmem:s15], [sflag:$0x1] =	stream.indirect_vreg.gather [hbm4b:s5+s2], $0x80, v4, vm0, $0xb8;
	[tilespmem:$0x10100] =	vst v63  }
0x4f: {  	_ = 	snop  }
0x50: {  	[tilespmem:s16], [sflag:$0x1] =	stream.indirect_vreg.gather [hbm4b:s6+s2], $0x80, v4, vm0, $0xb8;
	[tilespmem:$0x10100] =	vst v63  }
0x51: {  	_ = 	snop  }
0x52: {  	[tilespmem:s17], [sflag:$0x1] =	stream.indirect_vreg.gather [hbm4b:s3+s2], $0x80, v3, vm0, $0xb8;
	[tilespmem:$0x10100] =	vst v63  }
0x53: {  	_ = 	snop  }
0x54: {  	[tilespmem:s9], [sflag:$0x1] =	stream.indirect_vreg.gather [hbm4b:s4+s2], $0x80, v3, vm0, $0xb8;
	[tilespmem:$0x10100] =	vst v63  }
0x55: {  	s20 =	simm.s32 $0xB100  }
0x56: {  	[tilespmem:s20], [sflag:$0x1] =	stream.indirect_vreg.gather [hbm4b:s5+s2], $0x80, v3, vm0, $0xb8;
	[tilespmem:$0x10100] =	vst v63  }
0x57: {  	s20 =	simm.s32 $0xB900  }
0x58: {  	[tilespmem:s20], [sflag:$0x1] =	stream.indirect_vreg.gather [hbm4b:s6+s2], $0x80, v3, vm0, $0xb8;
	[tilespmem:$0x10100] =	vst v63  }
0x59: {  	v3 =	vld [tilespmem:$0x90];
	_ =	sdelay $0x4  }
0x5a: {  	v59 =	vshll.u32 v3, $0x3  }
0x5b: {  	v3 =	vand.u32 $0x7, v3;
	v4 =	vand.u32 $0xFFFFFFC0, v59  }
0x5c: {  	v3 =	vor.u32 v3, v4  }
0x5d: {  	v4 =	vperm.xlane v3, v0;
	_ =	sdelay $0x1  }
0x5e: {  	v4 =	vadd.s32 v1, v4;
	_ =	sdelay $0x3  }
0x5f: {  	s20 =	simm.s32 $0xC100  }
0x60: {  	[tilespmem:s20], [sflag:$0x1] =	stream.indirect_vreg.gather [hbm4b:s3+s2], $0x80, v4, vm0, $0xb8;
	[tilespmem:$0x10100] =	vst v63  }
0x61: {  	v3 =	vperm.xlane v3, v2;
	s20 =	simm.s32 $0xC900  }
0x62: {  	[tilespmem:s20], [sflag:$0x1] =	stream.indirect_vreg.gather [hbm4b:s4+s2], $0x80, v4, vm0, $0xb8;
	[tilespmem:$0x10100] =	vst v63  }
0x63: {  	v3 =	vadd.s32 v1, v3;
	s20 =	simm.s32 $0xD100  }
0x64: {  	[tilespmem:s20], [sflag:$0x1] =	stream.indirect_vreg.gather [hbm4b:s5+s2], $0x80, v4, vm0, $0xb8;
	[tilespmem:$0x10100] =	vst v63  }
0x65: {  	s20 =	simm.s32 $0xD900  }
0x66: {  	[tilespmem:s20], [sflag:$0x1] =	stream.indirect_vreg.gather [hbm4b:s6+s2], $0x80, v4, vm0, $0xb8;
	[tilespmem:$0x10100] =	vst v63  }
0x67: {  	s20 =	simm.s32 $0xE100  }
0x68: {  	[tilespmem:s20], [sflag:$0x1] =	stream.indirect_vreg.gather [hbm4b:s3+s2], $0x80, v3, vm0, $0xb8;
	[tilespmem:$0x10100] =	vst v63  }
0x69: {  	s20 =	simm.s32 $0xE900  }
0x6a: {  	[tilespmem:s20], [sflag:$0x1] =	stream.indirect_vreg.gather [hbm4b:s4+s2], $0x80, v3, vm0, $0xb8;
	[tilespmem:$0x10100] =	vst v63  }
0x6b: {  	s20 =	simm.s32 $0xF100  }
0x6c: {  	[tilespmem:s20], [sflag:$0x1] =	stream.indirect_vreg.gather [hbm4b:s5+s2], $0x80, v3, vm0, $0xb8;
	[tilespmem:$0x10100] =	vst v63  }
0x6d: {  	s20 =	simm.s32 $0xF900  }
0x6e: {  	[tilespmem:s20], [sflag:$0x1] =	stream.indirect_vreg.gather [hbm4b:s6+s2], $0x80, v3, vm0, $0xb8;
	[tilespmem:$0x10100] =	vst v63  }
0x6f: {  	_ =	swait.ge [sflag:s18], $0x8000  }
0x70: {  	[sflag:s18] =	ssyncset.done $0x0  }
0x71: {  	s20 =	rddreg [dreg:$0x3];
	[sflag:s18] =	ssyncadd.s32 $0xFFFF8000  }
0x72: {  	[hbm4b:s20+s2] =	stream.linear.scatter [tilespmem:s25], [sflag:$0x2], $0x8000, $0x38;
	[tilespmem:$0x10100] =	vst v63  }
0x73: {  	_ =	swait.ge [sflag:s18], $0x8000  }
0x74: {  	[sflag:s18] =	ssyncset.done $0x0  }
0x75: {  	s20 =	rddreg [dreg:$0x4];
	[sflag:s18] =	ssyncadd.s32 $0xFFFF8000  }
0x76: {  	[hbm4b:s20+s2] =	stream.linear.scatter [tilespmem:s8], [sflag:$0x2], $0x8000, $0x38;
	[tilespmem:$0x10100] =	vst v63  }
0x77: {  	_ =	swait.ge [sflag:s19], $0x8000  }
0x78: {  	[sflag:s19] =	ssyncset.done $0x0  }
0x79: {  	[sflag:s19] =	ssyncadd.s32 $0xFFFF8000  }
0x7a: {  	_ =	swait.ge [sflag:s19], $0x8000  }
0x7b: {  	[sflag:s19] =	ssyncset.done $0x0  }
0x7c: {  	s20 =	rddreg [dreg:$0x5];
	[sflag:s19] =	ssyncadd.s32 $0xFFFF8000  }
0x7d: {  	[tilespmem:s2], [sflag:$0x3] =	stream.linear.gather [hbm4b:s20+s2], $0x100, $0x38;
	[tilespmem:$0x10100] =	vst v63  }
0x7e: {  	_ =	swait.ge [sflag:s0], $0x100  }
0x7f: {  	[sflag:s0] =	ssyncset.done $0x0  }
0x80: {  	[sflag:s0] =	ssyncadd.s32 $0xFFFFFF00  }
0x81: {  	v3 =	vld [tilespmem:$0x0];
	_ =	sdelay $0x4  }
0x82: {  	v60 =	vshll.u32 v3, $0x3  }
0x83: {  	v3 =	vand.u32 $0x7, v3;
	v4 =	vand.u32 $0xFFFFFFC0, v60  }
0x84: {  	v3 =	vor.u32 v3, v4  }
0x85: {  	v4 =	vperm.xlane v3, v0;
	_ =	sdelay $0x1  }
0x86: {  	v4 =	vadd.s32 v1, v4;
	_ =	sdelay $0x4  }
0x87: {  	[tilespmem:s25], [sflag:$0x1] =	stream.indirect_vreg.gather [hbm4b:s3+s2], $0x80, v4, vm0, $0xb8;
	[tilespmem:$0x10100] =	vst v63  }
0x88: {  	v3 =	vperm.xlane v3, v2  }
0x89: {  	[tilespmem:s21], [sflag:$0x1] =	stream.indirect_vreg.gather [hbm4b:s4+s2], $0x80, v4, vm0, $0xb8;
	[tilespmem:$0x10100] =	vst v63  }
0x8a: {  	v3 =	vadd.s32 v1, v3  }
0x8b: {  	[tilespmem:s22], [sflag:$0x1] =	stream.indirect_vreg.gather [hbm4b:s5+s2], $0x80, v4, vm0, $0xb8;
	[tilespmem:$0x10100] =	vst v63  }
0x8c: {  	_ = 	snop  }
0x8d: {  	[tilespmem:s23], [sflag:$0x1] =	stream.indirect_vreg.gather [hbm4b:s6+s2], $0x80, v4, vm0, $0xb8;
	[tilespmem:$0x10100] =	vst v63  }
0x8e: {  	_ = 	snop  }
0x8f: {  	[tilespmem:s24], [sflag:$0x1] =	stream.indirect_vreg.gather [hbm4b:s3+s2], $0x80, v3, vm0, $0xb8;
	[tilespmem:$0x10100] =	vst v63  }
0x90: {  	_ = 	snop  }
0x91: {  	[tilespmem:s26], [sflag:$0x1] =	stream.indirect_vreg.gather [hbm4b:s4+s2], $0x80, v3, vm0, $0xb8;
	[tilespmem:$0x10100] =	vst v63  }
0x92: {  	_ = 	snop  }
0x93: {  	[tilespmem:s28], [sflag:$0x1] =	stream.indirect_vreg.gather [hbm4b:s5+s2], $0x80, v3, vm0, $0xb8;
	[tilespmem:$0x10100] =	vst v63  }
0x94: {  	_ = 	snop  }
0x95: {  	[tilespmem:s29], [sflag:$0x1] =	stream.indirect_vreg.gather [hbm4b:s6+s2], $0x80, v3, vm0, $0xb8;
	[tilespmem:$0x10100] =	vst v63  }
0x96: {  	v3 =	vld [tilespmem:$0x10];
	_ =	sdelay $0x4  }
0x97: {  	v61 =	vshll.u32 v3, $0x3  }
0x98: {  	v3 =	vand.u32 $0x7, v3;
	v4 =	vand.u32 $0xFFFFFFC0, v61  }
0x99: {  	v3 =	vor.u32 v3, v4  }
0x9a: {  	v4 =	vperm.xlane v3, v0;
	_ =	sdelay $0x1  }
0x9b: {  	v4 =	vadd.s32 v1, v4;
	_ =	sdelay $0x4  }
0x9c: {  	[tilespmem:s30], [sflag:$0x1] =	stream.indirect_vreg.gather [hbm4b:s3+s2], $0x80, v4, vm0, $0xb8;
	[tilespmem:$0x10100] =	vst v63  }
0x9d: {  	v3 =	vperm.xlane v3, v2  }
0x9e: {  	[tilespmem:s31], [sflag:$0x1] =	stream.indirect_vreg.gather [hbm4b:s4+s2], $0x80, v4, vm0, $0xb8;
	[tilespmem:$0x10100] =	vst v63  }
0x9f: {  	s20 =	simm.s32 $0x5100;
	v3 =	vadd.s32 v1, v3  }
0xa0: {  	[tilespmem:s20], [sflag:$0x1] =	stream.indirect_vreg.gather [hbm4b:s5+s2], $0x80, v4, vm0, $0xb8;
	[tilespmem:$0x10100] =	vst v63  }
0xa1: {  	_ = 	snop  }
0xa2: {  	[tilespmem:s1], [sflag:$0x1] =	stream.indirect_vreg.gather [hbm4b:s6+s2], $0x80, v4, vm0, $0xb8;
	[tilespmem:$0x10100] =	vst v63  }
0xa3: {  	_ = 	snop  }
0xa4: {  	[tilespmem:s10], [sflag:$0x1] =	stream.indirect_vreg.gather [hbm4b:s3+s2], $0x80, v3, vm0, $0xb8;
	[tilespmem:$0x10100] =	vst v63  }
0xa5: {  	_ = 	snop  }
0xa6: {  	[tilespmem:s11], [sflag:$0x1] =	stream.indirect_vreg.gather [hbm4b:s4+s2], $0x80, v3, vm0, $0xb8;
	[tilespmem:$0x10100] =	vst v63  }
0xa7: {  	_ = 	snop  }
0xa8: {  	[tilespmem:s12], [sflag:$0x1] =	stream.indirect_vreg.gather [hbm4b:s5+s2], $0x80, v3, vm0, $0xb8;
	[tilespmem:$0x10100] =	vst v63  }
0xa9: {  	_ = 	snop  }
0xaa: {  	[tilespmem:s13], [sflag:$0x1] =	stream.indirect_vreg.gather [hbm4b:s6+s2], $0x80, v3, vm0, $0xb8;
	[tilespmem:$0x10100] =	vst v63  }
0xab: {  	v3 =	vld [tilespmem:$0x80];
	_ =	sdelay $0x4  }
0xac: {  	v62 =	vshll.u32 v3, $0x3  }
0xad: {  	v3 =	vand.u32 $0x7, v3;
	v4 =	vand.u32 $0xFFFFFFC0, v62  }
0xae: {  	v3 =	vor.u32 v3, v4  }
0xaf: {  	v4 =	vperm.xlane v3, v0;
	_ =	sdelay $0x1  }
0xb0: {  	v4 =	vadd.s32 v1, v4;
	_ =	sdelay $0x4  }
0xb1: {  	[tilespmem:s8], [sflag:$0x1] =	stream.indirect_vreg.gather [hbm4b:s3+s2], $0x80, v4, vm0, $0xb8;
	[tilespmem:$0x10100] =	vst v63  }
0xb2: {  	v3 =	vperm.xlane v3, v2  }
0xb3: {  	[tilespmem:s14], [sflag:$0x1] =	stream.indirect_vreg.gather [hbm4b:s4+s2], $0x80, v4, vm0, $0xb8;
	[tilespmem:$0x10100] =	vst v63  }
0xb4: {  	v3 =	vadd.s32 v1, v3  }
0xb5: {  	[tilespmem:s15], [sflag:$0x1] =	stream.indirect_vreg.gather [hbm4b:s5+s2], $0x80, v4, vm0, $0xb8;
	[tilespmem:$0x10100] =	vst v63  }
0xb6: {  	_ = 	snop  }
0xb7: {  	[tilespmem:s16], [sflag:$0x1] =	stream.indirect_vreg.gather [hbm4b:s6+s2], $0x80, v4, vm0, $0xb8;
	[tilespmem:$0x10100] =	vst v63  }
0xb8: {  	_ = 	snop  }
0xb9: {  	[tilespmem:s17], [sflag:$0x1] =	stream.indirect_vreg.gather [hbm4b:s3+s2], $0x80, v3, vm0, $0xb8;
	[tilespmem:$0x10100] =	vst v63  }
0xba: {  	_ = 	snop  }
0xbb: {  	[tilespmem:s9], [sflag:$0x1] =	stream.indirect_vreg.gather [hbm4b:s4+s2], $0x80, v3, vm0, $0xb8;
	[tilespmem:$0x10100] =	vst v63  }
0xbc: {  	s1 =	simm.s32 $0xB100  }
0xbd: {  	[tilespmem:s1], [sflag:$0x1] =	stream.indirect_vreg.gather [hbm4b:s5+s2], $0x80, v3, vm0, $0xb8;
	[tilespmem:$0x10100] =	vst v63  }
0xbe: {  	s20 =	simm.s32 $0xB900  }
0xbf: {  	[tilespmem:s20], [sflag:$0x1] =	stream.indirect_vreg.gather [hbm4b:s6+s2], $0x80, v3, vm0, $0xb8;
	[tilespmem:$0x10100] =	vst v63  }
0xc0: {  	v3 =	vld [tilespmem:$0x90];
	_ =	sdelay $0x4  }
0xc1: {  	v63 =	vshll.u32 v3, $0x3  }
0xc2: {  	v3 =	vand.u32 $0x7, v3;
	v4 =	vand.u32 $0xFFFFFFC0, v63  }
0xc3: {  	v3 =	vor.u32 v3, v4  }
0xc4: {  	v4 =	vperm.xlane v3, v0;
	_ =	sdelay $0x1  }
0xc5: {  	v4 =	vadd.s32 v1, v4;
	_ =	sdelay $0x3  }
0xc6: {  	s1 =	simm.s32 $0xC100  }
0xc7: {  	[tilespmem:s1], [sflag:$0x1] =	stream.indirect_vreg.gather [hbm4b:s3+s2], $0x80, v4, vm0, $0xb8;
	[tilespmem:$0x10100] =	vst v63  }
0xc8: {  	s20 =	simm.s32 $0xC900;
	v3 =	vperm.xlane v3, v2  }
0xc9: {  	[tilespmem:s20], [sflag:$0x1] =	stream.indirect_vreg.gather [hbm4b:s4+s2], $0x80, v4, vm0, $0xb8;
	[tilespmem:$0x10100] =	vst v63  }
0xca: {  	v3 =	vadd.s32 v1, v3;
	s1 =	simm.s32 $0xD100  }
0xcb: {  	[tilespmem:s1], [sflag:$0x1] =	stream.indirect_vreg.gather [hbm4b:s5+s2], $0x80, v4, vm0, $0xb8;
	[tilespmem:$0x10100] =	vst v63  }
0xcc: {  	s20 =	simm.s32 $0xD900  }
0xcd: {  	[tilespmem:s20], [sflag:$0x1] =	stream.indirect_vreg.gather [hbm4b:s6+s2], $0x80, v4, vm0, $0xb8;
	[tilespmem:$0x10100] =	vst v63  }
0xce: {  	s1 =	simm.s32 $0xE100  }
0xcf: {  	[tilespmem:s1], [sflag:$0x1] =	stream.indirect_vreg.gather [hbm4b:s3+s2], $0x80, v3, vm0, $0xb8;
	[tilespmem:$0x10100] =	vst v63  }
0xd0: {  	s20 =	simm.s32 $0xE900  }
0xd1: {  	[tilespmem:s20], [sflag:$0x1] =	stream.indirect_vreg.gather [hbm4b:s4+s2], $0x80, v3, vm0, $0xb8;
	[tilespmem:$0x10100] =	vst v63  }
0xd2: {  	s1 =	simm.s32 $0xF100  }
0xd3: {  	[tilespmem:s1], [sflag:$0x1] =	stream.indirect_vreg.gather [hbm4b:s5+s2], $0x80, v3, vm0, $0xb8;
	[tilespmem:$0x10100] =	vst v63  }
0xd4: {  	s20 =	simm.s32 $0xF900  }
0xd5: {  	[tilespmem:s20], [sflag:$0x1] =	stream.indirect_vreg.gather [hbm4b:s6+s2], $0x80, v3, vm0, $0xb8;
	[tilespmem:$0x10100] =	vst v63  }
0xd6: {  	_ =	swait.ge [sflag:s18], $0x8000  }
0xd7: {  	[sflag:s18] =	ssyncset.done $0x0  }
0xd8: {  	s0 =	rddreg [dreg:$0x6];
	[sflag:s18] =	ssyncadd.s32 $0xFFFF8000  }
0xd9: {  	[hbm4b:s0+s2] =	stream.linear.scatter [tilespmem:s25], [sflag:$0x2], $0x8000, $0x38;
	[tilespmem:$0x10100] =	vst v63  }
0xda: {  	_ =	swait.ge [sflag:s18], $0x8000  }
0xdb: {  	[sflag:s18] =	ssyncset.done $0x0  }
0xdc: {  	s1 =	rddreg [dreg:$0x7];
	[sflag:s18] =	ssyncadd.s32 $0xFFFF8000  }
0xdd: {  	[hbm4b:s1+s2] =	stream.linear.scatter [tilespmem:s8], [sflag:$0x2], $0x8000, $0x38;
	[tilespmem:$0x10100] =	vst v63  }
0xde: {  	p0 =	sne.s32 s7, $0x1;
	_ =	swait.ge [sflag:s19], $0x8000  }
.Ltmp0:
0xdf: {  	[sflag:s19] =	ssyncset.done $0x0;
	(pc) =	sbr.rel @p0 .LBB2_1-.Ltmp0, $4  }
0xe0: {  	[sflag:s19] =	ssyncadd.s32 $0xFFFF8000  }
0xe1: {  	_ =	swait.ge [sflag:s19], $0x8000  }
0xe2: {  	[sflag:s19] =	ssyncset.done $0x0  }
0xe3: {  	s7 =	sadd.s32 $0xFFFFFFFF, s7;
	[sflag:s19] =	ssyncadd.s32 $0xFFFF8000  }
0xe4: {  	_ =	sfence.sel $0x180000  }
0xe5: {  	[bflag:$0x0] =	sbarrier.arrive $0xFFFF  }
0xe6: {  	_ =	strace $0x9000004D  }
0xe7: {  	s0 =	stileid.u32;
	[bflag:$0x2] =	sbarrier.arrive $0xFFFF  }
0xe8: {  	p0 =	sne.s32 s0, $0x0;
	s0 =	rddreg [dreg:$0x1]  }
0xe9: {  	s0 =	sadd.s32 @!p0 $0x100000, s0  }
0xea: {  	[sflag:s0] =	ssyncadd.tile.s32 @!p0 $0x1;
	_ =	shalt  }
.Lfunc_end2:
_tile_overlayer_lowered:
.L_overlay_start_2:
0xeb: {  	(tag) =	ssettag $0x2  }
0xec: {  	s0 =	rddreg [dreg:$0x0];
	s2 =	stileid.u32  }
0xed: {  	s1 =	rddreg [dreg:$0x1];
	p0 =	sne.s32 s2, $0x0  }
0xee: {  	s3 =	rddreg [dreg:$0x2];
	[bflag:$0x3] =	sbarrier.arrive $0xFFFF;
	s2 =	simm.s32 @!p0 $0x1C03  }
0xef: {  	[timem:s3], [sflag:s2] =	dma.local @!p0 [hbm:s0], s1  }
0xf0: {  	s0 =	simm.s32 @!p0 $0x3  }
0xf1: {  	_ =	swait.ge @!p0 [sflag:s0], s1  }
0xf2: {  	s1 =	ssub.s32 @!p0 $0x0, s1;
	[sflag:s0] =	ssyncset.done @!p0 $0x0  }
0xf3: {  	[sflag:s0] =	ssyncadd.s32 @!p0 s1  }
0xf4: {  	[bflag:$0x3] =	sbarrier.arrive $0xFFFF  }
0xf5: {  	_ =	shalt  }

// kernel: kernel.20.cloned.1.call-start
scs
__scs_entry_jumppad:
0x0: {  	(pc) =	sbr.rel $0x88, $3  }
0x1: {  	(tag) =	ssettag $0x0;
	lr =	simm.s32 $0x1  }
0x2: {  	[smem:$0x3F97] =	sst lr;
	_ =	strace $0xD0000000  }
0x3: {  	_ = 	snop  }
0x4: {  	_ = 	snop  }
0x5: {  	_ = 	snop  }
0x6: {  	_ = 	snop  }
0x7: {  	_ = 	snop  }
__scs_overlays_trampoline_lowered:
0x8: {  	[smem:$0x3FA6] =	sst s0  }
0x9: {  	[smem:$0x3FA7] =	sst s1  }
0xa: {  	[smem:$0x3FA8] =	sst s2  }
0xb: {  	[smem:$0x3FA9] =	sst s3  }
0xc: {  	[smem:$0x3FAA] =	sst s4  }
0xd: {  	[smem:$0x3FAB] =	sst s5  }
0xe: {  	[smem:$0x3FAC] =	sst s6  }
0xf: {  	[smem:$0x3FAD] =	sst s7  }
0x10: {  	[smem:$0x3FAE] =	sst s8  }
0x11: {  	[smem:$0x3FAF] =	sst s9;
	s0 =	simm.s32 @!p0 $0x0  }
0x12: {  	s1 =	sld [smem:$0x3F95];
	s0 =	simm.s32 @p0 $0x1  }
0x13: {  	[smem:$0x3FB0] =	sst s0;
	s0 =	simm.s32 @!p1 $0x0  }
0x14: {  	s2 =	sld [smem:$0x3F94];
	s0 =	simm.s32 @p1 $0x1  }
0x15: {  	[smem:$0x3FB1] =	sst s0;
	s0 =	simm.s32 @!p2 $0x0  }
0x16: {  	s3 =	sld [smem:$0x3FDB];
	s0 =	simm.s32 @p2 $0x1  }
0x17: {  	s4 =	simm.s32 $0x1BF5;
	[smem:$0x3FB3] =	sst s0  }
0x18: {  	s0 =	sld [smem:$0x3F96];
	_ =	swait.ge [sflag:s4], $0x0  }
0x19: {  	s7 =	sld [smem:$0x3F97]  }
0x1a: {  	s8 =	sadd.s32 $0xFFFFE003, lr  }
0x1b: {  	s9 =	sadd.s32 $0xFFFFFEF7, lr;
	s5 =	simm.s32 $0xFFFFFFFF;
	p2 =	slt.u32 s8, $0xFFFFF086  }
0x1c: {  	p1 =	slt.u32 s9, $0xF7A;
	s5 =	simm.s32 @!p2 $0x0  }
0x1d: {  	s5 =	simm.s32 @p1 $0x1;
	p0 =	seq.s32 s7, s2  }
0x1e: {  	s7 =	smul.u32 @!p0 $0xF7A, s2;
	p2 =	seq.s32 @!p0 s5, $0x0  }
0x1f: {  	s9 =	smul.u32 $0xF7A, s1;
	s8 =	simm.s32 @!p0 $0x1BF5;
	p2 =	por !p2, p0  }
0x20: {  	[sflag:s8] =	ssyncset.s32 @!p0 $0xFFFFF086;
	s6 =	sadd.s32 @!p0 s3, s7;
	s7 =	simm.s32 @!p0 $0x108  }
0x21: {  	s3 =	sadd.s32 s3, s9;
	s6 =	sadd.s32 @!p0 $0x88, s6;
	s7 =	simm.s32 @p2 $0x1082  }
0x22: {  	[simem:s7], [sflag:s8] =	dma.local @!p0 [hbm:s6], $0xF7A  }
0x23: {  	s9 =	sor.u32 $0xD0000000, s2;
	s6 =	simm.s32 $0x108;
	_ =	swait.ge @!p0 [sflag:s8], $0x0  }
0x24: {  	s3 =	sadd.s32 $0x88, s3;
	s6 =	simm.s32 @!p1 $0x1082;
	[sflag:s4] =	ssyncset.s32 $0xFFFFF086  }
0x25: {  	[simem:s6], [sflag:s4] =	dma.local [hbm:s3], $0xF7A  }
0x26: {  	[smem:$0x3F97] =	sst s1;
	(tag) =	ssettag s2;
	_ =	strace s9  }
0x27: {  	s1 =	sld [smem:$0x3FA7]  }
0x28: {  	s2 =	sld [smem:$0x3FA8]  }
0x29: {  	s4 =	sld [smem:$0x3FAA]  }
0x2a: {  	p0 =	seq.s32 s5, $0x0;
	s5 =	sld [smem:$0x3FAB]  }
0x2b: {  	s6 =	sld [smem:$0x3FAC]  }
0x2c: {  	s7 =	sld [smem:$0x3FAD]  }
0x2d: {  	s3 =	simm.s32 $0x108;
	s8 =	sld [smem:$0x3FAE]  }
0x2e: {  	s3 =	simm.s32 @!p0 $0x1082;
	s9 =	sld [smem:$0x3FAF]  }
0x2f: {  	lr =	sadd.s32 s0, s3;
	s0 =	sld [smem:$0x3FA6]  }
0x30: {  	s3 =	sld [smem:$0x3FA9]  }
0x31: {  	[smem:$0x3FB2] =	sst s10  }
0x32: {  	s10 =	sld [smem:$0x3FB0];
	_ =	sdelay $0x3  }
0x33: {  	p0 =	seq.s32 s10, $0x1;
	s10 =	sld [smem:$0x3FB2];
	_ =	sdelay $0x3  }
0x34: {  	[smem:$0x3FB2] =	sst s10  }
0x35: {  	s10 =	sld [smem:$0x3FB1];
	_ =	sdelay $0x3  }
0x36: {  	p1 =	seq.s32 s10, $0x1;
	s10 =	sld [smem:$0x3FB2];
	_ =	sdelay $0x3  }
0x37: {  	[smem:$0x3FB2] =	sst s10  }
0x38: {  	s10 =	sld [smem:$0x3FB3]  }
0x39: {  	_ = 	snop;
	(pc) =	sbr.ind lr, $3  }
0x3a: {  	_ = 	snop  }
0x3b: {  	_ = 	snop  }
0x3c: {  	p2 =	seq.s32 s10, $0x1;
	s10 =	sld [smem:$0x3FB2]  }
0x3d: {  	_ =	shalt  }
0x3e: {  	_ =	shalt  }
0x3f: {  	_ =	shalt  }
0x40: {  	_ =	shalt  }
0x41: {  	_ =	shalt  }
0x42: {  	_ =	shalt  }
0x43: {  	_ =	shalt  }
0x44: {  	_ =	shalt  }
0x45: {  	_ =	shalt  }
0x46: {  	_ =	shalt  }
0x47: {  	_ =	shalt  }
0x48: {  	_ =	shalt  }
0x49: {  	_ =	shalt  }
0x4a: {  	_ =	shalt  }
0x4b: {  	_ =	shalt  }
0x4c: {  	_ =	shalt  }
0x4d: {  	_ =	shalt  }
0x4e: {  	_ =	shalt  }
0x4f: {  	_ =	shalt  }
0x50: {  	_ =	shalt  }
0x51: {  	_ =	shalt  }
0x52: {  	_ =	shalt  }
0x53: {  	_ =	shalt  }
0x54: {  	_ =	shalt  }
0x55: {  	_ =	shalt  }
0x56: {  	_ =	shalt  }
0x57: {  	_ =	shalt  }
0x58: {  	_ =	shalt  }
0x59: {  	_ =	shalt  }
0x5a: {  	_ =	shalt  }
0x5b: {  	_ =	shalt  }
0x5c: {  	_ =	shalt  }
0x5d: {  	_ =	shalt  }
0x5e: {  	_ =	shalt  }
0x5f: {  	_ =	shalt  }
0x60: {  	_ =	shalt  }
0x61: {  	_ =	shalt  }
0x62: {  	_ =	shalt  }
0x63: {  	_ =	shalt  }
0x64: {  	_ =	shalt  }
0x65: {  	_ =	shalt  }
0x66: {  	_ =	shalt  }
0x67: {  	_ =	shalt  }
0x68: {  	_ =	shalt  }
0x69: {  	_ =	shalt  }
0x6a: {  	_ =	shalt  }
0x6b: {  	_ =	shalt  }
0x6c: {  	_ =	shalt  }
0x6d: {  	_ =	shalt  }
0x6e: {  	_ =	shalt  }
0x6f: {  	_ =	shalt  }
0x70: {  	_ =	shalt  }
0x71: {  	_ =	shalt  }
0x72: {  	_ =	shalt  }
0x73: {  	_ =	shalt  }
0x74: {  	_ =	shalt  }
0x75: {  	_ =	shalt  }
0x76: {  	_ =	shalt  }
0x77: {  	_ =	shalt  }
0x78: {  	_ =	shalt  }
0x79: {  	_ =	shalt  }
0x7a: {  	_ =	shalt  }
0x7b: {  	_ =	shalt  }
0x7c: {  	_ =	shalt  }
0x7d: {  	_ =	shalt  }
0x7e: {  	_ =	shalt  }
0x7f: {  	_ =	shalt  }
0x80: {  	_ =	shalt  }
0x81: {  	_ =	shalt  }
0x82: {  	_ =	shalt  }
0x83: {  	_ =	shalt  }
0x84: {  	_ =	shalt  }
0x85: {  	_ =	shalt  }
0x86: {  	_ =	shalt  }
0x87: {  	_ =	shalt  }
.Lfunc_end0:
.L_simem_size_0:
called_computation.2_lowered:
.L_overlay_start_0:
0x88: {  	s2 =	sld [smem:$0x3FD9]  }
0x89: {  	s3 =	sld [smem:$0x3FFE];
	_ =	sdelay $0x1  }
0x8a: {  	s1 =	srdreg.scid  }
0x8b: {  	s0 =	sand.u32 $0x1, s1  }
0x8c: {  	s17 =	sshll.u32 s0, $0xA;
	s2 =	sadd.s32 s3, s2  }
0x8d: {  	s2 =	sadd.s32 s2, s17  }
0x8e: {  	[smem:$0x3FBE] =	sst s2  }
0x8f: {  	_ = 	snop  }
0x90: {  	s18 =	sld [smem:$0x3FD0];
	(tm) =	ssettm $0x1  }
0x91: {  	s19 =	sld [smem:$0x3FFB];
	_ =	sdelay $0x3  }
0x92: {  	_ =	strace s19  }
0x93: {  	s2 =	sld [smem:$0x3FFC];
	_ =	sdelay $0x3  }
0x94: {  	_ =	strace s2  }
0x95: {  	s2 =	sld [smem:$0x3FFD];
	_ =	sdelay $0x3  }
0x96: {  	_ =	strace s2  }
0x97: {  	_ =	strace $0x8FFFFFFF  }
0x98: {  	s20 =	sld [smem:$0x3FDB];
	_ =	sdelay $0x1  }
0x99: {  	s4 =	simm.s32 $_scs_section_size  }
0x9a: {  	s5 =	simm.s32 $_size__tile_overlayer_lowered;
	s6 =	simm.s32 $_tile_overlayer_lowered  }
0x9b: {  	s7 =	simm.s32 $0x1BFF;
	s21 =	sshll.u32 s6, $0x1;
	s4 =	sadd.s32 s4, s20  }
0x9c: {  	s22 =	simm.s32 $0x0;
	s5 =	sshll.u32 s5, $0x1;
	s6 =	sadd.s32 s21, s4  }
0x9d: {  	[timem:s22], [sflag:s7] =	dma.local [hbm:s6], s5  }
0x9e: {  	_ =	swait.ge [sflag:s7], s5  }
0x9f: {  	s5 =	ssub.s32 $0x0, s5;
	[sflag:s7] =	ssyncset.done $0x0  }
0xa0: {  	[sflag:s7] =	ssyncadd.s32 s5;
	_ =	sdelay $0x1  }
0xa1: {  	s23 =	simm.s32 $0x1B8B  }
0xa2: {  	_ =	swait.ge [sflag:s23], $0x1  }
0xa3: {  	[sflag:s23] =	ssyncset.done $0x0  }
0xa4: {  	[sflag:s23] =	ssyncadd.s32 $0xFFFFFFFF  }
0xa5: {  	s5 =	sld [smem:$0x0]  }
0xa6: {  	s6 =	sand.u32 $0xFFFFFFFE, s1  }
0xa7: {  	p0 =	sne.s32 s1, s6  }
0xa8: {  	s6 =	sshll.u32 @p0 s6, $0xE  }
0xa9: {  	s6 =	sadd.s32 @p0 $0x11B8D, s6;
	s7 =	sshll.u32 @p0 s5, $0x11  }
0xaa: {  	s6 =	sor.u32 @p0 s7, s6  }
0xab: {  	[sflag:s6] =	ssyncadd.remote.s32 @p0 $0x1;
	_ =	sdelay $0x1  }
0xac: {  	s6 =	simm.s32 @p0 $0x1B8D  }
0xad: {  	_ =	swait.eq @p0 [sflag:s6], $0x1  }
0xae: {  	[sflag:s6] =	ssyncadd.s32 @p0 $0xFFFFFFFF  }
0xaf: {  	s7 =	sshll.u32 @!p0 s1, $0xE  }
0xb0: {  	s7 =	sor.u32 @!p0 $0x4000, s7;
	s6 =	simm.s32 @!p0 $0x1B8D  }
0xb1: {  	s5 =	sshll.u32 @!p0 s5, $0x11;
	s7 =	sadd.s32 @!p0 $0x11B8D, s7;
	_ =	swait.eq @!p0 [sflag:s6], $0x1  }
0xb2: {  	s5 =	sor.u32 @!p0 s5, s7;
	[sflag:s6] =	ssyncadd.s32 @!p0 $0xFFFFFFFF  }
0xb3: {  	s25 =	simm.s32 $0x1B8E;
	s24 =	sld [smem:$0x3FFE];
	[sflag:s5] =	ssyncadd.remote.s32 @!p0 $0x1  }
0xb4: {  	s26 =	simm.s32 $execute0_lowered;
	[smem:$0x3FD2] =	sst s25  }
0xb5: {  	s6 =	sshll.u32 s26, $0x1;
	_ =	strace $0x80000049;
	[dreg:$0x1] =	wrdreg $0xFFFFFFFF  }
0xb6: {  	s28 =	simm.s32 $_size_execute0_lowered;
	s4 =	sadd.s32 s4, s6;
	[dreg:$0x0] =	wrdreg $0x0  }
0xb7: {  	s6 =	sshll.u32 s28, $0x1;
	[dreg:$0x2] =	wrdreg s4  }
0xb8: {  	[dreg:$0x3] =	wrdreg s6  }
0xb9: {  	[dreg:$0x4] =	wrdreg $0xC0  }
0xba: {  	_ =	task [dreg:s22], $0x5FFFF  }
0xbb: {  	[dreg:$0x1] =	wrdreg $0xFFFFFFFF  }
0xbc: {  	[dreg:$0x0] =	wrdreg $0x60  }
0xbd: {  	[dreg:$0x2] =	wrdreg s18  }
0xbe: {  	[dreg:$0x3] =	wrdreg s24  }
0xbf: {  	[dreg:$0x4] =	wrdreg $0xA  }
0xc0: {  	_ =	task.clear_ibuf [dreg:s22], $0x5FFFF;
	_ =	strace $0x90000049  }
0xc1: {  	s29 =	simm.s32 $0xA;
	_ =	strace $0x8000004B  }
0xc2: {  	_ =	swait.ge [sflag:s29], $0x1  }
0xc3: {  	[sflag:s29] =	ssyncadd.s32 $0xFFFFFFFF  }
0xc4: {  	_ =	strace $0x9000004B  }
0xc5: {  	_ =	sfence  }
0xc6: {  	s30 =	sld [smem:$0x0];
	_ =	sdelay $0x2  }
0xc7: {  	s31 =	sshll.u32 s1, $0xD;
	s1 =	sshrl.u32 s1, $0x2  }
0xc8: {  	s4 =	sand.u32 $0x4000, s31;
	s1 =	sadd.s32 s1, s30  }
0xc9: {  	s0 =	sor.u32 s4, s0;
	s1 =	sshll.u32 s1, $0x11  }
0xca: {  	s0 =	sor.u32 s1, s0  }
0xcb: {  	s0 =	sadd.s32 $0x8F2B, s0  }
0xcc: {  	[sflag:s0] =	ssyncadd.remote.s32 $0x1  }
0xcd: {  	_ =	sfence.sel $0xFFFF  }
0xce: {  	[dreg:$0x0] =	wrdreg $0xFFFFFFFF;
	(pc) =	sbr.abs _section_cstart, $3  }
0xcf: {  	[dreg:$0x1] =	wrdreg $0xFFFFFFFF  }
0xd0: {  	_ =	task.clear_ibuf [dreg:s22], $0x2FFFF;
	_ =	strace $0x9FFFFFFF  }
0xd1: {  	(tm) =	ssettm $0x7FFFFFFF  }
tec
execute0_lowered:
.L_overlay_start_1:
0x0: {  	(tag) =	ssettag $0x1  }
0x1: {  	s0 =	rddreg [dreg:$0x0]  }
0x2: {  	s1 =	rddreg [dreg:$0x1]  }
0x3: {  	s3 =	srdreg.scid;
	s5 =	stileid.u32  }
0x4: {  	s2 =	simm.s32 $0x0;
	s12 =	simm.s32 $0x1;
	s29 =	simm.s32 $0x2  }
0x5: {  	s28 =	simm.s32 $0x2200;
	s30 =	simm.s32 $0x2A00;
	s31 =	simm.s32 $0x3200  }
0x6: {  	s20 =	simm.s32 $0x9200;
	s9 =	simm.s32 $0xAA00;
	s10 =	simm.s32 $0xB200  }
0x7: {  	s13 =	simm.s32 $0xC200;
	s14 =	simm.s32 $0xCA00;
	s15 =	simm.s32 $0xD200  }
0x8: {  	s16 =	simm.s32 $0xDA00;
	s17 =	simm.s32 $0xE200;
	s18 =	simm.s32 $0xEA00  }
0x9: {  	s19 =	simm.s32 $0xF200;
	s4 =	sand.u32 $0x1, s3;
	s21 =	sshll.u32 s5, $0x1  }
0xa: {  	[smem:$0x7FF] =	sst s2;
	s7 =	sadd.s32 $0x134D00, s1;
	s3 =	sor.u32 s4, s21  }
0xb: {  	_ =	strace $0x8000004A;
	s4 =	ssub.s32 $0x2, s4;
	s21 =	simm.s32 $0x9A00  }
0xc: {  	s22 =	sshll.u32 s3, $0x6;
	s6 =	sshll.u32 s3, $0xE;
	s3 =	sadd.s32 $0x134A00, s1  }
0xd: {  	s23 =	sshrl.u32 s4, $0x1;
	s5 =	sadd.s32 s22, s1;
	s6 =	sand.u32 $0x3C000, s6  }
0xe: {  	s22 =	simm.s32 $0xA200;
	s5 =	sadd.s32 $0x134200, s5;
	s6 =	sadd.s32 s0, s6  }
0xf: {  	s0 =	ssub.s32 s4, s23;
	s4 =	simm.s32 $0x8A00;
	[dreg:$0x3] =	wrdreg s5  }
0x10: {  	s24 =	sadd.s32 $0x1000, s6;
	s25 =	sadd.s32 $0x2000, s6;
	[dreg:$0x7] =	wrdreg s6  }
0x11: {  	v2 =	vlaneseq.u32;
	s5 =	sadd.s32 $0x134B00, s1;
	s26 =	sadd.s32 $0x3000, s6;
	[dreg:$0x4] =	wrdreg s24  }
0x12: {  	vm0 =	vmmov $0xffff;
	v1 =	vshrl.u32 v2, $0x3;
	s6 =	sadd.s32 $0x134C00, s1;
	s8 =	smax.u32 s0, $0x1;
	[dreg:$0x5] =	wrdreg s25  }
0x13: {  	v0 =	vand.u32 $0x7, v2;
	v2 =	vor.u32 $0x8, v2;
	v1 =	vmul.u32 $0x8, v1;
	[dreg:$0x6] =	wrdreg s26;
	s25 =	simm.s32 $0x1200;
	s26 =	simm.s32 $0x1A00  }
.LBB2_1:
0x14: {  	s23 =	rddreg [dreg:$0x3];
	s0 =	simm.s32 $0x3  }
0x15: {  	[tilespmem:s2], [sflag:$0x3] =	stream.linear.gather [hbm4b:s23+s2], $0x200, $0x38;
	[tilespmem:$0x10200] =	vst v63  }
0x16: {  	_ =	swait.ge [sflag:s0], $0x200  }
0x17: {  	[sflag:s0] =	ssyncset.done $0x0  }
0x18: {  	s11 =	simm.s32 $0x200;
	s24 =	rddreg [dreg:$0x7];
	[sflag:s0] =	ssyncadd.s32 $0xFFFFFE00  }
0x19: {  	[tilespmem:s11], [sflag:$0x1] =	stream.linear.gather [hbm4b:s24+s2], $0x8000, $0x38;
	[tilespmem:$0x10200] =	vst v63  }
0x1a: {  	s1 =	rddreg [dreg:$0x4];
	s0 =	simm.s32 $0x8200  }
0x1b: {  	[tilespmem:s0], [sflag:$0x1] =	stream.linear.gather [hbm4b:s1+s2], $0x8000, $0x38;
	[tilespmem:$0x10200] =	vst v63  }
0x1c: {  	_ =	swait.ge [sflag:s12], $0x8000  }
0x1d: {  	[sflag:s12] =	ssyncset.done $0x0  }
0x1e: {  	[sflag:s12] =	ssyncadd.s32 $0xFFFF8000  }
0x1f: {  	v3 =	vld [tilespmem:$0x0];
	_ =	sdelay $0x4  }
0x20: {  	v4 =	vshll.u32 v3, $0x3  }
0x21: {  	v3 =	vand.u32 $0x7, v3;
	v4 =	vand.u32 $0xFFFFFFC0, v4  }
0x22: {  	v3 =	vor.u32 v3, v4  }
0x23: {  	v4 =	vperm.xlane v3, v0;
	_ =	sdelay $0x1  }
0x24: {  	v4 =	vadd.s32 v1, v4;
	_ =	sdelay $0x4  }
0x25: {  	[hbm4b:s3+s2] =	stream.indirect_vreg.scatter [tilespmem:s11], [sflag:$0x2], $0x80, v4, vm0, $0xb8;
	[tilespmem:$0x10200] =	vst v63  }
0x26: {  	s1 =	simm.s32 $0xA00;
	v3 =	vperm.xlane v3, v2  }
0x27: {  	[hbm4b:s5+s2] =	stream.indirect_vreg.scatter [tilespmem:s1], [sflag:$0x2], $0x80, v4, vm0, $0xb8;
	[tilespmem:$0x10200] =	vst v63  }
0x28: {  	v3 =	vadd.s32 v1, v3  }
0x29: {  	[hbm4b:s6+s2] =	stream.indirect_vreg.scatter [tilespmem:s25], [sflag:$0x2], $0x80, v4, vm0, $0xb8;
	[tilespmem:$0x10200] =	vst v63  }
0x2a: {  	_ = 	snop  }
0x2b: {  	[hbm4b:s7+s2] =	stream.indirect_vreg.scatter [tilespmem:s26], [sflag:$0x2], $0x80, v4, vm0, $0xb8;
	[tilespmem:$0x10200] =	vst v63  }
0x2c: {  	_ = 	snop  }
0x2d: {  	[hbm4b:s3+s2] =	stream.indirect_vreg.scatter [tilespmem:s28], [sflag:$0x2], $0x80, v3, vm0, $0xb8;
	[tilespmem:$0x10200] =	vst v63  }
0x2e: {  	_ = 	snop  }
0x2f: {  	[hbm4b:s5+s2] =	stream.indirect_vreg.scatter [tilespmem:s30], [sflag:$0x2], $0x80, v3, vm0, $0xb8;
	[tilespmem:$0x10200] =	vst v63  }
0x30: {  	_ = 	snop  }
0x31: {  	[hbm4b:s6+s2] =	stream.indirect_vreg.scatter [tilespmem:s31], [sflag:$0x2], $0x80, v3, vm0, $0xb8;
	[tilespmem:$0x10200] =	vst v63  }
0x32: {  	s24 =	simm.s32 $0x3A00  }
0x33: {  	[hbm4b:s7+s2] =	stream.indirect_vreg.scatter [tilespmem:s24], [sflag:$0x2], $0x80, v3, vm0, $0xb8;
	[tilespmem:$0x10200] =	vst v63  }
0x34: {  	v3 =	vld [tilespmem:$0x10];
	_ =	sdelay $0x4  }
0x35: {  	v57 =	vshll.u32 v3, $0x3  }
0x36: {  	v3 =	vand.u32 $0x7, v3;
	v4 =	vand.u32 $0xFFFFFFC0, v57  }
0x37: {  	v3 =	vor.u32 v3, v4  }
0x38: {  	v4 =	vperm.xlane v3, v0;
	_ =	sdelay $0x1  }
0x39: {  	v4 =	vadd.s32 v1, v4;
	_ =	sdelay $0x3  }
0x3a: {  	s23 =	simm.s32 $0x4200  }
0x3b: {  	[hbm4b:s3+s2] =	stream.indirect_vreg.scatter [tilespmem:s23], [sflag:$0x2], $0x80, v4, vm0, $0xb8;
	[tilespmem:$0x10200] =	vst v63  }
0x3c: {  	s24 =	simm.s32 $0x4A00;
	v3 =	vperm.xlane v3, v2  }
0x3d: {  	[hbm4b:s5+s2] =	stream.indirect_vreg.scatter [tilespmem:s24], [sflag:$0x2], $0x80, v4, vm0, $0xb8;
	[tilespmem:$0x10200] =	vst v63  }
0x3e: {  	v3 =	vadd.s32 v1, v3;
	s23 =	simm.s32 $0x5200  }
0x3f: {  	[hbm4b:s6+s2] =	stream.indirect_vreg.scatter [tilespmem:s23], [sflag:$0x2], $0x80, v4, vm0, $0xb8;
	[tilespmem:$0x10200] =	vst v63  }
0x40: {  	s24 =	simm.s32 $0x5A00  }
0x41: {  	[hbm4b:s7+s2] =	stream.indirect_vreg.scatter [tilespmem:s24], [sflag:$0x2], $0x80, v4, vm0, $0xb8;
	[tilespmem:$0x10200] =	vst v63  }
0x42: {  	s23 =	simm.s32 $0x6200  }
0x43: {  	[hbm4b:s3+s2] =	stream.indirect_vreg.scatter [tilespmem:s23], [sflag:$0x2], $0x80, v3, vm0, $0xb8;
	[tilespmem:$0x10200] =	vst v63  }
0x44: {  	s24 =	simm.s32 $0x6A00  }
0x45: {  	[hbm4b:s5+s2] =	stream.indirect_vreg.scatter [tilespmem:s24], [sflag:$0x2], $0x80, v3, vm0, $0xb8;
	[tilespmem:$0x10200] =	vst v63  }
0x46: {  	s23 =	simm.s32 $0x7200  }
0x47: {  	[hbm4b:s6+s2] =	stream.indirect_vreg.scatter [tilespmem:s23], [sflag:$0x2], $0x80, v3, vm0, $0xb8;
	[tilespmem:$0x10200] =	vst v63  }
0x48: {  	s24 =	simm.s32 $0x7A00  }
0x49: {  	[hbm4b:s7+s2] =	stream.indirect_vreg.scatter [tilespmem:s24], [sflag:$0x2], $0x80, v3, vm0, $0xb8;
	[tilespmem:$0x10200] =	vst v63  }
0x4a: {  	_ =	swait.ge [sflag:s29], $0x8000  }
0x4b: {  	[sflag:s29] =	ssyncset.done $0x0  }
0x4c: {  	s1 =	rddreg [dreg:$0x5];
	[sflag:s29] =	ssyncadd.s32 $0xFFFF8000  }
0x4d: {  	[tilespmem:s11], [sflag:$0x1] =	stream.linear.gather [hbm4b:s1+s2], $0x8000, $0x38;
	[tilespmem:$0x10200] =	vst v63  }
0x4e: {  	_ =	swait.ge [sflag:s12], $0x8000  }
0x4f: {  	[sflag:s12] =	ssyncset.done $0x0  }
0x50: {  	[sflag:s12] =	ssyncadd.s32 $0xFFFF8000  }
0x51: {  	v3 =	vld [tilespmem:$0x80];
	_ =	sdelay $0x4  }
0x52: {  	v58 =	vshll.u32 v3, $0x3  }
0x53: {  	v3 =	vand.u32 $0x7, v3;
	v4 =	vand.u32 $0xFFFFFFC0, v58  }
0x54: {  	v3 =	vor.u32 v3, v4  }
0x55: {  	v4 =	vperm.xlane v3, v0;
	_ =	sdelay $0x1  }
0x56: {  	v4 =	vadd.s32 v1, v4;
	_ =	sdelay $0x4  }
0x57: {  	[hbm4b:s3+s2] =	stream.indirect_vreg.scatter [tilespmem:s0], [sflag:$0x2], $0x80, v4, vm0, $0xb8;
	[tilespmem:$0x10200] =	vst v63  }
0x58: {  	v3 =	vperm.xlane v3, v2  }
0x59: {  	[hbm4b:s5+s2] =	stream.indirect_vreg.scatter [tilespmem:s4], [sflag:$0x2], $0x80, v4, vm0, $0xb8;
	[tilespmem:$0x10200] =	vst v63  }
0x5a: {  	v3 =	vadd.s32 v1, v3  }
0x5b: {  	[hbm4b:s6+s2] =	stream.indirect_vreg.scatter [tilespmem:s20], [sflag:$0x2], $0x80, v4, vm0, $0xb8;
	[tilespmem:$0x10200] =	vst v63  }
0x5c: {  	_ = 	snop  }
0x5d: {  	[hbm4b:s7+s2] =	stream.indirect_vreg.scatter [tilespmem:s21], [sflag:$0x2], $0x80, v4, vm0, $0xb8;
	[tilespmem:$0x10200] =	vst v63  }
0x5e: {  	_ = 	snop  }
0x5f: {  	[hbm4b:s3+s2] =	stream.indirect_vreg.scatter [tilespmem:s22], [sflag:$0x2], $0x80, v3, vm0, $0xb8;
	[tilespmem:$0x10200] =	vst v63  }
0x60: {  	_ = 	snop  }
0x61: {  	[hbm4b:s5+s2] =	stream.indirect_vreg.scatter [tilespmem:s9], [sflag:$0x2], $0x80, v3, vm0, $0xb8;
	[tilespmem:$0x10200] =	vst v63  }
0x62: {  	_ = 	snop  }
0x63: {  	[hbm4b:s6+s2] =	stream.indirect_vreg.scatter [tilespmem:s10], [sflag:$0x2], $0x80, v3, vm0, $0xb8;
	[tilespmem:$0x10200] =	vst v63  }
0x64: {  	s1 =	simm.s32 $0xBA00  }
0x65: {  	[hbm4b:s7+s2] =	stream.indirect_vreg.scatter [tilespmem:s1], [sflag:$0x2], $0x80, v3, vm0, $0xb8;
	[tilespmem:$0x10200] =	vst v63  }
0x66: {  	v3 =	vld [tilespmem:$0x90];
	_ =	sdelay $0x4  }
0x67: {  	v59 =	vshll.u32 v3, $0x3  }
0x68: {  	v3 =	vand.u32 $0x7, v3;
	v4 =	vand.u32 $0xFFFFFFC0, v59  }
0x69: {  	v3 =	vor.u32 v3, v4  }
0x6a: {  	v4 =	vperm.xlane v3, v0;
	_ =	sdelay $0x1  }
0x6b: {  	v4 =	vadd.s32 v1, v4;
	_ =	sdelay $0x4  }
0x6c: {  	[hbm4b:s3+s2] =	stream.indirect_vreg.scatter [tilespmem:s13], [sflag:$0x2], $0x80, v4, vm0, $0xb8;
	[tilespmem:$0x10200] =	vst v63  }
0x6d: {  	v3 =	vperm.xlane v3, v2  }
0x6e: {  	[hbm4b:s5+s2] =	stream.indirect_vreg.scatter [tilespmem:s14], [sflag:$0x2], $0x80, v4, vm0, $0xb8;
	[tilespmem:$0x10200] =	vst v63  }
0x6f: {  	v3 =	vadd.s32 v1, v3  }
0x70: {  	[hbm4b:s6+s2] =	stream.indirect_vreg.scatter [tilespmem:s15], [sflag:$0x2], $0x80, v4, vm0, $0xb8;
	[tilespmem:$0x10200] =	vst v63  }
0x71: {  	_ = 	snop  }
0x72: {  	[hbm4b:s7+s2] =	stream.indirect_vreg.scatter [tilespmem:s16], [sflag:$0x2], $0x80, v4, vm0, $0xb8;
	[tilespmem:$0x10200] =	vst v63  }
0x73: {  	_ = 	snop  }
0x74: {  	[hbm4b:s3+s2] =	stream.indirect_vreg.scatter [tilespmem:s17], [sflag:$0x2], $0x80, v3, vm0, $0xb8;
	[tilespmem:$0x10200] =	vst v63  }
0x75: {  	_ = 	snop  }
0x76: {  	[hbm4b:s5+s2] =	stream.indirect_vreg.scatter [tilespmem:s18], [sflag:$0x2], $0x80, v3, vm0, $0xb8;
	[tilespmem:$0x10200] =	vst v63  }
0x77: {  	_ = 	snop  }
0x78: {  	[hbm4b:s6+s2] =	stream.indirect_vreg.scatter [tilespmem:s19], [sflag:$0x2], $0x80, v3, vm0, $0xb8;
	[tilespmem:$0x10200] =	vst v63  }
0x79: {  	s24 =	simm.s32 $0xFA00  }
0x7a: {  	[hbm4b:s7+s2] =	stream.indirect_vreg.scatter [tilespmem:s24], [sflag:$0x2], $0x80, v3, vm0, $0xb8;
	[tilespmem:$0x10200] =	vst v63  }
0x7b: {  	_ =	swait.ge [sflag:s29], $0x8000  }
0x7c: {  	[sflag:s29] =	ssyncset.done $0x0  }
0x7d: {  	s23 =	rddreg [dreg:$0x6];
	[sflag:s29] =	ssyncadd.s32 $0xFFFF8000  }
0x7e: {  	[tilespmem:s0], [sflag:$0x1] =	stream.linear.gather [hbm4b:s23+s2], $0x8000, $0x38;
	[tilespmem:$0x10200] =	vst v63  }
0x7f: {  	_ =	swait.ge [sflag:s12], $0x8000  }
0x80: {  	[sflag:s12] =	ssyncset.done $0x0  }
0x81: {  	[sflag:s12] =	ssyncadd.s32 $0xFFFF8000  }
0x82: {  	v3 =	vld [tilespmem:$0x100];
	_ =	sdelay $0x4  }
0x83: {  	v60 =	vshll.u32 v3, $0x3  }
0x84: {  	v3 =	vand.u32 $0x7, v3;
	v4 =	vand.u32 $0xFFFFFFC0, v60  }
0x85: {  	v3 =	vor.u32 v3, v4  }
0x86: {  	v4 =	vperm.xlane v3, v0;
	_ =	sdelay $0x1  }
0x87: {  	v4 =	vadd.s32 v1, v4;
	_ =	sdelay $0x4  }
0x88: {  	[hbm4b:s3+s2] =	stream.indirect_vreg.scatter [tilespmem:s11], [sflag:$0x2], $0x80, v4, vm0, $0xb8;
	[tilespmem:$0x10200] =	vst v63  }
0x89: {  	s23 =	simm.s32 $0xA00;
	v3 =	vperm.xlane v3, v2  }
0x8a: {  	[hbm4b:s5+s2] =	stream.indirect_vreg.scatter [tilespmem:s23], [sflag:$0x2], $0x80, v4, vm0, $0xb8;
	[tilespmem:$0x10200] =	vst v63  }
0x8b: {  	v3 =	vadd.s32 v1, v3  }
0x8c: {  	[hbm4b:s6+s2] =	stream.indirect_vreg.scatter [tilespmem:s25], [sflag:$0x2], $0x80, v4, vm0, $0xb8;
	[tilespmem:$0x10200] =	vst v63  }
0x8d: {  	_ = 	snop  }
0x8e: {  	[hbm4b:s7+s2] =	stream.indirect_vreg.scatter [tilespmem:s26], [sflag:$0x2], $0x80, v4, vm0, $0xb8;
	[tilespmem:$0x10200] =	vst v63  }
0x8f: {  	_ = 	snop  }
0x90: {  	[hbm4b:s3+s2] =	stream.indirect_vreg.scatter [tilespmem:s28], [sflag:$0x2], $0x80, v3, vm0, $0xb8;
	[tilespmem:$0x10200] =	vst v63  }
0x91: {  	_ = 	snop  }
0x92: {  	[hbm4b:s5+s2] =	stream.indirect_vreg.scatter [tilespmem:s30], [sflag:$0x2], $0x80, v3, vm0, $0xb8;
	[tilespmem:$0x10200] =	vst v63  }
0x93: {  	_ = 	snop  }
0x94: {  	[hbm4b:s6+s2] =	stream.indirect_vreg.scatter [tilespmem:s31], [sflag:$0x2], $0x80, v3, vm0, $0xb8;
	[tilespmem:$0x10200] =	vst v63  }
0x95: {  	s23 =	simm.s32 $0x3A00  }
0x96: {  	[hbm4b:s7+s2] =	stream.indirect_vreg.scatter [tilespmem:s23], [sflag:$0x2], $0x80, v3, vm0, $0xb8;
	[tilespmem:$0x10200] =	vst v63  }
0x97: {  	v3 =	vld [tilespmem:$0x110];
	_ =	sdelay $0x4  }
0x98: {  	v61 =	vshll.u32 v3, $0x3  }
0x99: {  	v3 =	vand.u32 $0x7, v3;
	v4 =	vand.u32 $0xFFFFFFC0, v61  }
0x9a: {  	v3 =	vor.u32 v3, v4  }
0x9b: {  	v4 =	vperm.xlane v3, v0;
	_ =	sdelay $0x1  }
0x9c: {  	v4 =	vadd.s32 v1, v4;
	_ =	sdelay $0x3  }
0x9d: {  	s23 =	simm.s32 $0x4200  }
0x9e: {  	[hbm4b:s3+s2] =	stream.indirect_vreg.scatter [tilespmem:s23], [sflag:$0x2], $0x80, v4, vm0, $0xb8;
	[tilespmem:$0x10200] =	vst v63  }
0x9f: {  	v3 =	vperm.xlane v3, v2;
	s23 =	simm.s32 $0x4A00  }
0xa0: {  	[hbm4b:s5+s2] =	stream.indirect_vreg.scatter [tilespmem:s23], [sflag:$0x2], $0x80, v4, vm0, $0xb8;
	[tilespmem:$0x10200] =	vst v63  }
0xa1: {  	v3 =	vadd.s32 v1, v3;
	s23 =	simm.s32 $0x5200  }
0xa2: {  	[hbm4b:s6+s2] =	stream.indirect_vreg.scatter [tilespmem:s23], [sflag:$0x2], $0x80, v4, vm0, $0xb8;
	[tilespmem:$0x10200] =	vst v63  }
0xa3: {  	s23 =	simm.s32 $0x5A00  }
0xa4: {  	[hbm4b:s7+s2] =	stream.indirect_vreg.scatter [tilespmem:s23], [sflag:$0x2], $0x80, v4, vm0, $0xb8;
	[tilespmem:$0x10200] =	vst v63  }
0xa5: {  	s23 =	simm.s32 $0x6200  }
0xa6: {  	[hbm4b:s3+s2] =	stream.indirect_vreg.scatter [tilespmem:s23], [sflag:$0x2], $0x80, v3, vm0, $0xb8;
	[tilespmem:$0x10200] =	vst v63  }
0xa7: {  	s23 =	simm.s32 $0x6A00  }
0xa8: {  	[hbm4b:s5+s2] =	stream.indirect_vreg.scatter [tilespmem:s23], [sflag:$0x2], $0x80, v3, vm0, $0xb8;
	[tilespmem:$0x10200] =	vst v63  }
0xa9: {  	s23 =	simm.s32 $0x7200  }
0xaa: {  	[hbm4b:s6+s2] =	stream.indirect_vreg.scatter [tilespmem:s23], [sflag:$0x2], $0x80, v3, vm0, $0xb8;
	[tilespmem:$0x10200] =	vst v63  }
0xab: {  	s23 =	simm.s32 $0x7A00  }
0xac: {  	[hbm4b:s7+s2] =	stream.indirect_vreg.scatter [tilespmem:s23], [sflag:$0x2], $0x80, v3, vm0, $0xb8;
	[tilespmem:$0x10200] =	vst v63  }
0xad: {  	_ =	swait.ge [sflag:s12], $0x8000  }
0xae: {  	[sflag:s12] =	ssyncset.done $0x0  }
0xaf: {  	[sflag:s12] =	ssyncadd.s32 $0xFFFF8000  }
0xb0: {  	v3 =	vld [tilespmem:$0x180];
	_ =	sdelay $0x4  }
0xb1: {  	v62 =	vshll.u32 v3, $0x3  }
0xb2: {  	v3 =	vand.u32 $0x7, v3;
	v4 =	vand.u32 $0xFFFFFFC0, v62  }
0xb3: {  	v3 =	vor.u32 v3, v4  }
0xb4: {  	v4 =	vperm.xlane v3, v0;
	_ =	sdelay $0x1  }
0xb5: {  	v4 =	vadd.s32 v1, v4;
	_ =	sdelay $0x4  }
0xb6: {  	[hbm4b:s3+s2] =	stream.indirect_vreg.scatter [tilespmem:s0], [sflag:$0x2], $0x80, v4, vm0, $0xb8;
	[tilespmem:$0x10200] =	vst v63  }
0xb7: {  	v3 =	vperm.xlane v3, v2  }
0xb8: {  	[hbm4b:s5+s2] =	stream.indirect_vreg.scatter [tilespmem:s4], [sflag:$0x2], $0x80, v4, vm0, $0xb8;
	[tilespmem:$0x10200] =	vst v63  }
0xb9: {  	v3 =	vadd.s32 v1, v3  }
0xba: {  	[hbm4b:s6+s2] =	stream.indirect_vreg.scatter [tilespmem:s20], [sflag:$0x2], $0x80, v4, vm0, $0xb8;
	[tilespmem:$0x10200] =	vst v63  }
0xbb: {  	_ = 	snop  }
0xbc: {  	[hbm4b:s7+s2] =	stream.indirect_vreg.scatter [tilespmem:s21], [sflag:$0x2], $0x80, v4, vm0, $0xb8;
	[tilespmem:$0x10200] =	vst v63  }
0xbd: {  	_ = 	snop  }
0xbe: {  	[hbm4b:s3+s2] =	stream.indirect_vreg.scatter [tilespmem:s22], [sflag:$0x2], $0x80, v3, vm0, $0xb8;
	[tilespmem:$0x10200] =	vst v63  }
0xbf: {  	_ = 	snop  }
0xc0: {  	[hbm4b:s5+s2] =	stream.indirect_vreg.scatter [tilespmem:s9], [sflag:$0x2], $0x80, v3, vm0, $0xb8;
	[tilespmem:$0x10200] =	vst v63  }
0xc1: {  	_ = 	snop  }
0xc2: {  	[hbm4b:s6+s2] =	stream.indirect_vreg.scatter [tilespmem:s10], [sflag:$0x2], $0x80, v3, vm0, $0xb8;
	[tilespmem:$0x10200] =	vst v63  }
0xc3: {  	_ = 	snop  }
0xc4: {  	[hbm4b:s7+s2] =	stream.indirect_vreg.scatter [tilespmem:s1], [sflag:$0x2], $0x80, v3, vm0, $0xb8;
	[tilespmem:$0x10200] =	vst v63  }
0xc5: {  	v3 =	vld [tilespmem:$0x190];
	_ =	sdelay $0x4  }
0xc6: {  	v63 =	vshll.u32 v3, $0x3  }
0xc7: {  	v3 =	vand.u32 $0x7, v3;
	v4 =	vand.u32 $0xFFFFFFC0, v63  }
0xc8: {  	v3 =	vor.u32 v3, v4  }
0xc9: {  	v4 =	vperm.xlane v3, v0;
	_ =	sdelay $0x1  }
0xca: {  	v4 =	vadd.s32 v1, v4;
	_ =	sdelay $0x4  }
0xcb: {  	[hbm4b:s3+s2] =	stream.indirect_vreg.scatter [tilespmem:s13], [sflag:$0x2], $0x80, v4, vm0, $0xb8;
	[tilespmem:$0x10200] =	vst v63  }
0xcc: {  	v3 =	vperm.xlane v3, v2  }
0xcd: {  	[hbm4b:s5+s2] =	stream.indirect_vreg.scatter [tilespmem:s14], [sflag:$0x2], $0x80, v4, vm0, $0xb8;
	[tilespmem:$0x10200] =	vst v63  }
0xce: {  	v3 =	vadd.s32 v1, v3  }
0xcf: {  	[hbm4b:s6+s2] =	stream.indirect_vreg.scatter [tilespmem:s15], [sflag:$0x2], $0x80, v4, vm0, $0xb8;
	[tilespmem:$0x10200] =	vst v63  }
0xd0: {  	_ = 	snop  }
0xd1: {  	[hbm4b:s7+s2] =	stream.indirect_vreg.scatter [tilespmem:s16], [sflag:$0x2], $0x80, v4, vm0, $0xb8;
	[tilespmem:$0x10200] =	vst v63  }
0xd2: {  	_ = 	snop  }
0xd3: {  	[hbm4b:s3+s2] =	stream.indirect_vreg.scatter [tilespmem:s17], [sflag:$0x2], $0x80, v3, vm0, $0xb8;
	[tilespmem:$0x10200] =	vst v63  }
0xd4: {  	_ = 	snop  }
0xd5: {  	[hbm4b:s5+s2] =	stream.indirect_vreg.scatter [tilespmem:s18], [sflag:$0x2], $0x80, v3, vm0, $0xb8;
	[tilespmem:$0x10200] =	vst v63  }
0xd6: {  	_ = 	snop  }
0xd7: {  	[hbm4b:s6+s2] =	stream.indirect_vreg.scatter [tilespmem:s19], [sflag:$0x2], $0x80, v3, vm0, $0xb8;
	[tilespmem:$0x10200] =	vst v63  }
0xd8: {  	_ = 	snop  }
0xd9: {  	[hbm4b:s7+s2] =	stream.indirect_vreg.scatter [tilespmem:s24], [sflag:$0x2], $0x80, v3, vm0, $0xb8;
	[tilespmem:$0x10200] =	vst v63  }
0xda: {  	p0 =	sne.s32 s8, $0x1;
	_ =	swait.ge [sflag:s29], $0x8000  }
.Ltmp0:
0xdb: {  	[sflag:s29] =	ssyncset.done $0x0;
	(pc) =	sbr.rel @p0 .LBB2_1-.Ltmp0, $4  }
0xdc: {  	[sflag:s29] =	ssyncadd.s32 $0xFFFF8000  }
0xdd: {  	_ =	swait.ge [sflag:s29], $0x8000  }
0xde: {  	[sflag:s29] =	ssyncset.done $0x0  }
0xdf: {  	s8 =	sadd.s32 $0xFFFFFFFF, s8;
	[sflag:s29] =	ssyncadd.s32 $0xFFFF8000  }
0xe0: {  	_ =	sfence.sel $0x180000  }
0xe1: {  	[bflag:$0x0] =	sbarrier.arrive $0xFFFF  }
0xe2: {  	_ =	strace $0x9000004A  }
0xe3: {  	s0 =	stileid.u32;
	[bflag:$0x2] =	sbarrier.arrive $0xFFFF  }
0xe4: {  	p0 =	sne.s32 s0, $0x0;
	s0 =	rddreg [dreg:$0x2]  }
0xe5: {  	s0 =	sadd.s32 @!p0 $0x100000, s0  }
0xe6: {  	[sflag:s0] =	ssyncadd.tile.s32 @!p0 $0x1;
	_ =	shalt  }
.Lfunc_end2:
_tile_overlayer_lowered:
.L_overlay_start_2:
0xe7: {  	(tag) =	ssettag $0x2  }
0xe8: {  	s0 =	rddreg [dreg:$0x0];
	s2 =	stileid.u32  }
0xe9: {  	s1 =	rddreg [dreg:$0x1];
	p0 =	sne.s32 s2, $0x0  }
0xea: {  	s3 =	rddreg [dreg:$0x2];
	[bflag:$0x3] =	sbarrier.arrive $0xFFFF;
	s2 =	simm.s32 @!p0 $0x1C03  }
0xeb: {  	[timem:s3], [sflag:s2] =	dma.local @!p0 [hbm:s0], s1  }
0xec: {  	s0 =	simm.s32 @!p0 $0x3  }
0xed: {  	_ =	swait.ge @!p0 [sflag:s0], s1  }
0xee: {  	s1 =	ssub.s32 @!p0 $0x0, s1;
	[sflag:s0] =	ssyncset.done @!p0 $0x0  }
0xef: {  	[sflag:s0] =	ssyncadd.s32 @!p0 s1  }
0xf0: {  	[bflag:$0x3] =	sbarrier.arrive $0xFFFF  }
0xf1: {  	_ =	shalt  }

// kernel: kernel.23.cloned.1.call-start
scs
__scs_entry_jumppad:
0x0: {  	(pc) =	sbr.rel $0x88, $3  }
0x1: {  	(tag) =	ssettag $0x0;
	lr =	simm.s32 $0x1  }
0x2: {  	[smem:$0x3F97] =	sst lr;
	_ =	strace $0xD0000000  }
0x3: {  	_ = 	snop  }
0x4: {  	_ = 	snop  }
0x5: {  	_ = 	snop  }
0x6: {  	_ = 	snop  }
0x7: {  	_ = 	snop  }
__scs_overlays_trampoline_lowered:
0x8: {  	[smem:$0x3FA6] =	sst s0  }
0x9: {  	[smem:$0x3FA7] =	sst s1  }
0xa: {  	[smem:$0x3FA8] =	sst s2  }
0xb: {  	[smem:$0x3FA9] =	sst s3  }
0xc: {  	[smem:$0x3FAA] =	sst s4  }
0xd: {  	[smem:$0x3FAB] =	sst s5  }
0xe: {  	[smem:$0x3FAC] =	sst s6  }
0xf: {  	[smem:$0x3FAD] =	sst s7  }
0x10: {  	[smem:$0x3FAE] =	sst s8  }
0x11: {  	[smem:$0x3FAF] =	sst s9;
	s0 =	simm.s32 @!p0 $0x0  }
0x12: {  	s1 =	sld [smem:$0x3F95];
	s0 =	simm.s32 @p0 $0x1  }
0x13: {  	[smem:$0x3FB0] =	sst s0;
	s0 =	simm.s32 @!p1 $0x0  }
0x14: {  	s2 =	sld [smem:$0x3F94];
	s0 =	simm.s32 @p1 $0x1  }
0x15: {  	[smem:$0x3FB1] =	sst s0;
	s0 =	simm.s32 @!p2 $0x0  }
0x16: {  	s3 =	sld [smem:$0x3FDB];
	s0 =	simm.s32 @p2 $0x1  }
0x17: {  	s4 =	simm.s32 $0x1BF5;
	[smem:$0x3FB3] =	sst s0  }
0x18: {  	s0 =	sld [smem:$0x3F96];
	_ =	swait.ge [sflag:s4], $0x0  }
0x19: {  	s7 =	sld [smem:$0x3F97]  }
0x1a: {  	s8 =	sadd.s32 $0xFFFFE003, lr  }
0x1b: {  	s9 =	sadd.s32 $0xFFFFFEF7, lr;
	s5 =	simm.s32 $0xFFFFFFFF;
	p2 =	slt.u32 s8, $0xFFFFF086  }
0x1c: {  	p1 =	slt.u32 s9, $0xF7A;
	s5 =	simm.s32 @!p2 $0x0  }
0x1d: {  	s5 =	simm.s32 @p1 $0x1;
	p0 =	seq.s32 s7, s2  }
0x1e: {  	s7 =	smul.u32 @!p0 $0xF7A, s2;
	p2 =	seq.s32 @!p0 s5, $0x0  }
0x1f: {  	s9 =	smul.u32 $0xF7A, s1;
	s8 =	simm.s32 @!p0 $0x1BF5;
	p2 =	por !p2, p0  }
0x20: {  	[sflag:s8] =	ssyncset.s32 @!p0 $0xFFFFF086;
	s6 =	sadd.s32 @!p0 s3, s7;
	s7 =	simm.s32 @!p0 $0x108  }
0x21: {  	s3 =	sadd.s32 s3, s9;
	s6 =	sadd.s32 @!p0 $0x88, s6;
	s7 =	simm.s32 @p2 $0x1082  }
0x22: {  	[simem:s7], [sflag:s8] =	dma.local @!p0 [hbm:s6], $0xF7A  }
0x23: {  	s9 =	sor.u32 $0xD0000000, s2;
	s6 =	simm.s32 $0x108;
	_ =	swait.ge @!p0 [sflag:s8], $0x0  }
0x24: {  	s3 =	sadd.s32 $0x88, s3;
	s6 =	simm.s32 @!p1 $0x1082;
	[sflag:s4] =	ssyncset.s32 $0xFFFFF086  }
0x25: {  	[simem:s6], [sflag:s4] =	dma.local [hbm:s3], $0xF7A  }
0x26: {  	[smem:$0x3F97] =	sst s1;
	(tag) =	ssettag s2;
	_ =	strace s9  }
0x27: {  	s1 =	sld [smem:$0x3FA7]  }
0x28: {  	s2 =	sld [smem:$0x3FA8]  }
0x29: {  	s4 =	sld [smem:$0x3FAA]  }
0x2a: {  	p0 =	seq.s32 s5, $0x0;
	s5 =	sld [smem:$0x3FAB]  }
0x2b: {  	s6 =	sld [smem:$0x3FAC]  }
0x2c: {  	s7 =	sld [smem:$0x3FAD]  }
0x2d: {  	s3 =	simm.s32 $0x108;
	s8 =	sld [smem:$0x3FAE]  }
0x2e: {  	s3 =	simm.s32 @!p0 $0x1082;
	s9 =	sld [smem:$0x3FAF]  }
0x2f: {  	lr =	sadd.s32 s0, s3;
	s0 =	sld [smem:$0x3FA6]  }
0x30: {  	s3 =	sld [smem:$0x3FA9]  }
0x31: {  	[smem:$0x3FB2] =	sst s10  }
0x32: {  	s10 =	sld [smem:$0x3FB0];
	_ =	sdelay $0x3  }
0x33: {  	p0 =	seq.s32 s10, $0x1;
	s10 =	sld [smem:$0x3FB2];
	_ =	sdelay $0x3  }
0x34: {  	[smem:$0x3FB2] =	sst s10  }
0x35: {  	s10 =	sld [smem:$0x3FB1];
	_ =	sdelay $0x3  }
0x36: {  	p1 =	seq.s32 s10, $0x1;
	s10 =	sld [smem:$0x3FB2];
	_ =	sdelay $0x3  }
0x37: {  	[smem:$0x3FB2] =	sst s10  }
0x38: {  	s10 =	sld [smem:$0x3FB3]  }
0x39: {  	_ = 	snop;
	(pc) =	sbr.ind lr, $3  }
0x3a: {  	_ = 	snop  }
0x3b: {  	_ = 	snop  }
0x3c: {  	p2 =	seq.s32 s10, $0x1;
	s10 =	sld [smem:$0x3FB2]  }
0x3d: {  	_ =	shalt  }
0x3e: {  	_ =	shalt  }
0x3f: {  	_ =	shalt  }
0x40: {  	_ =	shalt  }
0x41: {  	_ =	shalt  }
0x42: {  	_ =	shalt  }
0x43: {  	_ =	shalt  }
0x44: {  	_ =	shalt  }
0x45: {  	_ =	shalt  }
0x46: {  	_ =	shalt  }
0x47: {  	_ =	shalt  }
0x48: {  	_ =	shalt  }
0x49: {  	_ =	shalt  }
0x4a: {  	_ =	shalt  }
0x4b: {  	_ =	shalt  }
0x4c: {  	_ =	shalt  }
0x4d: {  	_ =	shalt  }
0x4e: {  	_ =	shalt  }
0x4f: {  	_ =	shalt  }
0x50: {  	_ =	shalt  }
0x51: {  	_ =	shalt  }
0x52: {  	_ =	shalt  }
0x53: {  	_ =	shalt  }
0x54: {  	_ =	shalt  }
0x55: {  	_ =	shalt  }
0x56: {  	_ =	shalt  }
0x57: {  	_ =	shalt  }
0x58: {  	_ =	shalt  }
0x59: {  	_ =	shalt  }
0x5a: {  	_ =	shalt  }
0x5b: {  	_ =	shalt  }
0x5c: {  	_ =	shalt  }
0x5d: {  	_ =	shalt  }
0x5e: {  	_ =	shalt  }
0x5f: {  	_ =	shalt  }
0x60: {  	_ =	shalt  }
0x61: {  	_ =	shalt  }
0x62: {  	_ =	shalt  }
0x63: {  	_ =	shalt  }
0x64: {  	_ =	shalt  }
0x65: {  	_ =	shalt  }
0x66: {  	_ =	shalt  }
0x67: {  	_ =	shalt  }
0x68: {  	_ =	shalt  }
0x69: {  	_ =	shalt  }
0x6a: {  	_ =	shalt  }
0x6b: {  	_ =	shalt  }
0x6c: {  	_ =	shalt  }
0x6d: {  	_ =	shalt  }
0x6e: {  	_ =	shalt  }
0x6f: {  	_ =	shalt  }
0x70: {  	_ =	shalt  }
0x71: {  	_ =	shalt  }
0x72: {  	_ =	shalt  }
0x73: {  	_ =	shalt  }
0x74: {  	_ =	shalt  }
0x75: {  	_ =	shalt  }
0x76: {  	_ =	shalt  }
0x77: {  	_ =	shalt  }
0x78: {  	_ =	shalt  }
0x79: {  	_ =	shalt  }
0x7a: {  	_ =	shalt  }
0x7b: {  	_ =	shalt  }
0x7c: {  	_ =	shalt  }
0x7d: {  	_ =	shalt  }
0x7e: {  	_ =	shalt  }
0x7f: {  	_ =	shalt  }
0x80: {  	_ =	shalt  }
0x81: {  	_ =	shalt  }
0x82: {  	_ =	shalt  }
0x83: {  	_ =	shalt  }
0x84: {  	_ =	shalt  }
0x85: {  	_ =	shalt  }
0x86: {  	_ =	shalt  }
0x87: {  	_ =	shalt  }
.Lfunc_end0:
.L_simem_size_0:
called_computation.3_lowered:
.L_overlay_start_0:
0x88: {  	s2 =	sld [smem:$0x3FD9]  }
0x89: {  	s3 =	sld [smem:$0x3FFE];
	_ =	sdelay $0x1  }
0x8a: {  	s1 =	srdreg.scid  }
0x8b: {  	s0 =	sand.u32 $0x1, s1  }
0x8c: {  	s17 =	sshll.u32 s0, $0xA;
	s2 =	sadd.s32 s3, s2  }
0x8d: {  	s2 =	sadd.s32 s2, s17  }
0x8e: {  	[smem:$0x3FBE] =	sst s2  }
0x8f: {  	_ = 	snop  }
0x90: {  	s18 =	sld [smem:$0x3FD0];
	(tm) =	ssettm $0x1  }
0x91: {  	s19 =	sld [smem:$0x3FFB];
	_ =	sdelay $0x3  }
0x92: {  	_ =	strace s19  }
0x93: {  	s2 =	sld [smem:$0x3FFC];
	_ =	sdelay $0x3  }
0x94: {  	_ =	strace s2  }
0x95: {  	s2 =	sld [smem:$0x3FFD];
	_ =	sdelay $0x3  }
0x96: {  	_ =	strace s2  }
0x97: {  	_ =	strace $0x8FFFFFFF  }
0x98: {  	s20 =	sld [smem:$0x3FDB];
	_ =	sdelay $0x1  }
0x99: {  	s4 =	simm.s32 $_scs_section_size  }
0x9a: {  	s5 =	simm.s32 $_size__tile_overlayer_lowered;
	s6 =	simm.s32 $_tile_overlayer_lowered  }
0x9b: {  	s7 =	simm.s32 $0x1BFF;
	s21 =	sshll.u32 s6, $0x1;
	s4 =	sadd.s32 s4, s20  }
0x9c: {  	s22 =	simm.s32 $0x0;
	s5 =	sshll.u32 s5, $0x1;
	s6 =	sadd.s32 s21, s4  }
0x9d: {  	[timem:s22], [sflag:s7] =	dma.local [hbm:s6], s5  }
0x9e: {  	_ =	swait.ge [sflag:s7], s5  }
0x9f: {  	s5 =	ssub.s32 $0x0, s5;
	[sflag:s7] =	ssyncset.done $0x0  }
0xa0: {  	[sflag:s7] =	ssyncadd.s32 s5;
	_ =	sdelay $0x1  }
0xa1: {  	s23 =	simm.s32 $0x1B8B  }
0xa2: {  	_ =	swait.ge [sflag:s23], $0x1  }
0xa3: {  	[sflag:s23] =	ssyncset.done $0x0  }
0xa4: {  	[sflag:s23] =	ssyncadd.s32 $0xFFFFFFFF  }
0xa5: {  	s5 =	sld [smem:$0x0]  }
0xa6: {  	s6 =	sand.u32 $0xFFFFFFFE, s1  }
0xa7: {  	p0 =	sne.s32 s1, s6  }
0xa8: {  	s6 =	sshll.u32 @p0 s6, $0xE  }
0xa9: {  	s6 =	sadd.s32 @p0 $0x11B8D, s6;
	s7 =	sshll.u32 @p0 s5, $0x11  }
0xaa: {  	s6 =	sor.u32 @p0 s7, s6  }
0xab: {  	[sflag:s6] =	ssyncadd.remote.s32 @p0 $0x1;
	_ =	sdelay $0x1  }
0xac: {  	s6 =	simm.s32 @p0 $0x1B8D  }
0xad: {  	_ =	swait.eq @p0 [sflag:s6], $0x1  }
0xae: {  	[sflag:s6] =	ssyncadd.s32 @p0 $0xFFFFFFFF  }
0xaf: {  	s7 =	sshll.u32 @!p0 s1, $0xE  }
0xb0: {  	s7 =	sor.u32 @!p0 $0x4000, s7;
	s6 =	simm.s32 @!p0 $0x1B8D  }
0xb1: {  	s5 =	sshll.u32 @!p0 s5, $0x11;
	s7 =	sadd.s32 @!p0 $0x11B8D, s7;
	_ =	swait.eq @!p0 [sflag:s6], $0x1  }
0xb2: {  	s5 =	sor.u32 @!p0 s5, s7;
	[sflag:s6] =	ssyncadd.s32 @!p0 $0xFFFFFFFF  }
0xb3: {  	s25 =	simm.s32 $0x1B8E;
	s24 =	sld [smem:$0x3FFE];
	[sflag:s5] =	ssyncadd.remote.s32 @!p0 $0x1  }
0xb4: {  	s26 =	simm.s32 $execute0_lowered;
	[smem:$0x3FD2] =	sst s25  }
0xb5: {  	s6 =	sshll.u32 s26, $0x1;
	_ =	strace $0x8000004F;
	[dreg:$0x1] =	wrdreg $0xFFFFFFFF  }
0xb6: {  	s28 =	simm.s32 $_size_execute0_lowered;
	s4 =	sadd.s32 s4, s6;
	[dreg:$0x0] =	wrdreg $0x0  }
0xb7: {  	s6 =	sshll.u32 s28, $0x1;
	[dreg:$0x2] =	wrdreg s4  }
0xb8: {  	[dreg:$0x3] =	wrdreg s6  }
0xb9: {  	[dreg:$0x4] =	wrdreg $0xC0  }
0xba: {  	_ =	task [dreg:s22], $0x5FFFF  }
0xbb: {  	[dreg:$0x1] =	wrdreg $0xFFFFFFFF  }
0xbc: {  	[dreg:$0x0] =	wrdreg $0x60  }
0xbd: {  	[dreg:$0x2] =	wrdreg s24  }
0xbe: {  	[dreg:$0x3] =	wrdreg s18  }
0xbf: {  	[dreg:$0x4] =	wrdreg $0xA  }
0xc0: {  	_ =	task.clear_ibuf [dreg:s22], $0x5FFFF;
	_ =	strace $0x9000004F  }
0xc1: {  	s29 =	simm.s32 $0xA;
	_ =	strace $0x80000051  }
0xc2: {  	_ =	swait.ge [sflag:s29], $0x1  }
0xc3: {  	[sflag:s29] =	ssyncadd.s32 $0xFFFFFFFF  }
0xc4: {  	_ =	strace $0x90000051  }
0xc5: {  	_ =	sfence  }
0xc6: {  	s30 =	sld [smem:$0x0];
	_ =	sdelay $0x2  }
0xc7: {  	s31 =	sshll.u32 s1, $0xD;
	s1 =	sshrl.u32 s1, $0x2  }
0xc8: {  	s4 =	sand.u32 $0x4000, s31;
	s1 =	sadd.s32 s1, s30  }
0xc9: {  	s0 =	sor.u32 s4, s0;
	s1 =	sshll.u32 s1, $0x11  }
0xca: {  	s0 =	sor.u32 s1, s0  }
0xcb: {  	s0 =	sadd.s32 $0x8F2B, s0  }
0xcc: {  	[sflag:s0] =	ssyncadd.remote.s32 $0x1  }
0xcd: {  	_ =	sfence.sel $0xFFFF  }
0xce: {  	[dreg:$0x0] =	wrdreg $0xFFFFFFFF;
	(pc) =	sbr.abs _section_cstart, $3  }
0xcf: {  	[dreg:$0x1] =	wrdreg $0xFFFFFFFF  }
0xd0: {  	_ =	task.clear_ibuf [dreg:s22], $0x2FFFF;
	_ =	strace $0x9FFFFFFF  }
0xd1: {  	(tm) =	ssettm $0x7FFFFFFF  }
tec
execute0_lowered:
.L_overlay_start_1:
0x0: {  	(tag) =	ssettag $0x1  }
0x1: {  	s0 =	rddreg [dreg:$0x0]  }
0x2: {  	s1 =	srdreg.scid;
	s2 =	stileid.u32  }
0x3: {  	s4 =	rddreg [dreg:$0x1];
	s18 =	simm.s32 $0x1;
	s19 =	simm.s32 $0x2  }
0x4: {  	s21 =	simm.s32 $0x900;
	s22 =	simm.s32 $0x1100;
	s23 =	simm.s32 $0x1900  }
0x5: {  	s28 =	simm.s32 $0x3100;
	s29 =	simm.s32 $0x3900;
	s30 =	simm.s32 $0x4100  }
0x6: {  	s31 =	simm.s32 $0x4900;
	s10 =	simm.s32 $0x6100;
	s11 =	simm.s32 $0x6900  }
0x7: {  	s12 =	simm.s32 $0x7100;
	s13 =	simm.s32 $0x7900;
	s14 =	simm.s32 $0x8900  }
0x8: {  	s15 =	simm.s32 $0x9100;
	s16 =	simm.s32 $0x9900;
	s17 =	simm.s32 $0xA100  }
0x9: {  	s1 =	sand.u32 $0x1, s1;
	s3 =	sshll.u32 s2, $0x1;
	s2 =	simm.s32 $0x0  }
0xa: {  	s7 =	sadd.s32 $0x8C200, s0;
	s5 =	sor.u32 s1, s3;
	[smem:$0x7FF] =	sst s2  }
0xb: {  	s3 =	sadd.s32 $0x2F5200, s0;
	s1 =	ssub.s32 $0x2, s1;
	s6 =	sshll.u32 s5, $0x5  }
0xc: {  	_ =	strace $0x80000050;
	s5 =	sshll.u32 s5, $0xD;
	s25 =	sshrl.u32 s1, $0x1  }
0xd: {  	s6 =	sadd.s32 s6, s0;
	s24 =	sadd.s32 s4, s5;
	s9 =	sor.u32 $0x1000, s5  }
0xe: {  	s1 =	ssub.s32 s1, s25;
	s5 =	sadd.s32 s7, s5;
	[dreg:$0x4] =	wrdreg s24  }
0xf: {  	s25 =	simm.s32 $0x100;
	s8 =	sadd.s32 $0x8BE00, s6;
	[dreg:$0x7] =	wrdreg s5  }
0x10: {  	s4 =	sadd.s32 s4, s9;
	s26 =	sadd.s32 $0x8BA00, s6;
	[dreg:$0x3] =	wrdreg s8  }
0x11: {  	s7 =	sadd.s32 s7, s9;
	s5 =	sadd.s32 $0x2F5400, s0;
	[dreg:$0x5] =	wrdreg s4  }
0x12: {  	v2 =	vlaneseq.u32;
	s6 =	sadd.s32 $0x2F5500, s0;
	s24 =	simm.s32 $0x2100;
	[dreg:$0x6] =	wrdreg s26  }
0x13: {  	vm0 =	vmmov $0xffff;
	v1 =	vshrl.u32 v2, $0x3;
	s9 =	simm.s32 $0xA900;
	s4 =	sadd.s32 $0x2F5300, s0;
	[dreg:$0x8] =	wrdreg s7  }
0x14: {  	v0 =	vand.u32 $0x7, v2;
	v2 =	vor.u32 $0x8, v2;
	v1 =	vmul.u32 $0x8, v1;
	s7 =	smax.u32 s1, $0x1;
	s26 =	simm.s32 $0x2900;
	s1 =	simm.s32 $0x5100  }
.LBB2_1:
0x15: {  	s20 =	rddreg [dreg:$0x3];
	s0 =	simm.s32 $0x3  }
0x16: {  	[tilespmem:s2], [sflag:$0x3] =	stream.linear.gather [hbm4b:s20+s2], $0x100, $0x38;
	[tilespmem:$0x10100] =	vst v63  }
0x17: {  	_ =	swait.ge [sflag:s0], $0x100  }
0x18: {  	[sflag:s0] =	ssyncset.done $0x0  }
0x19: {  	[sflag:s0] =	ssyncadd.s32 $0xFFFFFF00  }
0x1a: {  	v3 =	vld [tilespmem:$0x0];
	_ =	sdelay $0x4  }
0x1b: {  	v4 =	vshll.u32 v3, $0x3  }
0x1c: {  	v3 =	vand.u32 $0x7, v3;
	v4 =	vand.u32 $0xFFFFFFC0, v4  }
0x1d: {  	v3 =	vor.u32 v3, v4  }
0x1e: {  	v4 =	vperm.xlane v3, v0;
	_ =	sdelay $0x1  }
0x1f: {  	v4 =	vadd.s32 v1, v4;
	_ =	sdelay $0x4  }
0x20: {  	[tilespmem:s25], [sflag:$0x1] =	stream.indirect_vreg.gather [hbm4b:s3+s2], $0x80, v4, vm0, $0xb8;
	[tilespmem:$0x10100] =	vst v63  }
0x21: {  	v3 =	vperm.xlane v3, v2  }
0x22: {  	[tilespmem:s21], [sflag:$0x1] =	stream.indirect_vreg.gather [hbm4b:s4+s2], $0x80, v4, vm0, $0xb8;
	[tilespmem:$0x10100] =	vst v63  }
0x23: {  	v3 =	vadd.s32 v1, v3  }
0x24: {  	[tilespmem:s22], [sflag:$0x1] =	stream.indirect_vreg.gather [hbm4b:s5+s2], $0x80, v4, vm0, $0xb8;
	[tilespmem:$0x10100] =	vst v63  }
0x25: {  	_ = 	snop  }
0x26: {  	[tilespmem:s23], [sflag:$0x1] =	stream.indirect_vreg.gather [hbm4b:s6+s2], $0x80, v4, vm0, $0xb8;
	[tilespmem:$0x10100] =	vst v63  }
0x27: {  	_ = 	snop  }
0x28: {  	[tilespmem:s24], [sflag:$0x1] =	stream.indirect_vreg.gather [hbm4b:s3+s2], $0x80, v3, vm0, $0xb8;
	[tilespmem:$0x10100] =	vst v63  }
0x29: {  	_ = 	snop  }
0x2a: {  	[tilespmem:s26], [sflag:$0x1] =	stream.indirect_vreg.gather [hbm4b:s4+s2], $0x80, v3, vm0, $0xb8;
	[tilespmem:$0x10100] =	vst v63  }
0x2b: {  	_ = 	snop  }
0x2c: {  	[tilespmem:s28], [sflag:$0x1] =	stream.indirect_vreg.gather [hbm4b:s5+s2], $0x80, v3, vm0, $0xb8;
	[tilespmem:$0x10100] =	vst v63  }
0x2d: {  	_ = 	snop  }
0x2e: {  	[tilespmem:s29], [sflag:$0x1] =	stream.indirect_vreg.gather [hbm4b:s6+s2], $0x80, v3, vm0, $0xb8;
	[tilespmem:$0x10100] =	vst v63  }
0x2f: {  	v3 =	vld [tilespmem:$0x10];
	_ =	sdelay $0x4  }
0x30: {  	v57 =	vshll.u32 v3, $0x3  }
0x31: {  	v3 =	vand.u32 $0x7, v3;
	v4 =	vand.u32 $0xFFFFFFC0, v57  }
0x32: {  	v3 =	vor.u32 v3, v4  }
0x33: {  	v4 =	vperm.xlane v3, v0;
	_ =	sdelay $0x1  }
0x34: {  	v4 =	vadd.s32 v1, v4;
	_ =	sdelay $0x4  }
0x35: {  	[tilespmem:s30], [sflag:$0x1] =	stream.indirect_vreg.gather [hbm4b:s3+s2], $0x80, v4, vm0, $0xb8;
	[tilespmem:$0x10100] =	vst v63  }
0x36: {  	v3 =	vperm.xlane v3, v2  }
0x37: {  	[tilespmem:s31], [sflag:$0x1] =	stream.indirect_vreg.gather [hbm4b:s4+s2], $0x80, v4, vm0, $0xb8;
	[tilespmem:$0x10100] =	vst v63  }
0x38: {  	v3 =	vadd.s32 v1, v3  }
0x39: {  	[tilespmem:s1], [sflag:$0x1] =	stream.indirect_vreg.gather [hbm4b:s5+s2], $0x80, v4, vm0, $0xb8;
	[tilespmem:$0x10100] =	vst v63  }
0x3a: {  	s8 =	simm.s32 $0x5900  }
0x3b: {  	[tilespmem:s8], [sflag:$0x1] =	stream.indirect_vreg.gather [hbm4b:s6+s2], $0x80, v4, vm0, $0xb8;
	[tilespmem:$0x10100] =	vst v63  }
0x3c: {  	_ = 	snop  }
0x3d: {  	[tilespmem:s10], [sflag:$0x1] =	stream.indirect_vreg.gather [hbm4b:s3+s2], $0x80, v3, vm0, $0xb8;
	[tilespmem:$0x10100] =	vst v63  }
0x3e: {  	_ = 	snop  }
0x3f: {  	[tilespmem:s11], [sflag:$0x1] =	stream.indirect_vreg.gather [hbm4b:s4+s2], $0x80, v3, vm0, $0xb8;
	[tilespmem:$0x10100] =	vst v63  }
0x40: {  	_ = 	snop  }
0x41: {  	[tilespmem:s12], [sflag:$0x1] =	stream.indirect_vreg.gather [hbm4b:s5+s2], $0x80, v3, vm0, $0xb8;
	[tilespmem:$0x10100] =	vst v63  }
0x42: {  	_ = 	snop  }
0x43: {  	[tilespmem:s13], [sflag:$0x1] =	stream.indirect_vreg.gather [hbm4b:s6+s2], $0x80, v3, vm0, $0xb8;
	[tilespmem:$0x10100] =	vst v63  }
0x44: {  	v3 =	vld [tilespmem:$0x80];
	_ =	sdelay $0x4  }
0x45: {  	v58 =	vshll.u32 v3, $0x3  }
0x46: {  	v3 =	vand.u32 $0x7, v3;
	v4 =	vand.u32 $0xFFFFFFC0, v58  }
0x47: {  	v3 =	vor.u32 v3, v4  }
0x48: {  	v4 =	vperm.xlane v3, v0;
	_ =	sdelay $0x1  }
0x49: {  	v4 =	vadd.s32 v1, v4;
	_ =	sdelay $0x3  }
0x4a: {  	s8 =	simm.s32 $0x8100  }
0x4b: {  	[tilespmem:s8], [sflag:$0x1] =	stream.indirect_vreg.gather [hbm4b:s3+s2], $0x80, v4, vm0, $0xb8;
	[tilespmem:$0x10100] =	vst v63  }
0x4c: {  	v3 =	vperm.xlane v3, v2  }
0x4d: {  	[tilespmem:s14], [sflag:$0x1] =	stream.indirect_vreg.gather [hbm4b:s4+s2], $0x80, v4, vm0, $0xb8;
	[tilespmem:$0x10100] =	vst v63  }
0x4e: {  	v3 =	vadd.s32 v1, v3  }
0x4f: {  	[tilespmem:s15], [sflag:$0x1] =	stream.indirect_vreg.gather [hbm4b:s5+s2], $0x80, v4, vm0, $0xb8;
	[tilespmem:$0x10100] =	vst v63  }
0x50: {  	_ = 	snop  }
0x51: {  	[tilespmem:s16], [sflag:$0x1] =	stream.indirect_vreg.gather [hbm4b:s6+s2], $0x80, v4, vm0, $0xb8;
	[tilespmem:$0x10100] =	vst v63  }
0x52: {  	_ = 	snop  }
0x53: {  	[tilespmem:s17], [sflag:$0x1] =	stream.indirect_vreg.gather [hbm4b:s3+s2], $0x80, v3, vm0, $0xb8;
	[tilespmem:$0x10100] =	vst v63  }
0x54: {  	_ = 	snop  }
0x55: {  	[tilespmem:s9], [sflag:$0x1] =	stream.indirect_vreg.gather [hbm4b:s4+s2], $0x80, v3, vm0, $0xb8;
	[tilespmem:$0x10100] =	vst v63  }
0x56: {  	s20 =	simm.s32 $0xB100  }
0x57: {  	[tilespmem:s20], [sflag:$0x1] =	stream.indirect_vreg.gather [hbm4b:s5+s2], $0x80, v3, vm0, $0xb8;
	[tilespmem:$0x10100] =	vst v63  }
0x58: {  	s20 =	simm.s32 $0xB900  }
0x59: {  	[tilespmem:s20], [sflag:$0x1] =	stream.indirect_vreg.gather [hbm4b:s6+s2], $0x80, v3, vm0, $0xb8;
	[tilespmem:$0x10100] =	vst v63  }
0x5a: {  	v3 =	vld [tilespmem:$0x90];
	_ =	sdelay $0x4  }
0x5b: {  	v59 =	vshll.u32 v3, $0x3  }
0x5c: {  	v3 =	vand.u32 $0x7, v3;
	v4 =	vand.u32 $0xFFFFFFC0, v59  }
0x5d: {  	v3 =	vor.u32 v3, v4  }
0x5e: {  	v4 =	vperm.xlane v3, v0;
	_ =	sdelay $0x1  }
0x5f: {  	v4 =	vadd.s32 v1, v4;
	_ =	sdelay $0x3  }
0x60: {  	s20 =	simm.s32 $0xC100  }
0x61: {  	[tilespmem:s20], [sflag:$0x1] =	stream.indirect_vreg.gather [hbm4b:s3+s2], $0x80, v4, vm0, $0xb8;
	[tilespmem:$0x10100] =	vst v63  }
0x62: {  	v3 =	vperm.xlane v3, v2;
	s20 =	simm.s32 $0xC900  }
0x63: {  	[tilespmem:s20], [sflag:$0x1] =	stream.indirect_vreg.gather [hbm4b:s4+s2], $0x80, v4, vm0, $0xb8;
	[tilespmem:$0x10100] =	vst v63  }
0x64: {  	v3 =	vadd.s32 v1, v3;
	s20 =	simm.s32 $0xD100  }
0x65: {  	[tilespmem:s20], [sflag:$0x1] =	stream.indirect_vreg.gather [hbm4b:s5+s2], $0x80, v4, vm0, $0xb8;
	[tilespmem:$0x10100] =	vst v63  }
0x66: {  	s20 =	simm.s32 $0xD900  }
0x67: {  	[tilespmem:s20], [sflag:$0x1] =	stream.indirect_vreg.gather [hbm4b:s6+s2], $0x80, v4, vm0, $0xb8;
	[tilespmem:$0x10100] =	vst v63  }
0x68: {  	s20 =	simm.s32 $0xE100  }
0x69: {  	[tilespmem:s20], [sflag:$0x1] =	stream.indirect_vreg.gather [hbm4b:s3+s2], $0x80, v3, vm0, $0xb8;
	[tilespmem:$0x10100] =	vst v63  }
0x6a: {  	s20 =	simm.s32 $0xE900  }
0x6b: {  	[tilespmem:s20], [sflag:$0x1] =	stream.indirect_vreg.gather [hbm4b:s4+s2], $0x80, v3, vm0, $0xb8;
	[tilespmem:$0x10100] =	vst v63  }
0x6c: {  	s20 =	simm.s32 $0xF100  }
0x6d: {  	[tilespmem:s20], [sflag:$0x1] =	stream.indirect_vreg.gather [hbm4b:s5+s2], $0x80, v3, vm0, $0xb8;
	[tilespmem:$0x10100] =	vst v63  }
0x6e: {  	s20 =	simm.s32 $0xF900  }
0x6f: {  	[tilespmem:s20], [sflag:$0x1] =	stream.indirect_vreg.gather [hbm4b:s6+s2], $0x80, v3, vm0, $0xb8;
	[tilespmem:$0x10100] =	vst v63  }
0x70: {  	_ =	swait.ge [sflag:s18], $0x8000  }
0x71: {  	[sflag:s18] =	ssyncset.done $0x0  }
0x72: {  	s20 =	rddreg [dreg:$0x4];
	[sflag:s18] =	ssyncadd.s32 $0xFFFF8000  }
0x73: {  	[hbm4b:s20+s2] =	stream.linear.scatter [tilespmem:s25], [sflag:$0x2], $0x8000, $0x38;
	[tilespmem:$0x10100] =	vst v63  }
0x74: {  	_ =	swait.ge [sflag:s18], $0x8000  }
0x75: {  	[sflag:s18] =	ssyncset.done $0x0  }
0x76: {  	s20 =	rddreg [dreg:$0x5];
	[sflag:s18] =	ssyncadd.s32 $0xFFFF8000  }
0x77: {  	[hbm4b:s20+s2] =	stream.linear.scatter [tilespmem:s8], [sflag:$0x2], $0x8000, $0x38;
	[tilespmem:$0x10100] =	vst v63  }
0x78: {  	_ =	swait.ge [sflag:s19], $0x8000  }
0x79: {  	[sflag:s19] =	ssyncset.done $0x0  }
0x7a: {  	[sflag:s19] =	ssyncadd.s32 $0xFFFF8000  }
0x7b: {  	_ =	swait.ge [sflag:s19], $0x8000  }
0x7c: {  	[sflag:s19] =	ssyncset.done $0x0  }
0x7d: {  	s20 =	rddreg [dreg:$0x6];
	[sflag:s19] =	ssyncadd.s32 $0xFFFF8000  }
0x7e: {  	[tilespmem:s2], [sflag:$0x3] =	stream.linear.gather [hbm4b:s20+s2], $0x100, $0x38;
	[tilespmem:$0x10100] =	vst v63  }
0x7f: {  	_ =	swait.ge [sflag:s0], $0x100  }
0x80: {  	[sflag:s0] =	ssyncset.done $0x0  }
0x81: {  	[sflag:s0] =	ssyncadd.s32 $0xFFFFFF00  }
0x82: {  	v3 =	vld [tilespmem:$0x0];
	_ =	sdelay $0x4  }
0x83: {  	v60 =	vshll.u32 v3, $0x3  }
0x84: {  	v3 =	vand.u32 $0x7, v3;
	v4 =	vand.u32 $0xFFFFFFC0, v60  }
0x85: {  	v3 =	vor.u32 v3, v4  }
0x86: {  	v4 =	vperm.xlane v3, v0;
	_ =	sdelay $0x1  }
0x87: {  	v4 =	vadd.s32 v1, v4;
	_ =	sdelay $0x4  }
0x88: {  	[tilespmem:s25], [sflag:$0x1] =	stream.indirect_vreg.gather [hbm4b:s3+s2], $0x80, v4, vm0, $0xb8;
	[tilespmem:$0x10100] =	vst v63  }
0x89: {  	v3 =	vperm.xlane v3, v2  }
0x8a: {  	[tilespmem:s21], [sflag:$0x1] =	stream.indirect_vreg.gather [hbm4b:s4+s2], $0x80, v4, vm0, $0xb8;
	[tilespmem:$0x10100] =	vst v63  }
0x8b: {  	v3 =	vadd.s32 v1, v3  }
0x8c: {  	[tilespmem:s22], [sflag:$0x1] =	stream.indirect_vreg.gather [hbm4b:s5+s2], $0x80, v4, vm0, $0xb8;
	[tilespmem:$0x10100] =	vst v63  }
0x8d: {  	_ = 	snop  }
0x8e: {  	[tilespmem:s23], [sflag:$0x1] =	stream.indirect_vreg.gather [hbm4b:s6+s2], $0x80, v4, vm0, $0xb8;
	[tilespmem:$0x10100] =	vst v63  }
0x8f: {  	_ = 	snop  }
0x90: {  	[tilespmem:s24], [sflag:$0x1] =	stream.indirect_vreg.gather [hbm4b:s3+s2], $0x80, v3, vm0, $0xb8;
	[tilespmem:$0x10100] =	vst v63  }
0x91: {  	_ = 	snop  }
0x92: {  	[tilespmem:s26], [sflag:$0x1] =	stream.indirect_vreg.gather [hbm4b:s4+s2], $0x80, v3, vm0, $0xb8;
	[tilespmem:$0x10100] =	vst v63  }
0x93: {  	_ = 	snop  }
0x94: {  	[tilespmem:s28], [sflag:$0x1] =	stream.indirect_vreg.gather [hbm4b:s5+s2], $0x80, v3, vm0, $0xb8;
	[tilespmem:$0x10100] =	vst v63  }
0x95: {  	_ = 	snop  }
0x96: {  	[tilespmem:s29], [sflag:$0x1] =	stream.indirect_vreg.gather [hbm4b:s6+s2], $0x80, v3, vm0, $0xb8;
	[tilespmem:$0x10100] =	vst v63  }
0x97: {  	v3 =	vld [tilespmem:$0x10];
	_ =	sdelay $0x4  }
0x98: {  	v61 =	vshll.u32 v3, $0x3  }
0x99: {  	v3 =	vand.u32 $0x7, v3;
	v4 =	vand.u32 $0xFFFFFFC0, v61  }
0x9a: {  	v3 =	vor.u32 v3, v4  }
0x9b: {  	v4 =	vperm.xlane v3, v0;
	_ =	sdelay $0x1  }
0x9c: {  	v4 =	vadd.s32 v1, v4;
	_ =	sdelay $0x4  }
0x9d: {  	[tilespmem:s30], [sflag:$0x1] =	stream.indirect_vreg.gather [hbm4b:s3+s2], $0x80, v4, vm0, $0xb8;
	[tilespmem:$0x10100] =	vst v63  }
0x9e: {  	v3 =	vperm.xlane v3, v2  }
0x9f: {  	[tilespmem:s31], [sflag:$0x1] =	stream.indirect_vreg.gather [hbm4b:s4+s2], $0x80, v4, vm0, $0xb8;
	[tilespmem:$0x10100] =	vst v63  }
0xa0: {  	v3 =	vadd.s32 v1, v3  }
0xa1: {  	[tilespmem:s1], [sflag:$0x1] =	stream.indirect_vreg.gather [hbm4b:s5+s2], $0x80, v4, vm0, $0xb8;
	[tilespmem:$0x10100] =	vst v63  }
0xa2: {  	s20 =	simm.s32 $0x5900  }
0xa3: {  	[tilespmem:s20], [sflag:$0x1] =	stream.indirect_vreg.gather [hbm4b:s6+s2], $0x80, v4, vm0, $0xb8;
	[tilespmem:$0x10100] =	vst v63  }
0xa4: {  	_ = 	snop  }
0xa5: {  	[tilespmem:s10], [sflag:$0x1] =	stream.indirect_vreg.gather [hbm4b:s3+s2], $0x80, v3, vm0, $0xb8;
	[tilespmem:$0x10100] =	vst v63  }
0xa6: {  	_ = 	snop  }
0xa7: {  	[tilespmem:s11], [sflag:$0x1] =	stream.indirect_vreg.gather [hbm4b:s4+s2], $0x80, v3, vm0, $0xb8;
	[tilespmem:$0x10100] =	vst v63  }
0xa8: {  	_ = 	snop  }
0xa9: {  	[tilespmem:s12], [sflag:$0x1] =	stream.indirect_vreg.gather [hbm4b:s5+s2], $0x80, v3, vm0, $0xb8;
	[tilespmem:$0x10100] =	vst v63  }
0xaa: {  	_ = 	snop  }
0xab: {  	[tilespmem:s13], [sflag:$0x1] =	stream.indirect_vreg.gather [hbm4b:s6+s2], $0x80, v3, vm0, $0xb8;
	[tilespmem:$0x10100] =	vst v63  }
0xac: {  	v3 =	vld [tilespmem:$0x80];
	_ =	sdelay $0x4  }
0xad: {  	v62 =	vshll.u32 v3, $0x3  }
0xae: {  	v3 =	vand.u32 $0x7, v3;
	v4 =	vand.u32 $0xFFFFFFC0, v62  }
0xaf: {  	v3 =	vor.u32 v3, v4  }
0xb0: {  	v4 =	vperm.xlane v3, v0;
	_ =	sdelay $0x1  }
0xb1: {  	v4 =	vadd.s32 v1, v4;
	_ =	sdelay $0x4  }
0xb2: {  	[tilespmem:s8], [sflag:$0x1] =	stream.indirect_vreg.gather [hbm4b:s3+s2], $0x80, v4, vm0, $0xb8;
	[tilespmem:$0x10100] =	vst v63  }
0xb3: {  	v3 =	vperm.xlane v3, v2  }
0xb4: {  	[tilespmem:s14], [sflag:$0x1] =	stream.indirect_vreg.gather [hbm4b:s4+s2], $0x80, v4, vm0, $0xb8;
	[tilespmem:$0x10100] =	vst v63  }
0xb5: {  	v3 =	vadd.s32 v1, v3  }
0xb6: {  	[tilespmem:s15], [sflag:$0x1] =	stream.indirect_vreg.gather [hbm4b:s5+s2], $0x80, v4, vm0, $0xb8;
	[tilespmem:$0x10100] =	vst v63  }
0xb7: {  	_ = 	snop  }
0xb8: {  	[tilespmem:s16], [sflag:$0x1] =	stream.indirect_vreg.gather [hbm4b:s6+s2], $0x80, v4, vm0, $0xb8;
	[tilespmem:$0x10100] =	vst v63  }
0xb9: {  	_ = 	snop  }
0xba: {  	[tilespmem:s17], [sflag:$0x1] =	stream.indirect_vreg.gather [hbm4b:s3+s2], $0x80, v3, vm0, $0xb8;
	[tilespmem:$0x10100] =	vst v63  }
0xbb: {  	_ = 	snop  }
0xbc: {  	[tilespmem:s9], [sflag:$0x1] =	stream.indirect_vreg.gather [hbm4b:s4+s2], $0x80, v3, vm0, $0xb8;
	[tilespmem:$0x10100] =	vst v63  }
0xbd: {  	s20 =	simm.s32 $0xB100  }
0xbe: {  	[tilespmem:s20], [sflag:$0x1] =	stream.indirect_vreg.gather [hbm4b:s5+s2], $0x80, v3, vm0, $0xb8;
	[tilespmem:$0x10100] =	vst v63  }
0xbf: {  	s20 =	simm.s32 $0xB900  }
0xc0: {  	[tilespmem:s20], [sflag:$0x1] =	stream.indirect_vreg.gather [hbm4b:s6+s2], $0x80, v3, vm0, $0xb8;
	[tilespmem:$0x10100] =	vst v63  }
0xc1: {  	v3 =	vld [tilespmem:$0x90];
	_ =	sdelay $0x4  }
0xc2: {  	v63 =	vshll.u32 v3, $0x3  }
0xc3: {  	v3 =	vand.u32 $0x7, v3;
	v4 =	vand.u32 $0xFFFFFFC0, v63  }
0xc4: {  	v3 =	vor.u32 v3, v4  }
0xc5: {  	v4 =	vperm.xlane v3, v0;
	_ =	sdelay $0x1  }
0xc6: {  	v4 =	vadd.s32 v1, v4;
	_ =	sdelay $0x3  }
0xc7: {  	s20 =	simm.s32 $0xC100  }
0xc8: {  	[tilespmem:s20], [sflag:$0x1] =	stream.indirect_vreg.gather [hbm4b:s3+s2], $0x80, v4, vm0, $0xb8;
	[tilespmem:$0x10100] =	vst v63  }
0xc9: {  	v3 =	vperm.xlane v3, v2;
	s20 =	simm.s32 $0xC900  }
0xca: {  	[tilespmem:s20], [sflag:$0x1] =	stream.indirect_vreg.gather [hbm4b:s4+s2], $0x80, v4, vm0, $0xb8;
	[tilespmem:$0x10100] =	vst v63  }
0xcb: {  	v3 =	vadd.s32 v1, v3;
	s20 =	simm.s32 $0xD100  }
0xcc: {  	[tilespmem:s20], [sflag:$0x1] =	stream.indirect_vreg.gather [hbm4b:s5+s2], $0x80, v4, vm0, $0xb8;
	[tilespmem:$0x10100] =	vst v63  }
0xcd: {  	s20 =	simm.s32 $0xD900  }
0xce: {  	[tilespmem:s20], [sflag:$0x1] =	stream.indirect_vreg.gather [hbm4b:s6+s2], $0x80, v4, vm0, $0xb8;
	[tilespmem:$0x10100] =	vst v63  }
0xcf: {  	s20 =	simm.s32 $0xE100  }
0xd0: {  	[tilespmem:s20], [sflag:$0x1] =	stream.indirect_vreg.gather [hbm4b:s3+s2], $0x80, v3, vm0, $0xb8;
	[tilespmem:$0x10100] =	vst v63  }
0xd1: {  	s20 =	simm.s32 $0xE900  }
0xd2: {  	[tilespmem:s20], [sflag:$0x1] =	stream.indirect_vreg.gather [hbm4b:s4+s2], $0x80, v3, vm0, $0xb8;
	[tilespmem:$0x10100] =	vst v63  }
0xd3: {  	s20 =	simm.s32 $0xF100  }
0xd4: {  	[tilespmem:s20], [sflag:$0x1] =	stream.indirect_vreg.gather [hbm4b:s5+s2], $0x80, v3, vm0, $0xb8;
	[tilespmem:$0x10100] =	vst v63  }
0xd5: {  	s20 =	simm.s32 $0xF900  }
0xd6: {  	[tilespmem:s20], [sflag:$0x1] =	stream.indirect_vreg.gather [hbm4b:s6+s2], $0x80, v3, vm0, $0xb8;
	[tilespmem:$0x10100] =	vst v63  }
0xd7: {  	_ =	swait.ge [sflag:s18], $0x8000  }
0xd8: {  	[sflag:s18] =	ssyncset.done $0x0  }
0xd9: {  	s0 =	rddreg [dreg:$0x7];
	[sflag:s18] =	ssyncadd.s32 $0xFFFF8000  }
0xda: {  	[hbm4b:s0+s2] =	stream.linear.scatter [tilespmem:s25], [sflag:$0x2], $0x8000, $0x38;
	[tilespmem:$0x10100] =	vst v63  }
0xdb: {  	_ =	swait.ge [sflag:s18], $0x8000  }
0xdc: {  	[sflag:s18] =	ssyncset.done $0x0  }
0xdd: {  	s0 =	rddreg [dreg:$0x8];
	[sflag:s18] =	ssyncadd.s32 $0xFFFF8000  }
0xde: {  	[hbm4b:s0+s2] =	stream.linear.scatter [tilespmem:s8], [sflag:$0x2], $0x8000, $0x38;
	[tilespmem:$0x10100] =	vst v63  }
0xdf: {  	p0 =	sne.s32 s7, $0x1;
	_ =	swait.ge [sflag:s19], $0x8000  }
.Ltmp0:
0xe0: {  	[sflag:s19] =	ssyncset.done $0x0;
	(pc) =	sbr.rel @p0 .LBB2_1-.Ltmp0, $4  }
0xe1: {  	[sflag:s19] =	ssyncadd.s32 $0xFFFF8000  }
0xe2: {  	_ =	swait.ge [sflag:s19], $0x8000  }
0xe3: {  	[sflag:s19] =	ssyncset.done $0x0  }
0xe4: {  	s7 =	sadd.s32 $0xFFFFFFFF, s7;
	[sflag:s19] =	ssyncadd.s32 $0xFFFF8000  }
0xe5: {  	_ =	sfence.sel $0x180000  }
0xe6: {  	[bflag:$0x0] =	sbarrier.arrive $0xFFFF  }
0xe7: {  	_ =	strace $0x90000050  }
0xe8: {  	s0 =	stileid.u32;
	[bflag:$0x2] =	sbarrier.arrive $0xFFFF  }
0xe9: {  	p0 =	sne.s32 s0, $0x0;
	s0 =	rddreg [dreg:$0x2]  }
0xea: {  	s0 =	sadd.s32 @!p0 $0x100000, s0  }
0xeb: {  	[sflag:s0] =	ssyncadd.tile.s32 @!p0 $0x1;
	_ =	shalt  }
.Lfunc_end2:
_tile_overlayer_lowered:
.L_overlay_start_2:
0xec: {  	(tag) =	ssettag $0x2  }
0xed: {  	s0 =	rddreg [dreg:$0x0];
	s2 =	stileid.u32  }
0xee: {  	s1 =	rddreg [dreg:$0x1];
	p0 =	sne.s32 s2, $0x0  }
0xef: {  	s3 =	rddreg [dreg:$0x2];
	[bflag:$0x3] =	sbarrier.arrive $0xFFFF;
	s2 =	simm.s32 @!p0 $0x1C03  }
0xf0: {  	[timem:s3], [sflag:s2] =	dma.local @!p0 [hbm:s0], s1  }
0xf1: {  	s0 =	simm.s32 @!p0 $0x3  }
0xf2: {  	_ =	swait.ge @!p0 [sflag:s0], s1  }
0xf3: {  	s1 =	ssub.s32 @!p0 $0x0, s1;
	[sflag:s0] =	ssyncset.done @!p0 $0x0  }
0xf4: {  	[sflag:s0] =	ssyncadd.s32 @!p0 s1  }
0xf5: {  	[bflag:$0x3] =	sbarrier.arrive $0xFFFF  }
0xf6: {  	_ =	shalt  }

</sc_bundles>
